<compile_context>
chip_gen: v7x
topology: tpu7x:2x2x1
jax: 0.10.2.dev20260603
libtpu: 0.0.44.dev20260713+nightly
codegen_flags: <defaults>
</compile_context>

<pallas_src>
import functools

import jax
import jax.numpy as jnp
from jax import lax
from jax.experimental import pallas as pl
from jax.experimental.pallas import tpu as pltpu
from jax.experimental.pallas import tpu_sc as plsc

BATCH = 4096
HIST = 50
EMBED_DIM = 64
PLANE_H = 56
PLANE_W = 128
NUM_WORKERS = 32
BROWS_PER_W = BATCH // NUM_WORKERS
PER_WORKER = BROWS_PER_W * HIST
BCHUNK = 16
NUM_CHUNKS = BROWS_PER_W // BCHUNK
NBUF = 2

_mesh = plsc.VectorSubcoreMesh(core_axis_name="c", subcore_axis_name="s")


@functools.partial(
    pl.kernel,
    mesh=_mesh,
    out_type=jax.ShapeDtypeStruct((BATCH, PLANE_H, PLANE_W), jnp.float32),
    compiler_params=pltpu.CompilerParams(use_tc_tiling_on_sc=False),
    scratch_types=[
        pltpu.VMEM((PER_WORKER,), jnp.int32),
        pltpu.VMEM((NBUF, BCHUNK * HIST, EMBED_DIM), jnp.float32),
        pltpu.SemaphoreType.DMA((NBUF,)),
        pltpu.SemaphoreType.DMA((NBUF,)),
    ],
)
def _gather_kernel(table_hbm, idx_hbm, out_hbm, idx_v, stage, gsems, osems):
    wid = lax.axis_index("s") * 2 + lax.axis_index("c")
    pltpu.sync_copy(idx_hbm.at[pl.ds(wid * PER_WORKER, PER_WORKER)], idx_v)
    brow0 = wid * BROWS_PER_W

    def _wait_outs(b):
        for r in range(BCHUNK):
            pltpu.make_async_copy(
                stage.at[b, pl.ds(r * HIST, HIST)],
                out_hbm.at[brow0, pl.ds(0, HIST), pl.ds(0, EMBED_DIM)],
                osems.at[b]).wait()

    def group(g, carry):
        gh = [None] * NBUF
        for b in range(NBUF):
            j = NBUF * g + b

            @pl.when(g > 0)
            def _(b=b):
                _wait_outs(b)

            gh[b] = pltpu.async_copy(
                table_hbm.at[idx_v.at[pl.ds(j * BCHUNK * HIST, BCHUNK * HIST)]],
                stage.at[b],
                gsems.at[b])
        for b in range(NBUF):
            j = NBUF * g + b
            gh[b].wait()
            for r in range(BCHUNK):
                pltpu.async_copy(
                    stage.at[b, pl.ds(r * HIST, HIST)],
                    out_hbm.at[brow0 + j * BCHUNK + r,
                               pl.ds(0, HIST), pl.ds(0, EMBED_DIM)],
                    osems.at[b])
        return carry

    lax.fori_loop(0, NUM_CHUNKS // NBUF, group, 0, unroll=False)
    for b in range(NBUF):
        _wait_outs(b)


def kernel(x, text_embedding_vectors):
    y = _gather_kernel(text_embedding_vectors, x.reshape(-1))
    return y[:, :HIST, :EMBED_DIM]

# --- scband reference (transcript-rebuilt; emitter-appended) ---
"""Pipeline reference for scband-embedder-1486058684826 (READ-ONLY COPY).

The authoritative reference and input builder live on the scoring server;
editing this copy changes nothing except your own understanding.
"""

import jax, jax.numpy as jnp
import numpy as np

VOCAB = 100000
EMBED_DIM = 64
BATCH = 4096
HIST = 50

def setup_inputs(seed: int = 0) -> dict:
    key = jax.random.key(seed)
    k1, k2 = jax.random.split(key)
    x = jax.random.randint(k1, (BATCH, HIST), 0, VOCAB, dtype=jnp.int64 if jax.config.jax_enable_x64 else jnp.int32)
    text_embedding_vectors = jax.random.normal(k2, (VOCAB, EMBED_DIM), dtype=jnp.float32)
    return {"x": x, "text_embedding_vectors": text_embedding_vectors}

def reference(x, text_embedding_vectors):
    # nn.Embedding.from_pretrained(...).forward(x) -> table[x]
    x_vec = jnp.take(text_embedding_vectors, x, axis=0)
    return x_vec

if __name__ == "__main__":
    import jax
    _d = setup_inputs()
    print(jax.jit(kernel)(*tuple(_d.values())))

</pallas_src>

<mosaic_0001>
#map = affine_map<(d0, d1) -> (0, 0)>
#map1 = affine_map<(d0, d1) -> (0)>
#map2 = affine_map<(d0, d1) -> (0, 0, 0)>
module attributes {stable_mosaic.version = 14 : i64} {
  func.func @_gather_kernel(%arg0: i32, %arg1: i32, %arg2: memref<100000x64xf32, #tpu.memory_space<hbm>>, %arg3: memref<204800xi32, #tpu.memory_space<hbm>>, %arg4: memref<4096x56x128xf32, #tpu.memory_space<hbm>>, %arg5: memref<6400xi32, #tpu.memory_space<vmem>>, %arg6: memref<2x800x64xf32, #tpu.memory_space<vmem>>, %arg7: memref<2x!tpu.dma_semaphore, #tpu.memory_space<semaphore_mem>>, %arg8: memref<2x!tpu.dma_semaphore, #tpu.memory_space<semaphore_mem>>) attributes {dimension_semantics = [#tpu.dimension_semantics<core_parallel>, #tpu.dimension_semantics<subcore_parallel>], iteration_bounds = array<i64: 2, 16>, scalar_prefetch = 0 : i64, scratch_operands = 4 : i64, tpu.core_type = #tpu.core_type<sc_vector_subcore>, window_params = [{transform_indices = #map}, {transform_indices = #map1}, {transform_indices = #map2}]} {
    %mul3A = arith.constant 2 : i32
    %mul3A_0 = arith.muli %arg1, %mul3A : i32
    %add3A = arith.addi %mul3A_0, %arg0 : i32
    %mul3A_1 = arith.constant 6400 : i32
    %mul3A_2 = arith.muli %add3A, %mul3A_1 : i32
    "tpu.region"() ({
      %run_scoped3A = tpu.sem_alloc : memref<!tpu.dma_semaphore, #tpu.memory_space<semaphore_mem>>
      %dma_start3A = tpu.memref_slice %arg3[%mul3A_2] : memref<204800xi32, #tpu.memory_space<hbm>> -> memref<6400xi32, #tpu.memory_space<hbm>>
      %dma_start3A_649 = tpu.memref_slice %arg3[%mul3A_2] : memref<204800xi32, #tpu.memory_space<hbm>> -> memref<6400xi32, #tpu.memory_space<hbm>>
      tpu.enqueue_dma source(%dma_start3A_649 : memref<6400xi32, #tpu.memory_space<hbm>>) target(%arg5 : memref<6400xi32, #tpu.memory_space<vmem>>) target_semaphore(%run_scoped3A : memref<!tpu.dma_semaphore, #tpu.memory_space<semaphore_mem>>)
      %dma_wait3A_650 = tpu.memref_slice %arg3[%mul3A_2] : memref<204800xi32, #tpu.memory_space<hbm>> -> memref<6400xi32, #tpu.memory_space<hbm>>
      %dma_wait3A_651 = tpu.memref_slice %arg3[%mul3A_2] : memref<204800xi32, #tpu.memory_space<hbm>> -> memref<6400xi32, #tpu.memory_space<hbm>>
      tpu.wait_dma2 semaphore(%run_scoped3A : memref<!tpu.dma_semaphore, #tpu.memory_space<semaphore_mem>>) src(%dma_wait3A_651 : memref<6400xi32, #tpu.memory_space<hbm>>) dst(%arg5 : memref<6400xi32, #tpu.memory_space<vmem>>)
      tpu.yield
    }) : () -> ()
    %mul3A_3 = arith.constant 128 : i32
    %mul3A_4 = arith.muli %add3A, %mul3A_3 : i32
    %scan3A = arith.constant 0 : i32
    %scan3A_5 = arith.constant 0 : i32
    %scan3A_6 = arith.constant 4 : i32
    %scan3A_7 = arith.addi %scan3A_5, %scan3A_6 : i32
    %scan3A_8 = arith.constant 1 : i32
    scf.for %scan3A_649 = %scan3A_5 to %scan3A_7 step %scan3A_8  : i32 {
      %mul3A_650 = arith.constant 2 : i32
      %mul3A_651 = arith.muli %mul3A_650, %scan3A_649 : i32
      %add3A_652 = arith.constant 0 : i32
      %add3A_653 = arith.addi %mul3A_651, %add3A_652 : i32
      %gt3A = arith.constant 0 : i32
      %gt3A_654 = arith.cmpi sgt, %scan3A_649, %gt3A : i32
      %convert_element_type3A = arith.extui %gt3A_654 : i1 to i32
      %cond3A = arith.constant 0 : i32
      %cond3A_655 = arith.cmpi ne, %convert_element_type3A, %cond3A : i32
      scf.if %cond3A_655 {
        %dma_wait3A_1528 = arith.constant 0 : i32
        %dma_wait3A_1529 = arith.constant 0 : i32
        %dma_wait3A_1530 = arith.constant 0 : i32
        %dma_wait3A_1531 = arith.constant 0 : i32
        %dma_wait3A_1532 = tpu.memref_slice %arg6[%dma_wait3A_1528, %dma_wait3A_1530, %dma_wait3A_1531] : memref<2x800x64xf32, #tpu.memory_space<vmem>> -> memref<1x50x64xf32, #tpu.memory_space<vmem>>
        %dma_wait3A_1533 = tpu.memref_squeeze %dma_wait3A_1532 : memref<1x50x64xf32, #tpu.memory_space<vmem>> -> memref<50x64xf32, #tpu.memory_space<vmem>>
        %dma_wait3A_1534 = arith.constant 0 : i32
        %dma_wait3A_1535 = arith.constant 0 : i32
        %dma_wait3A_1536 = tpu.memref_slice %arg4[%mul3A_4, %dma_wait3A_1534, %dma_wait3A_1535] : memref<4096x56x128xf32, #tpu.memory_space<hbm>> -> memref<1x50x64xf32, #tpu.memory_space<hbm>>
        %dma_wait3A_1537 = tpu.memref_squeeze %dma_wait3A_1536 : memref<1x50x64xf32, #tpu.memory_space<hbm>> -> memref<50x64xf32, #tpu.memory_space<hbm>>
        %dma_wait3A_1538 = tpu.memref_slice %arg8[%dma_wait3A_1529] : memref<2x!tpu.dma_semaphore, #tpu.memory_space<semaphore_mem>> -> memref<1x!tpu.dma_semaphore, #tpu.memory_space<semaphore_mem>>
        %dma_wait3A_1539 = tpu.memref_squeeze %dma_wait3A_1538 : memref<1x!tpu.dma_semaphore, #tpu.memory_space<semaphore_mem>> -> memref<!tpu.dma_semaphore, #tpu.memory_space<semaphore_mem>>
        %dma_wait3A_1540 = arith.constant 0 : i32
        %dma_wait3A_1541 = arith.constant 0 : i32
        %dma_wait3A_1542 = tpu.memref_slice %arg4[%mul3A_4, %dma_wait3A_1540, %dma_wait3A_1541] : memref<4096x56x128xf32, #tpu.memory_space<hbm>> -> memref<1x50x64xf32, #tpu.memory_space<hbm>>
        %dma_wait3A_1543 = tpu.memref_squeeze %dma_wait3A_1542 : memref<1x50x64xf32, #tpu.memory_space<hbm>> -> memref<50x64xf32, #tpu.memory_space<hbm>>
        %dma_wait3A_1544 = arith.constant 0 : i32
        %dma_wait3A_1545 = arith.constant 0 : i32
        %dma_wait3A_1546 = tpu.memref_slice %arg6[%dma_wait3A_1528, %dma_wait3A_1544, %dma_wait3A_1545] : memref<2x800x64xf32, #tpu.memory_space<vmem>> -> memref<1x50x64xf32, #tpu.memory_space<vmem>>
        %dma_wait3A_1547 = tpu.memref_squeeze %dma_wait3A_1546 : memref<1x50x64xf32, #tpu.memory_space<vmem>> -> memref<50x64xf32, #tpu.memory_space<vmem>>
        tpu.wait_dma2 semaphore(%dma_wait3A_1539 : memref<!tpu.dma_semaphore, #tpu.memory_space<semaphore_mem>>) src(%dma_wait3A_1547 : memref<50x64xf32, #tpu.memory_space<vmem>>) dst(%dma_wait3A_1543 : memref<50x64xf32, #tpu.memory_space<hbm>>)
        %dma_wait3A_1548 = arith.constant 0 : i32
        %dma_wait3A_1549 = arith.constant 0 : i32
        %dma_wait3A_1550 = arith.constant 50 : i32
        %dma_wait3A_1551 = arith.constant 0 : i32
        %dma_wait3A_1552 = tpu.memref_slice %arg6[%dma_wait3A_1548, %dma_wait3A_1550, %dma_wait3A_1551] : memref<2x800x64xf32, #tpu.memory_space<vmem>> -> memref<1x50x64xf32, #tpu.memory_space<vmem>>
        %dma_wait3A_1553 = tpu.memref_squeeze %dma_wait3A_1552 : memref<1x50x64xf32, #tpu.memory_space<vmem>> -> memref<50x64xf32, #tpu.memory_space<vmem>>
        %dma_wait3A_1554 = arith.constant 0 : i32
        %dma_wait3A_1555 = arith.constant 0 : i32
        %dma_wait3A_1556 = tpu.memref_slice %arg4[%mul3A_4, %dma_wait3A_1554, %dma_wait3A_1555] : memref<4096x56x128xf32, #tpu.memory_space<hbm>> -> memref<1x50x64xf32, #tpu.memory_space<hbm>>
        %dma_wait3A_1557 = tpu.memref_squeeze %dma_wait3A_1556 : memref<1x50x64xf32, #tpu.memory_space<hbm>> -> memref<50x64xf32, #tpu.memory_space<hbm>>
        %dma_wait3A_1558 = tpu.memref_slice %arg8[%dma_wait3A_1549] : memref<2x!tpu.dma_semaphore, #tpu.memory_space<semaphore_mem>> -> memref<1x!tpu.dma_semaphore, #tpu.memory_space<semaphore_mem>>
        %dma_wait3A_1559 = tpu.memref_squeeze %dma_wait3A_1558 : memref<1x!tpu.dma_semaphore, #tpu.memory_space<semaphore_mem>> -> memref<!tpu.dma_semaphore, #tpu.memory_space<semaphore_mem>>
        %dma_wait3A_1560 = arith.constant 0 : i32
        %dma_wait3A_1561 = arith.constant 0 : i32
        %dma_wait3A_1562 = tpu.memref_slice %arg4[%mul3A_4, %dma_wait3A_1560, %dma_wait3A_1561] : memref<4096x56x128xf32, #tpu.memory_space<hbm>> -> memref<1x50x64xf32, #tpu.memory_space<hbm>>
        %dma_wait3A_1563 = tpu.memref_squeeze %dma_wait3A_1562 : memref<1x50x64xf32, #tpu.memory_space<hbm>> -> memref<50x64xf32, #tpu.memory_space<hbm>>
        %dma_wait3A_1564 = arith.constant 50 : i32
        %dma_wait3A_1565 = arith.constant 0 : i32
        %dma_wait3A_1566 = tpu.memref_slice %arg6[%dma_wait3A_1548, %dma_wait3A_1564, %dma_wait3A_1565] : memref<2x800x64xf32, #tpu.memory_space<vmem>> -> memref<1x50x64xf32, #tpu.memory_space<vmem>>
        %dma_wait3A_1567 = tpu.memref_squeeze %dma_wait3A_1566 : memref<1x50x64xf32, #tpu.memory_space<vmem>> -> memref<50x64xf32, #tpu.memory_space<vmem>>
        tpu.wait_dma2 semaphore(%dma_wait3A_1559 : memref<!tpu.dma_semaphore, #tpu.memory_space<semaphore_mem>>) src(%dma_wait3A_1567 : memref<50x64xf32, #tpu.memory_space<vmem>>) dst(%dma_wait3A_1563 : memref<50x64xf32, #tpu.memory_space<hbm>>)
        %dma_wait3A_1568 = arith.constant 0 : i32
        %dma_wait3A_1569 = arith.constant 0 : i32
        %dma_wait3A_1570 = arith.constant 100 : i32
        %dma_wait3A_1571 = arith.constant 0 : i32
        %dma_wait3A_1572 = tpu.memref_slice %arg6[%dma_wait3A_1568, %dma_wait3A_1570, %dma_wait3A_1571] : memref<2x800x64xf32, #tpu.memory_space<vmem>> -> memref<1x50x64xf32, #tpu.memory_space<vmem>>
        %dma_wait3A_1573 = tpu.memref_squeeze %dma_wait3A_1572 : memref<1x50x64xf32, #tpu.memory_space<vmem>> -> memref<50x64xf32, #tpu.memory_space<vmem>>
        %dma_wait3A_1574 = arith.constant 0 : i32
        %dma_wait3A_1575 = arith.constant 0 : i32
        %dma_wait3A_1576 = tpu.memref_slice %arg4[%mul3A_4, %dma_wait3A_1574, %dma_wait3A_1575] : memref<4096x56x128xf32, #tpu.memory_space<hbm>> -> memref<1x50x64xf32, #tpu.memory_space<hbm>>
        %dma_wait3A_1577 = tpu.memref_squeeze %dma_wait3A_1576 : memref<1x50x64xf32, #tpu.memory_space<hbm>> -> memref<50x64xf32, #tpu.memory_space<hbm>>
        %dma_wait3A_1578 = tpu.memref_slice %arg8[%dma_wait3A_1569] : memref<2x!tpu.dma_semaphore, #tpu.memory_space<semaphore_mem>> -> memref<1x!tpu.dma_semaphore, #tpu.memory_space<semaphore_mem>>
        %dma_wait3A_1579 = tpu.memref_squeeze %dma_wait3A_1578 : memref<1x!tpu.dma_semaphore, #tpu.memory_space<semaphore_mem>> -> memref<!tpu.dma_semaphore, #tpu.memory_space<semaphore_mem>>
        %dma_wait3A_1580 = arith.constant 0 : i32
        %dma_wait3A_1581 = arith.constant 0 : i32
        %dma_wait3A_1582 = tpu.memref_slice %arg4[%mul3A_4, %dma_wait3A_1580, %dma_wait3A_1581] : memref<4096x56x128xf32, #tpu.memory_space<hbm>> -> memref<1x50x64xf32, #tpu.memory_space<hbm>>
        %dma_wait3A_1583 = tpu.memref_squeeze %dma_wait3A_1582 : memref<1x50x64xf32, #tpu.memory_space<hbm>> -> memref<50x64xf32, #tpu.memory_space<hbm>>
        %dma_wait3A_1584 = arith.constant 100 : i32
        %dma_wait3A_1585 = arith.constant 0 : i32
        %dma_wait3A_1586 = tpu.memref_slice %arg6[%dma_wait3A_1568, %dma_wait3A_1584, %dma_wait3A_1585] : memref<2x800x64xf32, #tpu.memory_space<vmem>> -> memref<1x50x64xf32, #tpu.memory_space<vmem>>
        %dma_wait3A_1587 = tpu.memref_squeeze %dma_wait3A_1586 : memref<1x50x64xf32, #tpu.memory_space<vmem>> -> memref<50x64xf32, #tpu.memory_space<vmem>>
        tpu.wait_dma2 semaphore(%dma_wait3A_1579 : memref<!tpu.dma_semaphore, #tpu.memory_space<semaphore_mem>>) src(%dma_wait3A_1587 : memref<50x64xf32, #tpu.memory_space<vmem>>) dst(%dma_wait3A_1583 : memref<50x64xf32, #tpu.memory_space<hbm>>)
        %dma_wait3A_1588 = arith.constant 0 : i32
        %dma_wait3A_1589 = arith.constant 0 : i32
        %dma_wait3A_1590 = arith.constant 150 : i32
        %dma_wait3A_1591 = arith.constant 0 : i32
        %dma_wait3A_1592 = tpu.memref_slice %arg6[%dma_wait3A_1588, %dma_wait3A_1590, %dma_wait3A_1591] : memref<2x800x64xf32, #tpu.memory_space<vmem>> -> memref<1x50x64xf32, #tpu.memory_space<vmem>>
        %dma_wait3A_1593 = tpu.memref_squeeze %dma_wait3A_1592 : memref<1x50x64xf32, #tpu.memory_space<vmem>> -> memref<50x64xf32, #tpu.memory_space<vmem>>
        %dma_wait3A_1594 = arith.constant 0 : i32
        %dma_wait3A_1595 = arith.constant 0 : i32
        %dma_wait3A_1596 = tpu.memref_slice %arg4[%mul3A_4, %dma_wait3A_1594, %dma_wait3A_1595] : memref<4096x56x128xf32, #tpu.memory_space<hbm>> -> memref<1x50x64xf32, #tpu.memory_space<hbm>>
        %dma_wait3A_1597 = tpu.memref_squeeze %dma_wait3A_1596 : memref<1x50x64xf32, #tpu.memory_space<hbm>> -> memref<50x64xf32, #tpu.memory_space<hbm>>
        %dma_wait3A_1598 = tpu.memref_slice %arg8[%dma_wait3A_1589] : memref<2x!tpu.dma_semaphore, #tpu.memory_space<semaphore_mem>> -> memref<1x!tpu.dma_semaphore, #tpu.memory_space<semaphore_mem>>
        %dma_wait3A_1599 = tpu.memref_squeeze %dma_wait3A_1598 : memref<1x!tpu.dma_semaphore, #tpu.memory_space<semaphore_mem>> -> memref<!tpu.dma_semaphore, #tpu.memory_space<semaphore_mem>>
        %dma_wait3A_1600 = arith.constant 0 : i32
        %dma_wait3A_1601 = arith.constant 0 : i32
        %dma_wait3A_1602 = tpu.memref_slice %arg4[%mul3A_4, %dma_wait3A_1600, %dma_wait3A_1601] : memref<4096x56x128xf32, #tpu.memory_space<hbm>> -> memref<1x50x64xf32, #tpu.memory_space<hbm>>
        %dma_wait3A_1603 = tpu.memref_squeeze %dma_wait3A_1602 : memref<1x50x64xf32, #tpu.memory_space<hbm>> -> memref<50x64xf32, #tpu.memory_space<hbm>>
        %dma_wait3A_1604 = arith.constant 150 : i32
        %dma_wait3A_1605 = arith.constant 0 : i32
        %dma_wait3A_1606 = tpu.memref_slice %arg6[%dma_wait3A_1588, %dma_wait3A_1604, %dma_wait3A_1605] : memref<2x800x64xf32, #tpu.memory_space<vmem>> -> memref<1x50x64xf32, #tpu.memory_space<vmem>>
        %dma_wait3A_1607 = tpu.memref_squeeze %dma_wait3A_1606 : memref<1x50x64xf32, #tpu.memory_space<vmem>> -> memref<50x64xf32, #tpu.memory_space<vmem>>
        tpu.wait_dma2 semaphore(%dma_wait3A_1599 : memref<!tpu.dma_semaphore, #tpu.memory_space<semaphore_mem>>) src(%dma_wait3A_1607 : memref<50x64xf32, #tpu.memory_space<vmem>>) dst(%dma_wait3A_1603 : memref<50x64xf32, #tpu.memory_space<hbm>>)
        %dma_wait3A_1608 = arith.constant 0 : i32
        %dma_wait3A_1609 = arith.constant 0 : i32
        %dma_wait3A_1610 = arith.constant 200 : i32
        %dma_wait3A_1611 = arith.constant 0 : i32
        %dma_wait3A_1612 = tpu.memref_slice %arg6[%dma_wait3A_1608, %dma_wait3A_1610, %dma_wait3A_1611] : memref<2x800x64xf32, #tpu.memory_space<vmem>> -> memref<1x50x64xf32, #tpu.memory_space<vmem>>
        %dma_wait3A_1613 = tpu.memref_squeeze %dma_wait3A_1612 : memref<1x50x64xf32, #tpu.memory_space<vmem>> -> memref<50x64xf32, #tpu.memory_space<vmem>>
        %dma_wait3A_1614 = arith.constant 0 : i32
        %dma_wait3A_1615 = arith.constant 0 : i32
        %dma_wait3A_1616 = tpu.memref_slice %arg4[%mul3A_4, %dma_wait3A_1614, %dma_wait3A_1615] : memref<4096x56x128xf32, #tpu.memory_space<hbm>> -> memref<1x50x64xf32, #tpu.memory_space<hbm>>
        %dma_wait3A_1617 = tpu.memref_squeeze %dma_wait3A_1616 : memref<1x50x64xf32, #tpu.memory_space<hbm>> -> memref<50x64xf32, #tpu.memory_space<hbm>>
        %dma_wait3A_1618 = tpu.memref_slice %arg8[%dma_wait3A_1609] : memref<2x!tpu.dma_semaphore, #tpu.memory_space<semaphore_mem>> -> memref<1x!tpu.dma_semaphore, #tpu.memory_space<semaphore_mem>>
        %dma_wait3A_1619 = tpu.memref_squeeze %dma_wait3A_1618 : memref<1x!tpu.dma_semaphore, #tpu.memory_space<semaphore_mem>> -> memref<!tpu.dma_semaphore, #tpu.memory_space<semaphore_mem>>
        %dma_wait3A_1620 = arith.constant 0 : i32
        %dma_wait3A_1621 = arith.constant 0 : i32
        %dma_wait3A_1622 = tpu.memref_slice %arg4[%mul3A_4, %dma_wait3A_1620, %dma_wait3A_1621] : memref<4096x56x128xf32, #tpu.memory_space<hbm>> -> memref<1x50x64xf32, #tpu.memory_space<hbm>>
        %dma_wait3A_1623 = tpu.memref_squeeze %dma_wait3A_1622 : memref<1x50x64xf32, #tpu.memory_space<hbm>> -> memref<50x64xf32, #tpu.memory_space<hbm>>
        %dma_wait3A_1624 = arith.constant 200 : i32
        %dma_wait3A_1625 = arith.constant 0 : i32
        %dma_wait3A_1626 = tpu.memref_slice %arg6[%dma_wait3A_1608, %dma_wait3A_1624, %dma_wait3A_1625] : memref<2x800x64xf32, #tpu.memory_space<vmem>> -> memref<1x50x64xf32, #tpu.memory_space<vmem>>
        %dma_wait3A_1627 = tpu.memref_squeeze %dma_wait3A_1626 : memref<1x50x64xf32, #tpu.memory_space<vmem>> -> memref<50x64xf32, #tpu.memory_space<vmem>>
        tpu.wait_dma2 semaphore(%dma_wait3A_1619 : memref<!tpu.dma_semaphore, #tpu.memory_space<semaphore_mem>>) src(%dma_wait3A_1627 : memref<50x64xf32, #tpu.memory_space<vmem>>) dst(%dma_wait3A_1623 : memref<50x64xf32, #tpu.memory_space<hbm>>)
        %dma_wait3A_1628 = arith.constant 0 : i32
        %dma_wait3A_1629 = arith.constant 0 : i32
        %dma_wait3A_1630 = arith.constant 250 : i32
        %dma_wait3A_1631 = arith.constant 0 : i32
        %dma_wait3A_1632 = tpu.memref_slice %arg6[%dma_wait3A_1628, %dma_wait3A_1630, %dma_wait3A_1631] : memref<2x800x64xf32, #tpu.memory_space<vmem>> -> memref<1x50x64xf32, #tpu.memory_space<vmem>>
        %dma_wait3A_1633 = tpu.memref_squeeze %dma_wait3A_1632 : memref<1x50x64xf32, #tpu.memory_space<vmem>> -> memref<50x64xf32, #tpu.memory_space<vmem>>
        %dma_wait3A_1634 = arith.constant 0 : i32
        %dma_wait3A_1635 = arith.constant 0 : i32
        %dma_wait3A_1636 = tpu.memref_slice %arg4[%mul3A_4, %dma_wait3A_1634, %dma_wait3A_1635] : memref<4096x56x128xf32, #tpu.memory_space<hbm>> -> memref<1x50x64xf32, #tpu.memory_space<hbm>>
        %dma_wait3A_1637 = tpu.memref_squeeze %dma_wait3A_1636 : memref<1x50x64xf32, #tpu.memory_space<hbm>> -> memref<50x64xf32, #tpu.memory_space<hbm>>
        %dma_wait3A_1638 = tpu.memref_slice %arg8[%dma_wait3A_1629] : memref<2x!tpu.dma_semaphore, #tpu.memory_space<semaphore_mem>> -> memref<1x!tpu.dma_semaphore, #tpu.memory_space<semaphore_mem>>
        %dma_wait3A_1639 = tpu.memref_squeeze %dma_wait3A_1638 : memref<1x!tpu.dma_semaphore, #tpu.memory_space<semaphore_mem>> -> memref<!tpu.dma_semaphore, #tpu.memory_space<semaphore_mem>>
        %dma_wait3A_1640 = arith.constant 0 : i32
        %dma_wait3A_1641 = arith.constant 0 : i32
        %dma_wait3A_1642 = tpu.memref_slice %arg4[%mul3A_4, %dma_wait3A_1640, %dma_wait3A_1641] : memref<4096x56x128xf32, #tpu.memory_space<hbm>> -> memref<1x50x64xf32, #tpu.memory_space<hbm>>
        %dma_wait3A_1643 = tpu.memref_squeeze %dma_wait3A_1642 : memref<1x50x64xf32, #tpu.memory_space<hbm>> -> memref<50x64xf32, #tpu.memory_space<hbm>>
        %dma_wait3A_1644 = arith.constant 250 : i32
        %dma_wait3A_1645 = arith.constant 0 : i32
        %dma_wait3A_1646 = tpu.memref_slice %arg6[%dma_wait3A_1628, %dma_wait3A_1644, %dma_wait3A_1645] : memref<2x800x64xf32, #tpu.memory_space<vmem>> -> memref<1x50x64xf32, #tpu.memory_space<vmem>>
        %dma_wait3A_1647 = tpu.memref_squeeze %dma_wait3A_1646 : memref<1x50x64xf32, #tpu.memory_space<vmem>> -> memref<50x64xf32, #tpu.memory_space<vmem>>
        tpu.wait_dma2 semaphore(%dma_wait3A_1639 : memref<!tpu.dma_semaphore, #tpu.memory_space<semaphore_mem>>) src(%dma_wait3A_1647 : memref<50x64xf32, #tpu.memory_space<vmem>>) dst(%dma_wait3A_1643 : memref<50x64xf32, #tpu.memory_space<hbm>>)
        %dma_wait3A_1648 = arith.constant 0 : i32
        %dma_wait3A_1649 = arith.constant 0 : i32
        %dma_wait3A_1650 = arith.constant 300 : i32
        %dma_wait3A_1651 = arith.constant 0 : i32
        %dma_wait3A_1652 = tpu.memref_slice %arg6[%dma_wait3A_1648, %dma_wait3A_1650, %dma_wait3A_1651] : memref<2x800x64xf32, #tpu.memory_space<vmem>> -> memref<1x50x64xf32, #tpu.memory_space<vmem>>
        %dma_wait3A_1653 = tpu.memref_squeeze %dma_wait3A_1652 : memref<1x50x64xf32, #tpu.memory_space<vmem>> -> memref<50x64xf32, #tpu.memory_space<vmem>>
        %dma_wait3A_1654 = arith.constant 0 : i32
        %dma_wait3A_1655 = arith.constant 0 : i32
        %dma_wait3A_1656 = tpu.memref_slice %arg4[%mul3A_4, %dma_wait3A_1654, %dma_wait3A_1655] : memref<4096x56x128xf32, #tpu.memory_space<hbm>> -> memref<1x50x64xf32, #tpu.memory_space<hbm>>
        %dma_wait3A_1657 = tpu.memref_squeeze %dma_wait3A_1656 : memref<1x50x64xf32, #tpu.memory_space<hbm>> -> memref<50x64xf32, #tpu.memory_space<hbm>>
        %dma_wait3A_1658 = tpu.memref_slice %arg8[%dma_wait3A_1649] : memref<2x!tpu.dma_semaphore, #tpu.memory_space<semaphore_mem>> -> memref<1x!tpu.dma_semaphore, #tpu.memory_space<semaphore_mem>>
        %dma_wait3A_1659 = tpu.memref_squeeze %dma_wait3A_1658 : memref<1x!tpu.dma_semaphore, #tpu.memory_space<semaphore_mem>> -> memref<!tpu.dma_semaphore, #tpu.memory_space<semaphore_mem>>
        %dma_wait3A_1660 = arith.constant 0 : i32
        %dma_wait3A_1661 = arith.constant 0 : i32
        %dma_wait3A_1662 = tpu.memref_slice %arg4[%mul3A_4, %dma_wait3A_1660, %dma_wait3A_1661] : memref<4096x56x128xf32, #tpu.memory_space<hbm>> -> memref<1x50x64xf32, #tpu.memory_space<hbm>>
        %dma_wait3A_1663 = tpu.memref_squeeze %dma_wait3A_1662 : memref<1x50x64xf32, #tpu.memory_space<hbm>> -> memref<50x64xf32, #tpu.memory_space<hbm>>
        %dma_wait3A_1664 = arith.constant 300 : i32
        %dma_wait3A_1665 = arith.constant 0 : i32
        %dma_wait3A_1666 = tpu.memref_slice %arg6[%dma_wait3A_1648, %dma_wait3A_1664, %dma_wait3A_1665] : memref<2x800x64xf32, #tpu.memory_space<vmem>> -> memref<1x50x64xf32, #tpu.memory_space<vmem>>
        %dma_wait3A_1667 = tpu.memref_squeeze %dma_wait3A_1666 : memref<1x50x64xf32, #tpu.memory_space<vmem>> -> memref<50x64xf32, #tpu.memory_space<vmem>>
        tpu.wait_dma2 semaphore(%dma_wait3A_1659 : memref<!tpu.dma_semaphore, #tpu.memory_space<semaphore_mem>>) src(%dma_wait3A_1667 : memref<50x64xf32, #tpu.memory_space<vmem>>) dst(%dma_wait3A_1663 : memref<50x64xf32, #tpu.memory_space<hbm>>)
        %dma_wait3A_1668 = arith.constant 0 : i32
        %dma_wait3A_1669 = arith.constant 0 : i32
        %dma_wait3A_1670 = arith.constant 350 : i32
        %dma_wait3A_1671 = arith.constant 0 : i32
        %dma_wait3A_1672 = tpu.memref_slice %arg6[%dma_wait3A_1668, %dma_wait3A_1670, %dma_wait3A_1671] : memref<2x800x64xf32, #tpu.memory_space<vmem>> -> memref<1x50x64xf32, #tpu.memory_space<vmem>>
        %dma_wait3A_1673 = tpu.memref_squeeze %dma_wait3A_1672 : memref<1x50x64xf32, #tpu.memory_space<vmem>> -> memref<50x64xf32, #tpu.memory_space<vmem>>
        %dma_wait3A_1674 = arith.constant 0 : i32
        %dma_wait3A_1675 = arith.constant 0 : i32
        %dma_wait3A_1676 = tpu.memref_slice %arg4[%mul3A_4, %dma_wait3A_1674, %dma_wait3A_1675] : memref<4096x56x128xf32, #tpu.memory_space<hbm>> -> memref<1x50x64xf32, #tpu.memory_space<hbm>>
        %dma_wait3A_1677 = tpu.memref_squeeze %dma_wait3A_1676 : memref<1x50x64xf32, #tpu.memory_space<hbm>> -> memref<50x64xf32, #tpu.memory_space<hbm>>
        %dma_wait3A_1678 = tpu.memref_slice %arg8[%dma_wait3A_1669] : memref<2x!tpu.dma_semaphore, #tpu.memory_space<semaphore_mem>> -> memref<1x!tpu.dma_semaphore, #tpu.memory_space<semaphore_mem>>
        %dma_wait3A_1679 = tpu.memref_squeeze %dma_wait3A_1678 : memref<1x!tpu.dma_semaphore, #tpu.memory_space<semaphore_mem>> -> memref<!tpu.dma_semaphore, #tpu.memory_space<semaphore_mem>>
        %dma_wait3A_1680 = arith.constant 0 : i32
        %dma_wait3A_1681 = arith.constant 0 : i32
        %dma_wait3A_1682 = tpu.memref_slice %arg4[%mul3A_4, %dma_wait3A_1680, %dma_wait3A_1681] : memref<4096x56x128xf32, #tpu.memory_space<hbm>> -> memref<1x50x64xf32, #tpu.memory_space<hbm>>
        %dma_wait3A_1683 = tpu.memref_squeeze %dma_wait3A_1682 : memref<1x50x64xf32, #tpu.memory_space<hbm>> -> memref<50x64xf32, #tpu.memory_space<hbm>>
        %dma_wait3A_1684 = arith.constant 350 : i32
        %dma_wait3A_1685 = arith.constant 0 : i32
        %dma_wait3A_1686 = tpu.memref_slice %arg6[%dma_wait3A_1668, %dma_wait3A_1684, %dma_wait3A_1685] : memref<2x800x64xf32, #tpu.memory_space<vmem>> -> memref<1x50x64xf32, #tpu.memory_space<vmem>>
        %dma_wait3A_1687 = tpu.memref_squeeze %dma_wait3A_1686 : memref<1x50x64xf32, #tpu.memory_space<vmem>> -> memref<50x64xf32, #tpu.memory_space<vmem>>
        tpu.wait_dma2 semaphore(%dma_wait3A_1679 : memref<!tpu.dma_semaphore, #tpu.memory_space<semaphore_mem>>) src(%dma_wait3A_1687 : memref<50x64xf32, #tpu.memory_space<vmem>>) dst(%dma_wait3A_1683 : memref<50x64xf32, #tpu.memory_space<hbm>>)
        %dma_wait3A_1688 = arith.constant 0 : i32
        %dma_wait3A_1689 = arith.constant 0 : i32
        %dma_wait3A_1690 = arith.constant 400 : i32
        %dma_wait3A_1691 = arith.constant 0 : i32
        %dma_wait3A_1692 = tpu.memref_slice %arg6[%dma_wait3A_1688, %dma_wait3A_1690, %dma_wait3A_1691] : memref<2x800x64xf32, #tpu.memory_space<vmem>> -> memref<1x50x64xf32, #tpu.memory_space<vmem>>
        %dma_wait3A_1693 = tpu.memref_squeeze %dma_wait3A_1692 : memref<1x50x64xf32, #tpu.memory_space<vmem>> -> memref<50x64xf32, #tpu.memory_space<vmem>>
        %dma_wait3A_1694 = arith.constant 0 : i32
        %dma_wait3A_1695 = arith.constant 0 : i32
        %dma_wait3A_1696 = tpu.memref_slice %arg4[%mul3A_4, %dma_wait3A_1694, %dma_wait3A_1695] : memref<4096x56x128xf32, #tpu.memory_space<hbm>> -> memref<1x50x64xf32, #tpu.memory_space<hbm>>
        %dma_wait3A_1697 = tpu.memref_squeeze %dma_wait3A_1696 : memref<1x50x64xf32, #tpu.memory_space<hbm>> -> memref<50x64xf32, #tpu.memory_space<hbm>>
        %dma_wait3A_1698 = tpu.memref_slice %arg8[%dma_wait3A_1689] : memref<2x!tpu.dma_semaphore, #tpu.memory_space<semaphore_mem>> -> memref<1x!tpu.dma_semaphore, #tpu.memory_space<semaphore_mem>>
        %dma_wait3A_1699 = tpu.memref_squeeze %dma_wait3A_1698 : memref<1x!tpu.dma_semaphore, #tpu.memory_space<semaphore_mem>> -> memref<!tpu.dma_semaphore, #tpu.memory_space<semaphore_mem>>
        %dma_wait3A_1700 = arith.constant 0 : i32
        %dma_wait3A_1701 = arith.constant 0 : i32
        %dma_wait3A_1702 = tpu.memref_slice %arg4[%mul3A_4, %dma_wait3A_1700, %dma_wait3A_1701] : memref<4096x56x128xf32, #tpu.memory_space<hbm>> -> memref<1x50x64xf32, #tpu.memory_space<hbm>>
        %dma_wait3A_1703 = tpu.memref_squeeze %dma_wait3A_1702 : memref<1x50x64xf32, #tpu.memory_space<hbm>> -> memref<50x64xf32, #tpu.memory_space<hbm>>
        %dma_wait3A_1704 = arith.constant 400 : i32
        %dma_wait3A_1705 = arith.constant 0 : i32
        %dma_wait3A_1706 = tpu.memref_slice %arg6[%dma_wait3A_1688, %dma_wait3A_1704, %dma_wait3A_1705] : memref<2x800x64xf32, #tpu.memory_space<vmem>> -> memref<1x50x64xf32, #tpu.memory_space<vmem>>
        %dma_wait3A_1707 = tpu.memref_squeeze %dma_wait3A_1706 : memref<1x50x64xf32, #tpu.memory_space<vmem>> -> memref<50x64xf32, #tpu.memory_space<vmem>>
        tpu.wait_dma2 semaphore(%dma_wait3A_1699 : memref<!tpu.dma_semaphore, #tpu.memory_space<semaphore_mem>>) src(%dma_wait3A_1707 : memref<50x64xf32, #tpu.memory_space<vmem>>) dst(%dma_wait3A_1703 : memref<50x64xf32, #tpu.memory_space<hbm>>)
        %dma_wait3A_1708 = arith.constant 0 : i32
        %dma_wait3A_1709 = arith.constant 0 : i32
        %dma_wait3A_1710 = arith.constant 450 : i32
        %dma_wait3A_1711 = arith.constant 0 : i32
        %dma_wait3A_1712 = tpu.memref_slice %arg6[%dma_wait3A_1708, %dma_wait3A_1710, %dma_wait3A_1711] : memref<2x800x64xf32, #tpu.memory_space<vmem>> -> memref<1x50x64xf32, #tpu.memory_space<vmem>>
        %dma_wait3A_1713 = tpu.memref_squeeze %dma_wait3A_1712 : memref<1x50x64xf32, #tpu.memory_space<vmem>> -> memref<50x64xf32, #tpu.memory_space<vmem>>
        %dma_wait3A_1714 = arith.constant 0 : i32
        %dma_wait3A_1715 = arith.constant 0 : i32
        %dma_wait3A_1716 = tpu.memref_slice %arg4[%mul3A_4, %dma_wait3A_1714, %dma_wait3A_1715] : memref<4096x56x128xf32, #tpu.memory_space<hbm>> -> memref<1x50x64xf32, #tpu.memory_space<hbm>>
        %dma_wait3A_1717 = tpu.memref_squeeze %dma_wait3A_1716 : memref<1x50x64xf32, #tpu.memory_space<hbm>> -> memref<50x64xf32, #tpu.memory_space<hbm>>
        %dma_wait3A_1718 = tpu.memref_slice %arg8[%dma_wait3A_1709] : memref<2x!tpu.dma_semaphore, #tpu.memory_space<semaphore_mem>> -> memref<1x!tpu.dma_semaphore, #tpu.memory_space<semaphore_mem>>
        %dma_wait3A_1719 = tpu.memref_squeeze %dma_wait3A_1718 : memref<1x!tpu.dma_semaphore, #tpu.memory_space<semaphore_mem>> -> memref<!tpu.dma_semaphore, #tpu.memory_space<semaphore_mem>>
        %dma_wait3A_1720 = arith.constant 0 : i32
        %dma_wait3A_1721 = arith.constant 0 : i32
        %dma_wait3A_1722 = tpu.memref_slice %arg4[%mul3A_4, %dma_wait3A_1720, %dma_wait3A_1721] : memref<4096x56x128xf32, #tpu.memory_space<hbm>> -> memref<1x50x64xf32, #tpu.memory_space<hbm>>
        %dma_wait3A_1723 = tpu.memref_squeeze %dma_wait3A_1722 : memref<1x50x64xf32, #tpu.memory_space<hbm>> -> memref<50x64xf32, #tpu.memory_space<hbm>>
        %dma_wait3A_1724 = arith.constant 450 : i32
        %dma_wait3A_1725 = arith.constant 0 : i32
        %dma_wait3A_1726 = tpu.memref_slice %arg6[%dma_wait3A_1708, %dma_wait3A_1724, %dma_wait3A_1725] : memref<2x800x64xf32, #tpu.memory_space<vmem>> -> memref<1x50x64xf32, #tpu.memory_space<vmem>>
        %dma_wait3A_1727 = tpu.memref_squeeze %dma_wait3A_1726 : memref<1x50x64xf32, #tpu.memory_space<vmem>> -> memref<50x64xf32, #tpu.memory_space<vmem>>
        tpu.wait_dma2 semaphore(%dma_wait3A_1719 : memref<!tpu.dma_semaphore, #tpu.memory_space<semaphore_mem>>) src(%dma_wait3A_1727 : memref<50x64xf32, #tpu.memory_space<vmem>>) dst(%dma_wait3A_1723 : memref<50x64xf32, #tpu.memory_space<hbm>>)
        %dma_wait3A_1728 = arith.constant 0 : i32
        %dma_wait3A_1729 = arith.constant 0 : i32
        %dma_wait3A_1730 = arith.constant 500 : i32
        %dma_wait3A_1731 = arith.constant 0 : i32
        %dma_wait3A_1732 = tpu.memref_slice %arg6[%dma_wait3A_1728, %dma_wait3A_1730, %dma_wait3A_1731] : memref<2x800x64xf32, #tpu.memory_space<vmem>> -> memref<1x50x64xf32, #tpu.memory_space<vmem>>
        %dma_wait3A_1733 = tpu.memref_squeeze %dma_wait3A_1732 : memref<1x50x64xf32, #tpu.memory_space<vmem>> -> memref<50x64xf32, #tpu.memory_space<vmem>>
        %dma_wait3A_1734 = arith.constant 0 : i32
        %dma_wait3A_1735 = arith.constant 0 : i32
        %dma_wait3A_1736 = tpu.memref_slice %arg4[%mul3A_4, %dma_wait3A_1734, %dma_wait3A_1735] : memref<4096x56x128xf32, #tpu.memory_space<hbm>> -> memref<1x50x64xf32, #tpu.memory_space<hbm>>
        %dma_wait3A_1737 = tpu.memref_squeeze %dma_wait3A_1736 : memref<1x50x64xf32, #tpu.memory_space<hbm>> -> memref<50x64xf32, #tpu.memory_space<hbm>>
        %dma_wait3A_1738 = tpu.memref_slice %arg8[%dma_wait3A_1729] : memref<2x!tpu.dma_semaphore, #tpu.memory_space<semaphore_mem>> -> memref<1x!tpu.dma_semaphore, #tpu.memory_space<semaphore_mem>>
        %dma_wait3A_1739 = tpu.memref_squeeze %dma_wait3A_1738 : memref<1x!tpu.dma_semaphore, #tpu.memory_space<semaphore_mem>> -> memref<!tpu.dma_semaphore, #tpu.memory_space<semaphore_mem>>
        %dma_wait3A_1740 = arith.constant 0 : i32
        %dma_wait3A_1741 = arith.constant 0 : i32
        %dma_wait3A_1742 = tpu.memref_slice %arg4[%mul3A_4, %dma_wait3A_1740, %dma_wait3A_1741] : memref<4096x56x128xf32, #tpu.memory_space<hbm>> -> memref<1x50x64xf32, #tpu.memory_space<hbm>>
        %dma_wait3A_1743 = tpu.memref_squeeze %dma_wait3A_1742 : memref<1x50x64xf32, #tpu.memory_space<hbm>> -> memref<50x64xf32, #tpu.memory_space<hbm>>
        %dma_wait3A_1744 = arith.constant 500 : i32
        %dma_wait3A_1745 = arith.constant 0 : i32
        %dma_wait3A_1746 = tpu.memref_slice %arg6[%dma_wait3A_1728, %dma_wait3A_1744, %dma_wait3A_1745] : memref<2x800x64xf32, #tpu.memory_space<vmem>> -> memref<1x50x64xf32, #tpu.memory_space<vmem>>
        %dma_wait3A_1747 = tpu.memref_squeeze %dma_wait3A_1746 : memref<1x50x64xf32, #tpu.memory_space<vmem>> -> memref<50x64xf32, #tpu.memory_space<vmem>>
        tpu.wait_dma2 semaphore(%dma_wait3A_1739 : memref<!tpu.dma_semaphore, #tpu.memory_space<semaphore_mem>>) src(%dma_wait3A_1747 : memref<50x64xf32, #tpu.memory_space<vmem>>) dst(%dma_wait3A_1743 : memref<50x64xf32, #tpu.memory_space<hbm>>)
        %dma_wait3A_1748 = arith.constant 0 : i32
        %dma_wait3A_1749 = arith.constant 0 : i32
        %dma_wait3A_1750 = arith.constant 550 : i32
        %dma_wait3A_1751 = arith.constant 0 : i32
        %dma_wait3A_1752 = tpu.memref_slice %arg6[%dma_wait3A_1748, %dma_wait3A_1750, %dma_wait3A_1751] : memref<2x800x64xf32, #tpu.memory_space<vmem>> -> memref<1x50x64xf32, #tpu.memory_space<vmem>>
        %dma_wait3A_1753 = tpu.memref_squeeze %dma_wait3A_1752 : memref<1x50x64xf32, #tpu.memory_space<vmem>> -> memref<50x64xf32, #tpu.memory_space<vmem>>
        %dma_wait3A_1754 = arith.constant 0 : i32
        %dma_wait3A_1755 = arith.constant 0 : i32
        %dma_wait3A_1756 = tpu.memref_slice %arg4[%mul3A_4, %dma_wait3A_1754, %dma_wait3A_1755] : memref<4096x56x128xf32, #tpu.memory_space<hbm>> -> memref<1x50x64xf32, #tpu.memory_space<hbm>>
        %dma_wait3A_1757 = tpu.memref_squeeze %dma_wait3A_1756 : memref<1x50x64xf32, #tpu.memory_space<hbm>> -> memref<50x64xf32, #tpu.memory_space<hbm>>
        %dma_wait3A_1758 = tpu.memref_slice %arg8[%dma_wait3A_1749] : memref<2x!tpu.dma_semaphore, #tpu.memory_space<semaphore_mem>> -> memref<1x!tpu.dma_semaphore, #tpu.memory_space<semaphore_mem>>
        %dma_wait3A_1759 = tpu.memref_squeeze %dma_wait3A_1758 : memref<1x!tpu.dma_semaphore, #tpu.memory_space<semaphore_mem>> -> memref<!tpu.dma_semaphore, #tpu.memory_space<semaphore_mem>>
        %dma_wait3A_1760 = arith.constant 0 : i32
        %dma_wait3A_1761 = arith.constant 0 : i32
        %dma_wait3A_1762 = tpu.memref_slice %arg4[%mul3A_4, %dma_wait3A_1760, %dma_wait3A_1761] : memref<4096x56x128xf32, #tpu.memory_space<hbm>> -> memref<1x50x64xf32, #tpu.memory_space<hbm>>
        %dma_wait3A_1763 = tpu.memref_squeeze %dma_wait3A_1762 : memref<1x50x64xf32, #tpu.memory_space<hbm>> -> memref<50x64xf32, #tpu.memory_space<hbm>>
        %dma_wait3A_1764 = arith.constant 550 : i32
        %dma_wait3A_1765 = arith.constant 0 : i32
        %dma_wait3A_1766 = tpu.memref_slice %arg6[%dma_wait3A_1748, %dma_wait3A_1764, %dma_wait3A_1765] : memref<2x800x64xf32, #tpu.memory_space<vmem>> -> memref<1x50x64xf32, #tpu.memory_space<vmem>>
        %dma_wait3A_1767 = tpu.memref_squeeze %dma_wait3A_1766 : memref<1x50x64xf32, #tpu.memory_space<vmem>> -> memref<50x64xf32, #tpu.memory_space<vmem>>
        tpu.wait_dma2 semaphore(%dma_wait3A_1759 : memref<!tpu.dma_semaphore, #tpu.memory_space<semaphore_mem>>) src(%dma_wait3A_1767 : memref<50x64xf32, #tpu.memory_space<vmem>>) dst(%dma_wait3A_1763 : memref<50x64xf32, #tpu.memory_space<hbm>>)
        %dma_wait3A_1768 = arith.constant 0 : i32
        %dma_wait3A_1769 = arith.constant 0 : i32
        %dma_wait3A_1770 = arith.constant 600 : i32
        %dma_wait3A_1771 = arith.constant 0 : i32
        %dma_wait3A_1772 = tpu.memref_slice %arg6[%dma_wait3A_1768, %dma_wait3A_1770, %dma_wait3A_1771] : memref<2x800x64xf32, #tpu.memory_space<vmem>> -> memref<1x50x64xf32, #tpu.memory_space<vmem>>
        %dma_wait3A_1773 = tpu.memref_squeeze %dma_wait3A_1772 : memref<1x50x64xf32, #tpu.memory_space<vmem>> -> memref<50x64xf32, #tpu.memory_space<vmem>>
        %dma_wait3A_1774 = arith.constant 0 : i32
        %dma_wait3A_1775 = arith.constant 0 : i32
        %dma_wait3A_1776 = tpu.memref_slice %arg4[%mul3A_4, %dma_wait3A_1774, %dma_wait3A_1775] : memref<4096x56x128xf32, #tpu.memory_space<hbm>> -> memref<1x50x64xf32, #tpu.memory_space<hbm>>
        %dma_wait3A_1777 = tpu.memref_squeeze %dma_wait3A_1776 : memref<1x50x64xf32, #tpu.memory_space<hbm>> -> memref<50x64xf32, #tpu.memory_space<hbm>>
        %dma_wait3A_1778 = tpu.memref_slice %arg8[%dma_wait3A_1769] : memref<2x!tpu.dma_semaphore, #tpu.memory_space<semaphore_mem>> -> memref<1x!tpu.dma_semaphore, #tpu.memory_space<semaphore_mem>>
        %dma_wait3A_1779 = tpu.memref_squeeze %dma_wait3A_1778 : memref<1x!tpu.dma_semaphore, #tpu.memory_space<semaphore_mem>> -> memref<!tpu.dma_semaphore, #tpu.memory_space<semaphore_mem>>
        %dma_wait3A_1780 = arith.constant 0 : i32
        %dma_wait3A_1781 = arith.constant 0 : i32
        %dma_wait3A_1782 = tpu.memref_slice %arg4[%mul3A_4, %dma_wait3A_1780, %dma_wait3A_1781] : memref<4096x56x128xf32, #tpu.memory_space<hbm>> -> memref<1x50x64xf32, #tpu.memory_space<hbm>>
        %dma_wait3A_1783 = tpu.memref_squeeze %dma_wait3A_1782 : memref<1x50x64xf32, #tpu.memory_space<hbm>> -> memref<50x64xf32, #tpu.memory_space<hbm>>
        %dma_wait3A_1784 = arith.constant 600 : i32
        %dma_wait3A_1785 = arith.constant 0 : i32
        %dma_wait3A_1786 = tpu.memref_slice %arg6[%dma_wait3A_1768, %dma_wait3A_1784, %dma_wait3A_1785] : memref<2x800x64xf32, #tpu.memory_space<vmem>> -> memref<1x50x64xf32, #tpu.memory_space<vmem>>
        %dma_wait3A_1787 = tpu.memref_squeeze %dma_wait3A_1786 : memref<1x50x64xf32, #tpu.memory_space<vmem>> -> memref<50x64xf32, #tpu.memory_space<vmem>>
        tpu.wait_dma2 semaphore(%dma_wait3A_1779 : memref<!tpu.dma_semaphore, #tpu.memory_space<semaphore_mem>>) src(%dma_wait3A_1787 : memref<50x64xf32, #tpu.memory_space<vmem>>) dst(%dma_wait3A_1783 : memref<50x64xf32, #tpu.memory_space<hbm>>)
        %dma_wait3A_1788 = arith.constant 0 : i32
        %dma_wait3A_1789 = arith.constant 0 : i32
        %dma_wait3A_1790 = arith.constant 650 : i32
        %dma_wait3A_1791 = arith.constant 0 : i32
        %dma_wait3A_1792 = tpu.memref_slice %arg6[%dma_wait3A_1788, %dma_wait3A_1790, %dma_wait3A_1791] : memref<2x800x64xf32, #tpu.memory_space<vmem>> -> memref<1x50x64xf32, #tpu.memory_space<vmem>>
        %dma_wait3A_1793 = tpu.memref_squeeze %dma_wait3A_1792 : memref<1x50x64xf32, #tpu.memory_space<vmem>> -> memref<50x64xf32, #tpu.memory_space<vmem>>
        %dma_wait3A_1794 = arith.constant 0 : i32
        %dma_wait3A_1795 = arith.constant 0 : i32
        %dma_wait3A_1796 = tpu.memref_slice %arg4[%mul3A_4, %dma_wait3A_1794, %dma_wait3A_1795] : memref<4096x56x128xf32, #tpu.memory_space<hbm>> -> memref<1x50x64xf32, #tpu.memory_space<hbm>>
        %dma_wait3A_1797 = tpu.memref_squeeze %dma_wait3A_1796 : memref<1x50x64xf32, #tpu.memory_space<hbm>> -> memref<50x64xf32, #tpu.memory_space<hbm>>
        %dma_wait3A_1798 = tpu.memref_slice %arg8[%dma_wait3A_1789] : memref<2x!tpu.dma_semaphore, #tpu.memory_space<semaphore_mem>> -> memref<1x!tpu.dma_semaphore, #tpu.memory_space<semaphore_mem>>
        %dma_wait3A_1799 = tpu.memref_squeeze %dma_wait3A_1798 : memref<1x!tpu.dma_semaphore, #tpu.memory_space<semaphore_mem>> -> memref<!tpu.dma_semaphore, #tpu.memory_space<semaphore_mem>>
        %dma_wait3A_1800 = arith.constant 0 : i32
        %dma_wait3A_1801 = arith.constant 0 : i32
        %dma_wait3A_1802 = tpu.memref_slice %arg4[%mul3A_4, %dma_wait3A_1800, %dma_wait3A_1801] : memref<4096x56x128xf32, #tpu.memory_space<hbm>> -> memref<1x50x64xf32, #tpu.memory_space<hbm>>
        %dma_wait3A_1803 = tpu.memref_squeeze %dma_wait3A_1802 : memref<1x50x64xf32, #tpu.memory_space<hbm>> -> memref<50x64xf32, #tpu.memory_space<hbm>>
        %dma_wait3A_1804 = arith.constant 650 : i32
        %dma_wait3A_1805 = arith.constant 0 : i32
        %dma_wait3A_1806 = tpu.memref_slice %arg6[%dma_wait3A_1788, %dma_wait3A_1804, %dma_wait3A_1805] : memref<2x800x64xf32, #tpu.memory_space<vmem>> -> memref<1x50x64xf32, #tpu.memory_space<vmem>>
        %dma_wait3A_1807 = tpu.memref_squeeze %dma_wait3A_1806 : memref<1x50x64xf32, #tpu.memory_space<vmem>> -> memref<50x64xf32, #tpu.memory_space<vmem>>
        tpu.wait_dma2 semaphore(%dma_wait3A_1799 : memref<!tpu.dma_semaphore, #tpu.memory_space<semaphore_mem>>) src(%dma_wait3A_1807 : memref<50x64xf32, #tpu.memory_space<vmem>>) dst(%dma_wait3A_1803 : memref<50x64xf32, #tpu.memory_space<hbm>>)
        %dma_wait3A_1808 = arith.constant 0 : i32
        %dma_wait3A_1809 = arith.constant 0 : i32
        %dma_wait3A_1810 = arith.constant 700 : i32
        %dma_wait3A_1811 = arith.constant 0 : i32
        %dma_wait3A_1812 = tpu.memref_slice %arg6[%dma_wait3A_1808, %dma_wait3A_1810, %dma_wait3A_1811] : memref<2x800x64xf32, #tpu.memory_space<vmem>> -> memref<1x50x64xf32, #tpu.memory_space<vmem>>
        %dma_wait3A_1813 = tpu.memref_squeeze %dma_wait3A_1812 : memref<1x50x64xf32, #tpu.memory_space<vmem>> -> memref<50x64xf32, #tpu.memory_space<vmem>>
        %dma_wait3A_1814 = arith.constant 0 : i32
        %dma_wait3A_1815 = arith.constant 0 : i32
        %dma_wait3A_1816 = tpu.memref_slice %arg4[%mul3A_4, %dma_wait3A_1814, %dma_wait3A_1815] : memref<4096x56x128xf32, #tpu.memory_space<hbm>> -> memref<1x50x64xf32, #tpu.memory_space<hbm>>
        %dma_wait3A_1817 = tpu.memref_squeeze %dma_wait3A_1816 : memref<1x50x64xf32, #tpu.memory_space<hbm>> -> memref<50x64xf32, #tpu.memory_space<hbm>>
        %dma_wait3A_1818 = tpu.memref_slice %arg8[%dma_wait3A_1809] : memref<2x!tpu.dma_semaphore, #tpu.memory_space<semaphore_mem>> -> memref<1x!tpu.dma_semaphore, #tpu.memory_space<semaphore_mem>>
        %dma_wait3A_1819 = tpu.memref_squeeze %dma_wait3A_1818 : memref<1x!tpu.dma_semaphore, #tpu.memory_space<semaphore_mem>> -> memref<!tpu.dma_semaphore, #tpu.memory_space<semaphore_mem>>
        %dma_wait3A_1820 = arith.constant 0 : i32
        %dma_wait3A_1821 = arith.constant 0 : i32
        %dma_wait3A_1822 = tpu.memref_slice %arg4[%mul3A_4, %dma_wait3A_1820, %dma_wait3A_1821] : memref<4096x56x128xf32, #tpu.memory_space<hbm>> -> memref<1x50x64xf32, #tpu.memory_space<hbm>>
        %dma_wait3A_1823 = tpu.memref_squeeze %dma_wait3A_1822 : memref<1x50x64xf32, #tpu.memory_space<hbm>> -> memref<50x64xf32, #tpu.memory_space<hbm>>
        %dma_wait3A_1824 = arith.constant 700 : i32
        %dma_wait3A_1825 = arith.constant 0 : i32
        %dma_wait3A_1826 = tpu.memref_slice %arg6[%dma_wait3A_1808, %dma_wait3A_1824, %dma_wait3A_1825] : memref<2x800x64xf32, #tpu.memory_space<vmem>> -> memref<1x50x64xf32, #tpu.memory_space<vmem>>
        %dma_wait3A_1827 = tpu.memref_squeeze %dma_wait3A_1826 : memref<1x50x64xf32, #tpu.memory_space<vmem>> -> memref<50x64xf32, #tpu.memory_space<vmem>>
        tpu.wait_dma2 semaphore(%dma_wait3A_1819 : memref<!tpu.dma_semaphore, #tpu.memory_space<semaphore_mem>>) src(%dma_wait3A_1827 : memref<50x64xf32, #tpu.memory_space<vmem>>) dst(%dma_wait3A_1823 : memref<50x64xf32, #tpu.memory_space<hbm>>)
        %dma_wait3A_1828 = arith.constant 0 : i32
        %dma_wait3A_1829 = arith.constant 0 : i32
        %dma_wait3A_1830 = arith.constant 750 : i32
        %dma_wait3A_1831 = arith.constant 0 : i32
        %dma_wait3A_1832 = tpu.memref_slice %arg6[%dma_wait3A_1828, %dma_wait3A_1830, %dma_wait3A_1831] : memref<2x800x64xf32, #tpu.memory_space<vmem>> -> memref<1x50x64xf32, #tpu.memory_space<vmem>>
        %dma_wait3A_1833 = tpu.memref_squeeze %dma_wait3A_1832 : memref<1x50x64xf32, #tpu.memory_space<vmem>> -> memref<50x64xf32, #tpu.memory_space<vmem>>
        %dma_wait3A_1834 = arith.constant 0 : i32
        %dma_wait3A_1835 = arith.constant 0 : i32
        %dma_wait3A_1836 = tpu.memref_slice %arg4[%mul3A_4, %dma_wait3A_1834, %dma_wait3A_1835] : memref<4096x56x128xf32, #tpu.memory_space<hbm>> -> memref<1x50x64xf32, #tpu.memory_space<hbm>>
        %dma_wait3A_1837 = tpu.memref_squeeze %dma_wait3A_1836 : memref<1x50x64xf32, #tpu.memory_space<hbm>> -> memref<50x64xf32, #tpu.memory_space<hbm>>
        %dma_wait3A_1838 = tpu.memref_slice %arg8[%dma_wait3A_1829] : memref<2x!tpu.dma_semaphore, #tpu.memory_space<semaphore_mem>> -> memref<1x!tpu.dma_semaphore, #tpu.memory_space<semaphore_mem>>
        %dma_wait3A_1839 = tpu.memref_squeeze %dma_wait3A_1838 : memref<1x!tpu.dma_semaphore, #tpu.memory_space<semaphore_mem>> -> memref<!tpu.dma_semaphore, #tpu.memory_space<semaphore_mem>>
        %dma_wait3A_1840 = arith.constant 0 : i32
        %dma_wait3A_1841 = arith.constant 0 : i32
        %dma_wait3A_1842 = tpu.memref_slice %arg4[%mul3A_4, %dma_wait3A_1840, %dma_wait3A_1841] : memref<4096x56x128xf32, #tpu.memory_space<hbm>> -> memref<1x50x64xf32, #tpu.memory_space<hbm>>
        %dma_wait3A_1843 = tpu.memref_squeeze %dma_wait3A_1842 : memref<1x50x64xf32, #tpu.memory_space<hbm>> -> memref<50x64xf32, #tpu.memory_space<hbm>>
        %dma_wait3A_1844 = arith.constant 750 : i32
        %dma_wait3A_1845 = arith.constant 0 : i32
        %dma_wait3A_1846 = tpu.memref_slice %arg6[%dma_wait3A_1828, %dma_wait3A_1844, %dma_wait3A_1845] : memref<2x800x64xf32, #tpu.memory_space<vmem>> -> memref<1x50x64xf32, #tpu.memory_space<vmem>>
        %dma_wait3A_1847 = tpu.memref_squeeze %dma_wait3A_1846 : memref<1x50x64xf32, #tpu.memory_space<vmem>> -> memref<50x64xf32, #tpu.memory_space<vmem>>
        tpu.wait_dma2 semaphore(%dma_wait3A_1839 : memref<!tpu.dma_semaphore, #tpu.memory_space<semaphore_mem>>) src(%dma_wait3A_1847 : memref<50x64xf32, #tpu.memory_space<vmem>>) dst(%dma_wait3A_1843 : memref<50x64xf32, #tpu.memory_space<hbm>>)
      } else {
      }
      %mul3A_656 = arith.constant 16 : i32
      %mul3A_657 = arith.muli %add3A_653, %mul3A_656 : i32
      %mul3A_658 = arith.constant 50 : i32
      %mul3A_659 = arith.muli %mul3A_657, %mul3A_658 : i32
      %dma_start3A = arith.constant 0 : i32
      %dma_start3A_660 = arith.constant 0 : i32
      %dma_start3A_661 = arith.constant 0 : i32
      %dma_start3A_662 = arith.constant 0 : i32
      %dma_start3A_663 = tpu.memref_slice %arg6[%dma_start3A, %dma_start3A_661, %dma_start3A_662] : memref<2x800x64xf32, #tpu.memory_space<vmem>> -> memref<1x800x64xf32, #tpu.memory_space<vmem>>
      %dma_start3A_664 = tpu.memref_squeeze %dma_start3A_663 : memref<1x800x64xf32, #tpu.memory_space<vmem>> -> memref<800x64xf32, #tpu.memory_space<vmem>>
      %dma_start3A_665 = tpu.memref_slice %arg5[%mul3A_659] : memref<6400xi32, #tpu.memory_space<vmem>> -> memref<800xi32, #tpu.memory_space<vmem>>
      %dma_start3A_666 = arith.constant 0 : i32
      %dma_start3A_667 = arith.constant 0 : i32
      %dma_start3A_668 = tpu.memref_slice %arg2[%dma_start3A_666, %dma_start3A_667] : memref<100000x64xf32, #tpu.memory_space<hbm>> -> memref<100000x64xf32, #tpu.memory_space<hbm>>
      %dma_start3A_669 = tpu.memref_slice %arg7[%dma_start3A_660] : memref<2x!tpu.dma_semaphore, #tpu.memory_space<semaphore_mem>> -> memref<1x!tpu.dma_semaphore, #tpu.memory_space<semaphore_mem>>
      %dma_start3A_670 = tpu.memref_squeeze %dma_start3A_669 : memref<1x!tpu.dma_semaphore, #tpu.memory_space<semaphore_mem>> -> memref<!tpu.dma_semaphore, #tpu.memory_space<semaphore_mem>>
      tpu.enqueue_indirect_dma source(%dma_start3A_668 : memref<100000x64xf32, #tpu.memory_space<hbm>>) target(%dma_start3A_664 : memref<800x64xf32, #tpu.memory_space<vmem>>) offsets(%dma_start3A_665 : memref<800xi32, #tpu.memory_space<vmem>>) semaphore(%dma_start3A_670 : memref<!tpu.dma_semaphore, #tpu.memory_space<semaphore_mem>>)
      %mul3A_671 = arith.constant 2 : i32
      %mul3A_672 = arith.muli %mul3A_671, %scan3A_649 : i32
      %add3A_673 = arith.constant 1 : i32
      %add3A_674 = arith.addi %mul3A_672, %add3A_673 : i32
      %gt3A_675 = arith.constant 0 : i32
      %gt3A_676 = arith.cmpi sgt, %scan3A_649, %gt3A_675 : i32
      %convert_element_type3A_677 = arith.extui %gt3A_676 : i1 to i32
      %cond3A_678 = arith.constant 0 : i32
      %cond3A_679 = arith.cmpi ne, %convert_element_type3A_677, %cond3A_678 : i32
      scf.if %cond3A_679 {
        %dma_wait3A_1528 = arith.constant 1 : i32
        %dma_wait3A_1529 = arith.constant 1 : i32
        %dma_wait3A_1530 = arith.constant 0 : i32
        %dma_wait3A_1531 = arith.constant 0 : i32
        %dma_wait3A_1532 = tpu.memref_slice %arg6[%dma_wait3A_1528, %dma_wait3A_1530, %dma_wait3A_1531] : memref<2x800x64xf32, #tpu.memory_space<vmem>> -> memref<1x50x64xf32, #tpu.memory_space<vmem>>
        %dma_wait3A_1533 = tpu.memref_squeeze %dma_wait3A_1532 : memref<1x50x64xf32, #tpu.memory_space<vmem>> -> memref<50x64xf32, #tpu.memory_space<vmem>>
        %dma_wait3A_1534 = arith.constant 0 : i32
        %dma_wait3A_1535 = arith.constant 0 : i32
        %dma_wait3A_1536 = tpu.memref_slice %arg4[%mul3A_4, %dma_wait3A_1534, %dma_wait3A_1535] : memref<4096x56x128xf32, #tpu.memory_space<hbm>> -> memref<1x50x64xf32, #tpu.memory_space<hbm>>
        %dma_wait3A_1537 = tpu.memref_squeeze %dma_wait3A_1536 : memref<1x50x64xf32, #tpu.memory_space<hbm>> -> memref<50x64xf32, #tpu.memory_space<hbm>>
        %dma_wait3A_1538 = tpu.memref_slice %arg8[%dma_wait3A_1529] : memref<2x!tpu.dma_semaphore, #tpu.memory_space<semaphore_mem>> -> memref<1x!tpu.dma_semaphore, #tpu.memory_space<semaphore_mem>>
        %dma_wait3A_1539 = tpu.memref_squeeze %dma_wait3A_1538 : memref<1x!tpu.dma_semaphore, #tpu.memory_space<semaphore_mem>> -> memref<!tpu.dma_semaphore, #tpu.memory_space<semaphore_mem>>
        %dma_wait3A_1540 = arith.constant 0 : i32
        %dma_wait3A_1541 = arith.constant 0 : i32
        %dma_wait3A_1542 = tpu.memref_slice %arg4[%mul3A_4, %dma_wait3A_1540, %dma_wait3A_1541] : memref<4096x56x128xf32, #tpu.memory_space<hbm>> -> memref<1x50x64xf32, #tpu.memory_space<hbm>>
        %dma_wait3A_1543 = tpu.memref_squeeze %dma_wait3A_1542 : memref<1x50x64xf32, #tpu.memory_space<hbm>> -> memref<50x64xf32, #tpu.memory_space<hbm>>
        %dma_wait3A_1544 = arith.constant 0 : i32
        %dma_wait3A_1545 = arith.constant 0 : i32
        %dma_wait3A_1546 = tpu.memref_slice %arg6[%dma_wait3A_1528, %dma_wait3A_1544, %dma_wait3A_1545] : memref<2x800x64xf32, #tpu.memory_space<vmem>> -> memref<1x50x64xf32, #tpu.memory_space<vmem>>
        %dma_wait3A_1547 = tpu.memref_squeeze %dma_wait3A_1546 : memref<1x50x64xf32, #tpu.memory_space<vmem>> -> memref<50x64xf32, #tpu.memory_space<vmem>>
        tpu.wait_dma2 semaphore(%dma_wait3A_1539 : memref<!tpu.dma_semaphore, #tpu.memory_space<semaphore_mem>>) src(%dma_wait3A_1547 : memref<50x64xf32, #tpu.memory_space<vmem>>) dst(%dma_wait3A_1543 : memref<50x64xf32, #tpu.memory_space<hbm>>)
        %dma_wait3A_1548 = arith.constant 1 : i32
        %dma_wait3A_1549 = arith.constant 1 : i32
        %dma_wait3A_1550 = arith.constant 50 : i32
        %dma_wait3A_1551 = arith.constant 0 : i32
        %dma_wait3A_1552 = tpu.memref_slice %arg6[%dma_wait3A_1548, %dma_wait3A_1550, %dma_wait3A_1551] : memref<2x800x64xf32, #tpu.memory_space<vmem>> -> memref<1x50x64xf32, #tpu.memory_space<vmem>>
        %dma_wait3A_1553 = tpu.memref_squeeze %dma_wait3A_1552 : memref<1x50x64xf32, #tpu.memory_space<vmem>> -> memref<50x64xf32, #tpu.memory_space<vmem>>
        %dma_wait3A_1554 = arith.constant 0 : i32
        %dma_wait3A_1555 = arith.constant 0 : i32
        %dma_wait3A_1556 = tpu.memref_slice %arg4[%mul3A_4, %dma_wait3A_1554, %dma_wait3A_1555] : memref<4096x56x128xf32, #tpu.memory_space<hbm>> -> memref<1x50x64xf32, #tpu.memory_space<hbm>>
        %dma_wait3A_1557 = tpu.memref_squeeze %dma_wait3A_1556 : memref<1x50x64xf32, #tpu.memory_space<hbm>> -> memref<50x64xf32, #tpu.memory_space<hbm>>
        %dma_wait3A_1558 = tpu.memref_slice %arg8[%dma_wait3A_1549] : memref<2x!tpu.dma_semaphore, #tpu.memory_space<semaphore_mem>> -> memref<1x!tpu.dma_semaphore, #tpu.memory_space<semaphore_mem>>
        %dma_wait3A_1559 = tpu.memref_squeeze %dma_wait3A_1558 : memref<1x!tpu.dma_semaphore, #tpu.memory_space<semaphore_mem>> -> memref<!tpu.dma_semaphore, #tpu.memory_space<semaphore_mem>>
        %dma_wait3A_1560 = arith.constant 0 : i32
        %dma_wait3A_1561 = arith.constant 0 : i32
        %dma_wait3A_1562 = tpu.memref_slice %arg4[%mul3A_4, %dma_wait3A_1560, %dma_wait3A_1561] : memref<4096x56x128xf32, #tpu.memory_space<hbm>> -> memref<1x50x64xf32, #tpu.memory_space<hbm>>
        %dma_wait3A_1563 = tpu.memref_squeeze %dma_wait3A_1562 : memref<1x50x64xf32, #tpu.memory_space<hbm>> -> memref<50x64xf32, #tpu.memory_space<hbm>>
        %dma_wait3A_1564 = arith.constant 50 : i32
        %dma_wait3A_1565 = arith.constant 0 : i32
        %dma_wait3A_1566 = tpu.memref_slice %arg6[%dma_wait3A_1548, %dma_wait3A_1564, %dma_wait3A_1565] : memref<2x800x64xf32, #tpu.memory_space<vmem>> -> memref<1x50x64xf32, #tpu.memory_space<vmem>>
        %dma_wait3A_1567 = tpu.memref_squeeze %dma_wait3A_1566 : memref<1x50x64xf32, #tpu.memory_space<vmem>> -> memref<50x64xf32, #tpu.memory_space<vmem>>
        tpu.wait_dma2 semaphore(%dma_wait3A_1559 : memref<!tpu.dma_semaphore, #tpu.memory_space<semaphore_mem>>) src(%dma_wait3A_1567 : memref<50x64xf32, #tpu.memory_space<vmem>>) dst(%dma_wait3A_1563 : memref<50x64xf32, #tpu.memory_space<hbm>>)
        %dma_wait3A_1568 = arith.constant 1 : i32
        %dma_wait3A_1569 = arith.constant 1 : i32
        %dma_wait3A_1570 = arith.constant 100 : i32
        %dma_wait3A_1571 = arith.constant 0 : i32
        %dma_wait3A_1572 = tpu.memref_slice %arg6[%dma_wait3A_1568, %dma_wait3A_1570, %dma_wait3A_1571] : memref<2x800x64xf32, #tpu.memory_space<vmem>> -> memref<1x50x64xf32, #tpu.memory_space<vmem>>
        %dma_wait3A_1573 = tpu.memref_squeeze %dma_wait3A_1572 : memref<1x50x64xf32, #tpu.memory_space<vmem>> -> memref<50x64xf32, #tpu.memory_space<vmem>>
        %dma_wait3A_1574 = arith.constant 0 : i32
        %dma_wait3A_1575 = arith.constant 0 : i32
        %dma_wait3A_1576 = tpu.memref_slice %arg4[%mul3A_4, %dma_wait3A_1574, %dma_wait3A_1575] : memref<4096x56x128xf32, #tpu.memory_space<hbm>> -> memref<1x50x64xf32, #tpu.memory_space<hbm>>
        %dma_wait3A_1577 = tpu.memref_squeeze %dma_wait3A_1576 : memref<1x50x64xf32, #tpu.memory_space<hbm>> -> memref<50x64xf32, #tpu.memory_space<hbm>>
        %dma_wait3A_1578 = tpu.memref_slice %arg8[%dma_wait3A_1569] : memref<2x!tpu.dma_semaphore, #tpu.memory_space<semaphore_mem>> -> memref<1x!tpu.dma_semaphore, #tpu.memory_space<semaphore_mem>>
        %dma_wait3A_1579 = tpu.memref_squeeze %dma_wait3A_1578 : memref<1x!tpu.dma_semaphore, #tpu.memory_space<semaphore_mem>> -> memref<!tpu.dma_semaphore, #tpu.memory_space<semaphore_mem>>
        %dma_wait3A_1580 = arith.constant 0 : i32
        %dma_wait3A_1581 = arith.constant 0 : i32
        %dma_wait3A_1582 = tpu.memref_slice %arg4[%mul3A_4, %dma_wait3A_1580, %dma_wait3A_1581] : memref<4096x56x128xf32, #tpu.memory_space<hbm>> -> memref<1x50x64xf32, #tpu.memory_space<hbm>>
        %dma_wait3A_1583 = tpu.memref_squeeze %dma_wait3A_1582 : memref<1x50x64xf32, #tpu.memory_space<hbm>> -> memref<50x64xf32, #tpu.memory_space<hbm>>
        %dma_wait3A_1584 = arith.constant 100 : i32
        %dma_wait3A_1585 = arith.constant 0 : i32
        %dma_wait3A_1586 = tpu.memref_slice %arg6[%dma_wait3A_1568, %dma_wait3A_1584, %dma_wait3A_1585] : memref<2x800x64xf32, #tpu.memory_space<vmem>> -> memref<1x50x64xf32, #tpu.memory_space<vmem>>
        %dma_wait3A_1587 = tpu.memref_squeeze %dma_wait3A_1586 : memref<1x50x64xf32, #tpu.memory_space<vmem>> -> memref<50x64xf32, #tpu.memory_space<vmem>>
        tpu.wait_dma2 semaphore(%dma_wait3A_1579 : memref<!tpu.dma_semaphore, #tpu.memory_space<semaphore_mem>>) src(%dma_wait3A_1587 : memref<50x64xf32, #tpu.memory_space<vmem>>) dst(%dma_wait3A_1583 : memref<50x64xf32, #tpu.memory_space<hbm>>)
        %dma_wait3A_1588 = arith.constant 1 : i32
        %dma_wait3A_1589 = arith.constant 1 : i32
        %dma_wait3A_1590 = arith.constant 150 : i32
        %dma_wait3A_1591 = arith.constant 0 : i32
        %dma_wait3A_1592 = tpu.memref_slice %arg6[%dma_wait3A_1588, %dma_wait3A_1590, %dma_wait3A_1591] : memref<2x800x64xf32, #tpu.memory_space<vmem>> -> memref<1x50x64xf32, #tpu.memory_space<vmem>>
        %dma_wait3A_1593 = tpu.memref_squeeze %dma_wait3A_1592 : memref<1x50x64xf32, #tpu.memory_space<vmem>> -> memref<50x64xf32, #tpu.memory_space<vmem>>
        %dma_wait3A_1594 = arith.constant 0 : i32
        %dma_wait3A_1595 = arith.constant 0 : i32
        %dma_wait3A_1596 = tpu.memref_slice %arg4[%mul3A_4, %dma_wait3A_1594, %dma_wait3A_1595] : memref<4096x56x128xf32, #tpu.memory_space<hbm>> -> memref<1x50x64xf32, #tpu.memory_space<hbm>>
        %dma_wait3A_1597 = tpu.memref_squeeze %dma_wait3A_1596 : memref<1x50x64xf32, #tpu.memory_space<hbm>> -> memref<50x64xf32, #tpu.memory_space<hbm>>
        %dma_wait3A_1598 = tpu.memref_slice %arg8[%dma_wait3A_1589] : memref<2x!tpu.dma_semaphore, #tpu.memory_space<semaphore_mem>> -> memref<1x!tpu.dma_semaphore, #tpu.memory_space<semaphore_mem>>
        %dma_wait3A_1599 = tpu.memref_squeeze %dma_wait3A_1598 : memref<1x!tpu.dma_semaphore, #tpu.memory_space<semaphore_mem>> -> memref<!tpu.dma_semaphore, #tpu.memory_space<semaphore_mem>>
        %dma_wait3A_1600 = arith.constant 0 : i32
        %dma_wait3A_1601 = arith.constant 0 : i32
        %dma_wait3A_1602 = tpu.memref_slice %arg4[%mul3A_4, %dma_wait3A_1600, %dma_wait3A_1601] : memref<4096x56x128xf32, #tpu.memory_space<hbm>> -> memref<1x50x64xf32, #tpu.memory_space<hbm>>
        %dma_wait3A_1603 = tpu.memref_squeeze %dma_wait3A_1602 : memref<1x50x64xf32, #tpu.memory_space<hbm>> -> memref<50x64xf32, #tpu.memory_space<hbm>>
        %dma_wait3A_1604 = arith.constant 150 : i32
        %dma_wait3A_1605 = arith.constant 0 : i32
        %dma_wait3A_1606 = tpu.memref_slice %arg6[%dma_wait3A_1588, %dma_wait3A_1604, %dma_wait3A_1605] : memref<2x800x64xf32, #tpu.memory_space<vmem>> -> memref<1x50x64xf32, #tpu.memory_space<vmem>>
        %dma_wait3A_1607 = tpu.memref_squeeze %dma_wait3A_1606 : memref<1x50x64xf32, #tpu.memory_space<vmem>> -> memref<50x64xf32, #tpu.memory_space<vmem>>
        tpu.wait_dma2 semaphore(%dma_wait3A_1599 : memref<!tpu.dma_semaphore, #tpu.memory_space<semaphore_mem>>) src(%dma_wait3A_1607 : memref<50x64xf32, #tpu.memory_space<vmem>>) dst(%dma_wait3A_1603 : memref<50x64xf32, #tpu.memory_space<hbm>>)
        %dma_wait3A_1608 = arith.constant 1 : i32
        %dma_wait3A_1609 = arith.constant 1 : i32
        %dma_wait3A_1610 = arith.constant 200 : i32
        %dma_wait3A_1611 = arith.constant 0 : i32
        %dma_wait3A_1612 = tpu.memref_slice %arg6[%dma_wait3A_1608, %dma_wait3A_1610, %dma_wait3A_1611] : memref<2x800x64xf32, #tpu.memory_space<vmem>> -> memref<1x50x64xf32, #tpu.memory_space<vmem>>
        %dma_wait3A_1613 = tpu.memref_squeeze %dma_wait3A_1612 : memref<1x50x64xf32, #tpu.memory_space<vmem>> -> memref<50x64xf32, #tpu.memory_space<vmem>>
        %dma_wait3A_1614 = arith.constant 0 : i32
        %dma_wait3A_1615 = arith.constant 0 : i32
        %dma_wait3A_1616 = tpu.memref_slice %arg4[%mul3A_4, %dma_wait3A_1614, %dma_wait3A_1615] : memref<4096x56x128xf32, #tpu.memory_space<hbm>> -> memref<1x50x64xf32, #tpu.memory_space<hbm>>
        %dma_wait3A_1617 = tpu.memref_squeeze %dma_wait3A_1616 : memref<1x50x64xf32, #tpu.memory_space<hbm>> -> memref<50x64xf32, #tpu.memory_space<hbm>>
        %dma_wait3A_1618 = tpu.memref_slice %arg8[%dma_wait3A_1609] : memref<2x!tpu.dma_semaphore, #tpu.memory_space<semaphore_mem>> -> memref<1x!tpu.dma_semaphore, #tpu.memory_space<semaphore_mem>>
        %dma_wait3A_1619 = tpu.memref_squeeze %dma_wait3A_1618 : memref<1x!tpu.dma_semaphore, #tpu.memory_space<semaphore_mem>> -> memref<!tpu.dma_semaphore, #tpu.memory_space<semaphore_mem>>
        %dma_wait3A_1620 = arith.constant 0 : i32
        %dma_wait3A_1621 = arith.constant 0 : i32
        %dma_wait3A_1622 = tpu.memref_slice %arg4[%mul3A_4, %dma_wait3A_1620, %dma_wait3A_1621] : memref<4096x56x128xf32, #tpu.memory_space<hbm>> -> memref<1x50x64xf32, #tpu.memory_space<hbm>>
        %dma_wait3A_1623 = tpu.memref_squeeze %dma_wait3A_1622 : memref<1x50x64xf32, #tpu.memory_space<hbm>> -> memref<50x64xf32, #tpu.memory_space<hbm>>
        %dma_wait3A_1624 = arith.constant 200 : i32
        %dma_wait3A_1625 = arith.constant 0 : i32
        %dma_wait3A_1626 = tpu.memref_slice %arg6[%dma_wait3A_1608, %dma_wait3A_1624, %dma_wait3A_1625] : memref<2x800x64xf32, #tpu.memory_space<vmem>> -> memref<1x50x64xf32, #tpu.memory_space<vmem>>
        %dma_wait3A_1627 = tpu.memref_squeeze %dma_wait3A_1626 : memref<1x50x64xf32, #tpu.memory_space<vmem>> -> memref<50x64xf32, #tpu.memory_space<vmem>>
        tpu.wait_dma2 semaphore(%dma_wait3A_1619 : memref<!tpu.dma_semaphore, #tpu.memory_space<semaphore_mem>>) src(%dma_wait3A_1627 : memref<50x64xf32, #tpu.memory_space<vmem>>) dst(%dma_wait3A_1623 : memref<50x64xf32, #tpu.memory_space<hbm>>)
        %dma_wait3A_1628 = arith.constant 1 : i32
        %dma_wait3A_1629 = arith.constant 1 : i32
        %dma_wait3A_1630 = arith.constant 250 : i32
        %dma_wait3A_1631 = arith.constant 0 : i32
        %dma_wait3A_1632 = tpu.memref_slice %arg6[%dma_wait3A_1628, %dma_wait3A_1630, %dma_wait3A_1631] : memref<2x800x64xf32, #tpu.memory_space<vmem>> -> memref<1x50x64xf32, #tpu.memory_space<vmem>>
        %dma_wait3A_1633 = tpu.memref_squeeze %dma_wait3A_1632 : memref<1x50x64xf32, #tpu.memory_space<vmem>> -> memref<50x64xf32, #tpu.memory_space<vmem>>
        %dma_wait3A_1634 = arith.constant 0 : i32
        %dma_wait3A_1635 = arith.constant 0 : i32
        %dma_wait3A_1636 = tpu.memref_slice %arg4[%mul3A_4, %dma_wait3A_1634, %dma_wait3A_1635] : memref<4096x56x128xf32, #tpu.memory_space<hbm>> -> memref<1x50x64xf32, #tpu.memory_space<hbm>>
        %dma_wait3A_1637 = tpu.memref_squeeze %dma_wait3A_1636 : memref<1x50x64xf32, #tpu.memory_space<hbm>> -> memref<50x64xf32, #tpu.memory_space<hbm>>
        %dma_wait3A_1638 = tpu.memref_slice %arg8[%dma_wait3A_1629] : memref<2x!tpu.dma_semaphore, #tpu.memory_space<semaphore_mem>> -> memref<1x!tpu.dma_semaphore, #tpu.memory_space<semaphore_mem>>
        %dma_wait3A_1639 = tpu.memref_squeeze %dma_wait3A_1638 : memref<1x!tpu.dma_semaphore, #tpu.memory_space<semaphore_mem>> -> memref<!tpu.dma_semaphore, #tpu.memory_space<semaphore_mem>>
        %dma_wait3A_1640 = arith.constant 0 : i32
        %dma_wait3A_1641 = arith.constant 0 : i32
        %dma_wait3A_1642 = tpu.memref_slice %arg4[%mul3A_4, %dma_wait3A_1640, %dma_wait3A_1641] : memref<4096x56x128xf32, #tpu.memory_space<hbm>> -> memref<1x50x64xf32, #tpu.memory_space<hbm>>
        %dma_wait3A_1643 = tpu.memref_squeeze %dma_wait3A_1642 : memref<1x50x64xf32, #tpu.memory_space<hbm>> -> memref<50x64xf32, #tpu.memory_space<hbm>>
        %dma_wait3A_1644 = arith.constant 250 : i32
        %dma_wait3A_1645 = arith.constant 0 : i32
        %dma_wait3A_1646 = tpu.memref_slice %arg6[%dma_wait3A_1628, %dma_wait3A_1644, %dma_wait3A_1645] : memref<2x800x64xf32, #tpu.memory_space<vmem>> -> memref<1x50x64xf32, #tpu.memory_space<vmem>>
        %dma_wait3A_1647 = tpu.memref_squeeze %dma_wait3A_1646 : memref<1x50x64xf32, #tpu.memory_space<vmem>> -> memref<50x64xf32, #tpu.memory_space<vmem>>
        tpu.wait_dma2 semaphore(%dma_wait3A_1639 : memref<!tpu.dma_semaphore, #tpu.memory_space<semaphore_mem>>) src(%dma_wait3A_1647 : memref<50x64xf32, #tpu.memory_space<vmem>>) dst(%dma_wait3A_1643 : memref<50x64xf32, #tpu.memory_space<hbm>>)
        %dma_wait3A_1648 = arith.constant 1 : i32
        %dma_wait3A_1649 = arith.constant 1 : i32
        %dma_wait3A_1650 = arith.constant 300 : i32
        %dma_wait3A_1651 = arith.constant 0 : i32
        %dma_wait3A_1652 = tpu.memref_slice %arg6[%dma_wait3A_1648, %dma_wait3A_1650, %dma_wait3A_1651] : memref<2x800x64xf32, #tpu.memory_space<vmem>> -> memref<1x50x64xf32, #tpu.memory_space<vmem>>
        %dma_wait3A_1653 = tpu.memref_squeeze %dma_wait3A_1652 : memref<1x50x64xf32, #tpu.memory_space<vmem>> -> memref<50x64xf32, #tpu.memory_space<vmem>>
        %dma_wait3A_1654 = arith.constant 0 : i32
        %dma_wait3A_1655 = arith.constant 0 : i32
        %dma_wait3A_1656 = tpu.memref_slice %arg4[%mul3A_4, %dma_wait3A_1654, %dma_wait3A_1655] : memref<4096x56x128xf32, #tpu.memory_space<hbm>> -> memref<1x50x64xf32, #tpu.memory_space<hbm>>
        %dma_wait3A_1657 = tpu.memref_squeeze %dma_wait3A_1656 : memref<1x50x64xf32, #tpu.memory_space<hbm>> -> memref<50x64xf32, #tpu.memory_space<hbm>>
        %dma_wait3A_1658 = tpu.memref_slice %arg8[%dma_wait3A_1649] : memref<2x!tpu.dma_semaphore, #tpu.memory_space<semaphore_mem>> -> memref<1x!tpu.dma_semaphore, #tpu.memory_space<semaphore_mem>>
        %dma_wait3A_1659 = tpu.memref_squeeze %dma_wait3A_1658 : memref<1x!tpu.dma_semaphore, #tpu.memory_space<semaphore_mem>> -> memref<!tpu.dma_semaphore, #tpu.memory_space<semaphore_mem>>
        %dma_wait3A_1660 = arith.constant 0 : i32
        %dma_wait3A_1661 = arith.constant 0 : i32
        %dma_wait3A_1662 = tpu.memref_slice %arg4[%mul3A_4, %dma_wait3A_1660, %dma_wait3A_1661] : memref<4096x56x128xf32, #tpu.memory_space<hbm>> -> memref<1x50x64xf32, #tpu.memory_space<hbm>>
        %dma_wait3A_1663 = tpu.memref_squeeze %dma_wait3A_1662 : memref<1x50x64xf32, #tpu.memory_space<hbm>> -> memref<50x64xf32, #tpu.memory_space<hbm>>
        %dma_wait3A_1664 = arith.constant 300 : i32
        %dma_wait3A_1665 = arith.constant 0 : i32
        %dma_wait3A_1666 = tpu.memref_slice %arg6[%dma_wait3A_1648, %dma_wait3A_1664, %dma_wait3A_1665] : memref<2x800x64xf32, #tpu.memory_space<vmem>> -> memref<1x50x64xf32, #tpu.memory_space<vmem>>
        %dma_wait3A_1667 = tpu.memref_squeeze %dma_wait3A_1666 : memref<1x50x64xf32, #tpu.memory_space<vmem>> -> memref<50x64xf32, #tpu.memory_space<vmem>>
        tpu.wait_dma2 semaphore(%dma_wait3A_1659 : memref<!tpu.dma_semaphore, #tpu.memory_space<semaphore_mem>>) src(%dma_wait3A_1667 : memref<50x64xf32, #tpu.memory_space<vmem>>) dst(%dma_wait3A_1663 : memref<50x64xf32, #tpu.memory_space<hbm>>)
        %dma_wait3A_1668 = arith.constant 1 : i32
        %dma_wait3A_1669 = arith.constant 1 : i32
        %dma_wait3A_1670 = arith.constant 350 : i32
        %dma_wait3A_1671 = arith.constant 0 : i32
        %dma_wait3A_1672 = tpu.memref_slice %arg6[%dma_wait3A_1668, %dma_wait3A_1670, %dma_wait3A_1671] : memref<2x800x64xf32, #tpu.memory_space<vmem>> -> memref<1x50x64xf32, #tpu.memory_space<vmem>>
        %dma_wait3A_1673 = tpu.memref_squeeze %dma_wait3A_1672 : memref<1x50x64xf32, #tpu.memory_space<vmem>> -> memref<50x64xf32, #tpu.memory_space<vmem>>
        %dma_wait3A_1674 = arith.constant 0 : i32
        %dma_wait3A_1675 = arith.constant 0 : i32
        %dma_wait3A_1676 = tpu.memref_slice %arg4[%mul3A_4, %dma_wait3A_1674, %dma_wait3A_1675] : memref<4096x56x128xf32, #tpu.memory_space<hbm>> -> memref<1x50x64xf32, #tpu.memory_space<hbm>>
        %dma_wait3A_1677 = tpu.memref_squeeze %dma_wait3A_1676 : memref<1x50x64xf32, #tpu.memory_space<hbm>> -> memref<50x64xf32, #tpu.memory_space<hbm>>
        %dma_wait3A_1678 = tpu.memref_slice %arg8[%dma_wait3A_1669] : memref<2x!tpu.dma_semaphore, #tpu.memory_space<semaphore_mem>> -> memref<1x!tpu.dma_semaphore, #tpu.memory_space<semaphore_mem>>
        %dma_wait3A_1679 = tpu.memref_squeeze %dma_wait3A_1678 : memref<1x!tpu.dma_semaphore, #tpu.memory_space<semaphore_mem>> -> memref<!tpu.dma_semaphore, #tpu.memory_space<semaphore_mem>>
        %dma_wait3A_1680 = arith.constant 0 : i32
        %dma_wait3A_1681 = arith.constant 0 : i32
        %dma_wait3A_1682 = tpu.memref_slice %arg4[%mul3A_4, %dma_wait3A_1680, %dma_wait3A_1681] : memref<4096x56x128xf32, #tpu.memory_space<hbm>> -> memref<1x50x64xf32, #tpu.memory_space<hbm>>
        %dma_wait3A_1683 = tpu.memref_squeeze %dma_wait3A_1682 : memref<1x50x64xf32, #tpu.memory_space<hbm>> -> memref<50x64xf32, #tpu.memory_space<hbm>>
        %dma_wait3A_1684 = arith.constant 350 : i32
        %dma_wait3A_1685 = arith.constant 0 : i32
        %dma_wait3A_1686 = tpu.memref_slice %arg6[%dma_wait3A_1668, %dma_wait3A_1684, %dma_wait3A_1685] : memref<2x800x64xf32, #tpu.memory_space<vmem>> -> memref<1x50x64xf32, #tpu.memory_space<vmem>>
        %dma_wait3A_1687 = tpu.memref_squeeze %dma_wait3A_1686 : memref<1x50x64xf32, #tpu.memory_space<vmem>> -> memref<50x64xf32, #tpu.memory_space<vmem>>
        tpu.wait_dma2 semaphore(%dma_wait3A_1679 : memref<!tpu.dma_semaphore, #tpu.memory_space<semaphore_mem>>) src(%dma_wait3A_1687 : memref<50x64xf32, #tpu.memory_space<vmem>>) dst(%dma_wait3A_1683 : memref<50x64xf32, #tpu.memory_space<hbm>>)
        %dma_wait3A_1688 = arith.constant 1 : i32
        %dma_wait3A_1689 = arith.constant 1 : i32
        %dma_wait3A_1690 = arith.constant 400 : i32
        %dma_wait3A_1691 = arith.constant 0 : i32
        %dma_wait3A_1692 = tpu.memref_slice %arg6[%dma_wait3A_1688, %dma_wait3A_1690, %dma_wait3A_1691] : memref<2x800x64xf32, #tpu.memory_space<vmem>> -> memref<1x50x64xf32, #tpu.memory_space<vmem>>
        %dma_wait3A_1693 = tpu.memref_squeeze %dma_wait3A_1692 : memref<1x50x64xf32, #tpu.memory_space<vmem>> -> memref<50x64xf32, #tpu.memory_space<vmem>>
        %dma_wait3A_1694 = arith.constant 0 : i32
        %dma_wait3A_1695 = arith.constant 0 : i32
        %dma_wait3A_1696 = tpu.memref_slice %arg4[%mul3A_4, %dma_wait3A_1694, %dma_wait3A_1695] : memref<4096x56x128xf32, #tpu.memory_space<hbm>> -> memref<1x50x64xf32, #tpu.memory_space<hbm>>
        %dma_wait3A_1697 = tpu.memref_squeeze %dma_wait3A_1696 : memref<1x50x64xf32, #tpu.memory_space<hbm>> -> memref<50x64xf32, #tpu.memory_space<hbm>>
        %dma_wait3A_1698 = tpu.memref_slice %arg8[%dma_wait3A_1689] : memref<2x!tpu.dma_semaphore, #tpu.memory_space<semaphore_mem>> -> memref<1x!tpu.dma_semaphore, #tpu.memory_space<semaphore_mem>>
        %dma_wait3A_1699 = tpu.memref_squeeze %dma_wait3A_1698 : memref<1x!tpu.dma_semaphore, #tpu.memory_space<semaphore_mem>> -> memref<!tpu.dma_semaphore, #tpu.memory_space<semaphore_mem>>
        %dma_wait3A_1700 = arith.constant 0 : i32
        %dma_wait3A_1701 = arith.constant 0 : i32
        %dma_wait3A_1702 = tpu.memref_slice %arg4[%mul3A_4, %dma_wait3A_1700, %dma_wait3A_1701] : memref<4096x56x128xf32, #tpu.memory_space<hbm>> -> memref<1x50x64xf32, #tpu.memory_space<hbm>>
        %dma_wait3A_1703 = tpu.memref_squeeze %dma_wait3A_1702 : memref<1x50x64xf32, #tpu.memory_space<hbm>> -> memref<50x64xf32, #tpu.memory_space<hbm>>
        %dma_wait3A_1704 = arith.constant 400 : i32
        %dma_wait3A_1705 = arith.constant 0 : i32
        %dma_wait3A_1706 = tpu.memref_slice %arg6[%dma_wait3A_1688, %dma_wait3A_1704, %dma_wait3A_1705] : memref<2x800x64xf32, #tpu.memory_space<vmem>> -> memref<1x50x64xf32, #tpu.memory_space<vmem>>
        %dma_wait3A_1707 = tpu.memref_squeeze %dma_wait3A_1706 : memref<1x50x64xf32, #tpu.memory_space<vmem>> -> memref<50x64xf32, #tpu.memory_space<vmem>>
        tpu.wait_dma2 semaphore(%dma_wait3A_1699 : memref<!tpu.dma_semaphore, #tpu.memory_space<semaphore_mem>>) src(%dma_wait3A_1707 : memref<50x64xf32, #tpu.memory_space<vmem>>) dst(%dma_wait3A_1703 : memref<50x64xf32, #tpu.memory_space<hbm>>)
        %dma_wait3A_1708 = arith.constant 1 : i32
        %dma_wait3A_1709 = arith.constant 1 : i32
        %dma_wait3A_1710 = arith.constant 450 : i32
        %dma_wait3A_1711 = arith.constant 0 : i32
        %dma_wait3A_1712 = tpu.memref_slice %arg6[%dma_wait3A_1708, %dma_wait3A_1710, %dma_wait3A_1711] : memref<2x800x64xf32, #tpu.memory_space<vmem>> -> memref<1x50x64xf32, #tpu.memory_space<vmem>>
        %dma_wait3A_1713 = tpu.memref_squeeze %dma_wait3A_1712 : memref<1x50x64xf32, #tpu.memory_space<vmem>> -> memref<50x64xf32, #tpu.memory_space<vmem>>
        %dma_wait3A_1714 = arith.constant 0 : i32
        %dma_wait3A_1715 = arith.constant 0 : i32
        %dma_wait3A_1716 = tpu.memref_slice %arg4[%mul3A_4, %dma_wait3A_1714, %dma_wait3A_1715] : memref<4096x56x128xf32, #tpu.memory_space<hbm>> -> memref<1x50x64xf32, #tpu.memory_space<hbm>>
        %dma_wait3A_1717 = tpu.memref_squeeze %dma_wait3A_1716 : memref<1x50x64xf32, #tpu.memory_space<hbm>> -> memref<50x64xf32, #tpu.memory_space<hbm>>
        %dma_wait3A_1718 = tpu.memref_slice %arg8[%dma_wait3A_1709] : memref<2x!tpu.dma_semaphore, #tpu.memory_space<semaphore_mem>> -> memref<1x!tpu.dma_semaphore, #tpu.memory_space<semaphore_mem>>
        %dma_wait3A_1719 = tpu.memref_squeeze %dma_wait3A_1718 : memref<1x!tpu.dma_semaphore, #tpu.memory_space<semaphore_mem>> -> memref<!tpu.dma_semaphore, #tpu.memory_space<semaphore_mem>>
        %dma_wait3A_1720 = arith.constant 0 : i32
        %dma_wait3A_1721 = arith.constant 0 : i32
        %dma_wait3A_1722 = tpu.memref_slice %arg4[%mul3A_4, %dma_wait3A_1720, %dma_wait3A_1721] : memref<4096x56x128xf32, #tpu.memory_space<hbm>> -> memref<1x50x64xf32, #tpu.memory_space<hbm>>
        %dma_wait3A_1723 = tpu.memref_squeeze %dma_wait3A_1722 : memref<1x50x64xf32, #tpu.memory_space<hbm>> -> memref<50x64xf32, #tpu.memory_space<hbm>>
        %dma_wait3A_1724 = arith.constant 450 : i32
        %dma_wait3A_1725 = arith.constant 0 : i32
        %dma_wait3A_1726 = tpu.memref_slice %arg6[%dma_wait3A_1708, %dma_wait3A_1724, %dma_wait3A_1725] : memref<2x800x64xf32, #tpu.memory_space<vmem>> -> memref<1x50x64xf32, #tpu.memory_space<vmem>>
        %dma_wait3A_1727 = tpu.memref_squeeze %dma_wait3A_1726 : memref<1x50x64xf32, #tpu.memory_space<vmem>> -> memref<50x64xf32, #tpu.memory_space<vmem>>
        tpu.wait_dma2 semaphore(%dma_wait3A_1719 : memref<!tpu.dma_semaphore, #tpu.memory_space<semaphore_mem>>) src(%dma_wait3A_1727 : memref<50x64xf32, #tpu.memory_space<vmem>>) dst(%dma_wait3A_1723 : memref<50x64xf32, #tpu.memory_space<hbm>>)
        %dma_wait3A_1728 = arith.constant 1 : i32
        %dma_wait3A_1729 = arith.constant 1 : i32
        %dma_wait3A_1730 = arith.constant 500 : i32
        %dma_wait3A_1731 = arith.constant 0 : i32
        %dma_wait3A_1732 = tpu.memref_slice %arg6[%dma_wait3A_1728, %dma_wait3A_1730, %dma_wait3A_1731] : memref<2x800x64xf32, #tpu.memory_space<vmem>> -> memref<1x50x64xf32, #tpu.memory_space<vmem>>
        %dma_wait3A_1733 = tpu.memref_squeeze %dma_wait3A_1732 : memref<1x50x64xf32, #tpu.memory_space<vmem>> -> memref<50x64xf32, #tpu.memory_space<vmem>>
        %dma_wait3A_1734 = arith.constant 0 : i32
        %dma_wait3A_1735 = arith.constant 0 : i32
        %dma_wait3A_1736 = tpu.memref_slice %arg4[%mul3A_4, %dma_wait3A_1734, %dma_wait3A_1735] : memref<4096x56x128xf32, #tpu.memory_space<hbm>> -> memref<1x50x64xf32, #tpu.memory_space<hbm>>
        %dma_wait3A_1737 = tpu.memref_squeeze %dma_wait3A_1736 : memref<1x50x64xf32, #tpu.memory_space<hbm>> -> memref<50x64xf32, #tpu.memory_space<hbm>>
        %dma_wait3A_1738 = tpu.memref_slice %arg8[%dma_wait3A_1729] : memref<2x!tpu.dma_semaphore, #tpu.memory_space<semaphore_mem>> -> memref<1x!tpu.dma_semaphore, #tpu.memory_space<semaphore_mem>>
        %dma_wait3A_1739 = tpu.memref_squeeze %dma_wait3A_1738 : memref<1x!tpu.dma_semaphore, #tpu.memory_space<semaphore_mem>> -> memref<!tpu.dma_semaphore, #tpu.memory_space<semaphore_mem>>
        %dma_wait3A_1740 = arith.constant 0 : i32
        %dma_wait3A_1741 = arith.constant 0 : i32
        %dma_wait3A_1742 = tpu.memref_slice %arg4[%mul3A_4, %dma_wait3A_1740, %dma_wait3A_1741] : memref<4096x56x128xf32, #tpu.memory_space<hbm>> -> memref<1x50x64xf32, #tpu.memory_space<hbm>>
        %dma_wait3A_1743 = tpu.memref_squeeze %dma_wait3A_1742 : memref<1x50x64xf32, #tpu.memory_space<hbm>> -> memref<50x64xf32, #tpu.memory_space<hbm>>
        %dma_wait3A_1744 = arith.constant 500 : i32
        %dma_wait3A_1745 = arith.constant 0 : i32
        %dma_wait3A_1746 = tpu.memref_slice %arg6[%dma_wait3A_1728, %dma_wait3A_1744, %dma_wait3A_1745] : memref<2x800x64xf32, #tpu.memory_space<vmem>> -> memref<1x50x64xf32, #tpu.memory_space<vmem>>
        %dma_wait3A_1747 = tpu.memref_squeeze %dma_wait3A_1746 : memref<1x50x64xf32, #tpu.memory_space<vmem>> -> memref<50x64xf32, #tpu.memory_space<vmem>>
        tpu.wait_dma2 semaphore(%dma_wait3A_1739 : memref<!tpu.dma_semaphore, #tpu.memory_space<semaphore_mem>>) src(%dma_wait3A_1747 : memref<50x64xf32, #tpu.memory_space<vmem>>) dst(%dma_wait3A_1743 : memref<50x64xf32, #tpu.memory_space<hbm>>)
        %dma_wait3A_1748 = arith.constant 1 : i32
        %dma_wait3A_1749 = arith.constant 1 : i32
        %dma_wait3A_1750 = arith.constant 550 : i32
        %dma_wait3A_1751 = arith.constant 0 : i32
        %dma_wait3A_1752 = tpu.memref_slice %arg6[%dma_wait3A_1748, %dma_wait3A_1750, %dma_wait3A_1751] : memref<2x800x64xf32, #tpu.memory_space<vmem>> -> memref<1x50x64xf32, #tpu.memory_space<vmem>>
        %dma_wait3A_1753 = tpu.memref_squeeze %dma_wait3A_1752 : memref<1x50x64xf32, #tpu.memory_space<vmem>> -> memref<50x64xf32, #tpu.memory_space<vmem>>
        %dma_wait3A_1754 = arith.constant 0 : i32
        %dma_wait3A_1755 = arith.constant 0 : i32
        %dma_wait3A_1756 = tpu.memref_slice %arg4[%mul3A_4, %dma_wait3A_1754, %dma_wait3A_1755] : memref<4096x56x128xf32, #tpu.memory_space<hbm>> -> memref<1x50x64xf32, #tpu.memory_space<hbm>>
        %dma_wait3A_1757 = tpu.memref_squeeze %dma_wait3A_1756 : memref<1x50x64xf32, #tpu.memory_space<hbm>> -> memref<50x64xf32, #tpu.memory_space<hbm>>
        %dma_wait3A_1758 = tpu.memref_slice %arg8[%dma_wait3A_1749] : memref<2x!tpu.dma_semaphore, #tpu.memory_space<semaphore_mem>> -> memref<1x!tpu.dma_semaphore, #tpu.memory_space<semaphore_mem>>
        %dma_wait3A_1759 = tpu.memref_squeeze %dma_wait3A_1758 : memref<1x!tpu.dma_semaphore, #tpu.memory_space<semaphore_mem>> -> memref<!tpu.dma_semaphore, #tpu.memory_space<semaphore_mem>>
        %dma_wait3A_1760 = arith.constant 0 : i32
        %dma_wait3A_1761 = arith.constant 0 : i32
        %dma_wait3A_1762 = tpu.memref_slice %arg4[%mul3A_4, %dma_wait3A_1760, %dma_wait3A_1761] : memref<4096x56x128xf32, #tpu.memory_space<hbm>> -> memref<1x50x64xf32, #tpu.memory_space<hbm>>
        %dma_wait3A_1763 = tpu.memref_squeeze %dma_wait3A_1762 : memref<1x50x64xf32, #tpu.memory_space<hbm>> -> memref<50x64xf32, #tpu.memory_space<hbm>>
        %dma_wait3A_1764 = arith.constant 550 : i32
        %dma_wait3A_1765 = arith.constant 0 : i32
        %dma_wait3A_1766 = tpu.memref_slice %arg6[%dma_wait3A_1748, %dma_wait3A_1764, %dma_wait3A_1765] : memref<2x800x64xf32, #tpu.memory_space<vmem>> -> memref<1x50x64xf32, #tpu.memory_space<vmem>>
        %dma_wait3A_1767 = tpu.memref_squeeze %dma_wait3A_1766 : memref<1x50x64xf32, #tpu.memory_space<vmem>> -> memref<50x64xf32, #tpu.memory_space<vmem>>
        tpu.wait_dma2 semaphore(%dma_wait3A_1759 : memref<!tpu.dma_semaphore, #tpu.memory_space<semaphore_mem>>) src(%dma_wait3A_1767 : memref<50x64xf32, #tpu.memory_space<vmem>>) dst(%dma_wait3A_1763 : memref<50x64xf32, #tpu.memory_space<hbm>>)
        %dma_wait3A_1768 = arith.constant 1 : i32
        %dma_wait3A_1769 = arith.constant 1 : i32
        %dma_wait3A_1770 = arith.constant 600 : i32
        %dma_wait3A_1771 = arith.constant 0 : i32
        %dma_wait3A_1772 = tpu.memref_slice %arg6[%dma_wait3A_1768, %dma_wait3A_1770, %dma_wait3A_1771] : memref<2x800x64xf32, #tpu.memory_space<vmem>> -> memref<1x50x64xf32, #tpu.memory_space<vmem>>
        %dma_wait3A_1773 = tpu.memref_squeeze %dma_wait3A_1772 : memref<1x50x64xf32, #tpu.memory_space<vmem>> -> memref<50x64xf32, #tpu.memory_space<vmem>>
        %dma_wait3A_1774 = arith.constant 0 : i32
        %dma_wait3A_1775 = arith.constant 0 : i32
        %dma_wait3A_1776 = tpu.memref_slice %arg4[%mul3A_4, %dma_wait3A_1774, %dma_wait3A_1775] : memref<4096x56x128xf32, #tpu.memory_space<hbm>> -> memref<1x50x64xf32, #tpu.memory_space<hbm>>
        %dma_wait3A_1777 = tpu.memref_squeeze %dma_wait3A_1776 : memref<1x50x64xf32, #tpu.memory_space<hbm>> -> memref<50x64xf32, #tpu.memory_space<hbm>>
        %dma_wait3A_1778 = tpu.memref_slice %arg8[%dma_wait3A_1769] : memref<2x!tpu.dma_semaphore, #tpu.memory_space<semaphore_mem>> -> memref<1x!tpu.dma_semaphore, #tpu.memory_space<semaphore_mem>>
        %dma_wait3A_1779 = tpu.memref_squeeze %dma_wait3A_1778 : memref<1x!tpu.dma_semaphore, #tpu.memory_space<semaphore_mem>> -> memref<!tpu.dma_semaphore, #tpu.memory_space<semaphore_mem>>
        %dma_wait3A_1780 = arith.constant 0 : i32
        %dma_wait3A_1781 = arith.constant 0 : i32
        %dma_wait3A_1782 = tpu.memref_slice %arg4[%mul3A_4, %dma_wait3A_1780, %dma_wait3A_1781] : memref<4096x56x128xf32, #tpu.memory_space<hbm>> -> memref<1x50x64xf32, #tpu.memory_space<hbm>>
        %dma_wait3A_1783 = tpu.memref_squeeze %dma_wait3A_1782 : memref<1x50x64xf32, #tpu.memory_space<hbm>> -> memref<50x64xf32, #tpu.memory_space<hbm>>
        %dma_wait3A_1784 = arith.constant 600 : i32
        %dma_wait3A_1785 = arith.constant 0 : i32
        %dma_wait3A_1786 = tpu.memref_slice %arg6[%dma_wait3A_1768, %dma_wait3A_1784, %dma_wait3A_1785] : memref<2x800x64xf32, #tpu.memory_space<vmem>> -> memref<1x50x64xf32, #tpu.memory_space<vmem>>
        %dma_wait3A_1787 = tpu.memref_squeeze %dma_wait3A_1786 : memref<1x50x64xf32, #tpu.memory_space<vmem>> -> memref<50x64xf32, #tpu.memory_space<vmem>>
        tpu.wait_dma2 semaphore(%dma_wait3A_1779 : memref<!tpu.dma_semaphore, #tpu.memory_space<semaphore_mem>>) src(%dma_wait3A_1787 : memref<50x64xf32, #tpu.memory_space<vmem>>) dst(%dma_wait3A_1783 : memref<50x64xf32, #tpu.memory_space<hbm>>)
        %dma_wait3A_1788 = arith.constant 1 : i32
        %dma_wait3A_1789 = arith.constant 1 : i32
        %dma_wait3A_1790 = arith.constant 650 : i32
        %dma_wait3A_1791 = arith.constant 0 : i32
        %dma_wait3A_1792 = tpu.memref_slice %arg6[%dma_wait3A_1788, %dma_wait3A_1790, %dma_wait3A_1791] : memref<2x800x64xf32, #tpu.memory_space<vmem>> -> memref<1x50x64xf32, #tpu.memory_space<vmem>>
        %dma_wait3A_1793 = tpu.memref_squeeze %dma_wait3A_1792 : memref<1x50x64xf32, #tpu.memory_space<vmem>> -> memref<50x64xf32, #tpu.memory_space<vmem>>
        %dma_wait3A_1794 = arith.constant 0 : i32
        %dma_wait3A_1795 = arith.constant 0 : i32
        %dma_wait3A_1796 = tpu.memref_slice %arg4[%mul3A_4, %dma_wait3A_1794, %dma_wait3A_1795] : memref<4096x56x128xf32, #tpu.memory_space<hbm>> -> memref<1x50x64xf32, #tpu.memory_space<hbm>>
        %dma_wait3A_1797 = tpu.memref_squeeze %dma_wait3A_1796 : memref<1x50x64xf32, #tpu.memory_space<hbm>> -> memref<50x64xf32, #tpu.memory_space<hbm>>
        %dma_wait3A_1798 = tpu.memref_slice %arg8[%dma_wait3A_1789] : memref<2x!tpu.dma_semaphore, #tpu.memory_space<semaphore_mem>> -> memref<1x!tpu.dma_semaphore, #tpu.memory_space<semaphore_mem>>
        %dma_wait3A_1799 = tpu.memref_squeeze %dma_wait3A_1798 : memref<1x!tpu.dma_semaphore, #tpu.memory_space<semaphore_mem>> -> memref<!tpu.dma_semaphore, #tpu.memory_space<semaphore_mem>>
        %dma_wait3A_1800 = arith.constant 0 : i32
        %dma_wait3A_1801 = arith.constant 0 : i32
        %dma_wait3A_1802 = tpu.memref_slice %arg4[%mul3A_4, %dma_wait3A_1800, %dma_wait3A_1801] : memref<4096x56x128xf32, #tpu.memory_space<hbm>> -> memref<1x50x64xf32, #tpu.memory_space<hbm>>
        %dma_wait3A_1803 = tpu.memref_squeeze %dma_wait3A_1802 : memref<1x50x64xf32, #tpu.memory_space<hbm>> -> memref<50x64xf32, #tpu.memory_space<hbm>>
        %dma_wait3A_1804 = arith.constant 650 : i32
        %dma_wait3A_1805 = arith.constant 0 : i32
        %dma_wait3A_1806 = tpu.memref_slice %arg6[%dma_wait3A_1788, %dma_wait3A_1804, %dma_wait3A_1805] : memref<2x800x64xf32, #tpu.memory_space<vmem>> -> memref<1x50x64xf32, #tpu.memory_space<vmem>>
        %dma_wait3A_1807 = tpu.memref_squeeze %dma_wait3A_1806 : memref<1x50x64xf32, #tpu.memory_space<vmem>> -> memref<50x64xf32, #tpu.memory_space<vmem>>
        tpu.wait_dma2 semaphore(%dma_wait3A_1799 : memref<!tpu.dma_semaphore, #tpu.memory_space<semaphore_mem>>) src(%dma_wait3A_1807 : memref<50x64xf32, #tpu.memory_space<vmem>>) dst(%dma_wait3A_1803 : memref<50x64xf32, #tpu.memory_space<hbm>>)
        %dma_wait3A_1808 = arith.constant 1 : i32
        %dma_wait3A_1809 = arith.constant 1 : i32
        %dma_wait3A_1810 = arith.constant 700 : i32
        %dma_wait3A_1811 = arith.constant 0 : i32
        %dma_wait3A_1812 = tpu.memref_slice %arg6[%dma_wait3A_1808, %dma_wait3A_1810, %dma_wait3A_1811] : memref<2x800x64xf32, #tpu.memory_space<vmem>> -> memref<1x50x64xf32, #tpu.memory_space<vmem>>
        %dma_wait3A_1813 = tpu.memref_squeeze %dma_wait3A_1812 : memref<1x50x64xf32, #tpu.memory_space<vmem>> -> memref<50x64xf32, #tpu.memory_space<vmem>>
        %dma_wait3A_1814 = arith.constant 0 : i32
        %dma_wait3A_1815 = arith.constant 0 : i32
        %dma_wait3A_1816 = tpu.memref_slice %arg4[%mul3A_4, %dma_wait3A_1814, %dma_wait3A_1815] : memref<4096x56x128xf32, #tpu.memory_space<hbm>> -> memref<1x50x64xf32, #tpu.memory_space<hbm>>
        %dma_wait3A_1817 = tpu.memref_squeeze %dma_wait3A_1816 : memref<1x50x64xf32, #tpu.memory_space<hbm>> -> memref<50x64xf32, #tpu.memory_space<hbm>>
        %dma_wait3A_1818 = tpu.memref_slice %arg8[%dma_wait3A_1809] : memref<2x!tpu.dma_semaphore, #tpu.memory_space<semaphore_mem>> -> memref<1x!tpu.dma_semaphore, #tpu.memory_space<semaphore_mem>>
        %dma_wait3A_1819 = tpu.memref_squeeze %dma_wait3A_1818 : memref<1x!tpu.dma_semaphore, #tpu.memory_space<semaphore_mem>> -> memref<!tpu.dma_semaphore, #tpu.memory_space<semaphore_mem>>
        %dma_wait3A_1820 = arith.constant 0 : i32
        %dma_wait3A_1821 = arith.constant 0 : i32
        %dma_wait3A_1822 = tpu.memref_slice %arg4[%mul3A_4, %dma_wait3A_1820, %dma_wait3A_1821] : memref<4096x56x128xf32, #tpu.memory_space<hbm>> -> memref<1x50x64xf32, #tpu.memory_space<hbm>>
        %dma_wait3A_1823 = tpu.memref_squeeze %dma_wait3A_1822 : memref<1x50x64xf32, #tpu.memory_space<hbm>> -> memref<50x64xf32, #tpu.memory_space<hbm>>
        %dma_wait3A_1824 = arith.constant 700 : i32
        %dma_wait3A_1825 = arith.constant 0 : i32
        %dma_wait3A_1826 = tpu.memref_slice %arg6[%dma_wait3A_1808, %dma_wait3A_1824, %dma_wait3A_1825] : memref<2x800x64xf32, #tpu.memory_space<vmem>> -> memref<1x50x64xf32, #tpu.memory_space<vmem>>
        %dma_wait3A_1827 = tpu.memref_squeeze %dma_wait3A_1826 : memref<1x50x64xf32, #tpu.memory_space<vmem>> -> memref<50x64xf32, #tpu.memory_space<vmem>>
        tpu.wait_dma2 semaphore(%dma_wait3A_1819 : memref<!tpu.dma_semaphore, #tpu.memory_space<semaphore_mem>>) src(%dma_wait3A_1827 : memref<50x64xf32, #tpu.memory_space<vmem>>) dst(%dma_wait3A_1823 : memref<50x64xf32, #tpu.memory_space<hbm>>)
        %dma_wait3A_1828 = arith.constant 1 : i32
        %dma_wait3A_1829 = arith.constant 1 : i32
        %dma_wait3A_1830 = arith.constant 750 : i32
        %dma_wait3A_1831 = arith.constant 0 : i32
        %dma_wait3A_1832 = tpu.memref_slice %arg6[%dma_wait3A_1828, %dma_wait3A_1830, %dma_wait3A_1831] : memref<2x800x64xf32, #tpu.memory_space<vmem>> -> memref<1x50x64xf32, #tpu.memory_space<vmem>>
        %dma_wait3A_1833 = tpu.memref_squeeze %dma_wait3A_1832 : memref<1x50x64xf32, #tpu.memory_space<vmem>> -> memref<50x64xf32, #tpu.memory_space<vmem>>
        %dma_wait3A_1834 = arith.constant 0 : i32
        %dma_wait3A_1835 = arith.constant 0 : i32
        %dma_wait3A_1836 = tpu.memref_slice %arg4[%mul3A_4, %dma_wait3A_1834, %dma_wait3A_1835] : memref<4096x56x128xf32, #tpu.memory_space<hbm>> -> memref<1x50x64xf32, #tpu.memory_space<hbm>>
        %dma_wait3A_1837 = tpu.memref_squeeze %dma_wait3A_1836 : memref<1x50x64xf32, #tpu.memory_space<hbm>> -> memref<50x64xf32, #tpu.memory_space<hbm>>
        %dma_wait3A_1838 = tpu.memref_slice %arg8[%dma_wait3A_1829] : memref<2x!tpu.dma_semaphore, #tpu.memory_space<semaphore_mem>> -> memref<1x!tpu.dma_semaphore, #tpu.memory_space<semaphore_mem>>
        %dma_wait3A_1839 = tpu.memref_squeeze %dma_wait3A_1838 : memref<1x!tpu.dma_semaphore, #tpu.memory_space<semaphore_mem>> -> memref<!tpu.dma_semaphore, #tpu.memory_space<semaphore_mem>>
        %dma_wait3A_1840 = arith.constant 0 : i32
        %dma_wait3A_1841 = arith.constant 0 : i32
        %dma_wait3A_1842 = tpu.memref_slice %arg4[%mul3A_4, %dma_wait3A_1840, %dma_wait3A_1841] : memref<4096x56x128xf32, #tpu.memory_space<hbm>> -> memref<1x50x64xf32, #tpu.memory_space<hbm>>
        %dma_wait3A_1843 = tpu.memref_squeeze %dma_wait3A_1842 : memref<1x50x64xf32, #tpu.memory_space<hbm>> -> memref<50x64xf32, #tpu.memory_space<hbm>>
        %dma_wait3A_1844 = arith.constant 750 : i32
        %dma_wait3A_1845 = arith.constant 0 : i32
        %dma_wait3A_1846 = tpu.memref_slice %arg6[%dma_wait3A_1828, %dma_wait3A_1844, %dma_wait3A_1845] : memref<2x800x64xf32, #tpu.memory_space<vmem>> -> memref<1x50x64xf32, #tpu.memory_space<vmem>>
        %dma_wait3A_1847 = tpu.memref_squeeze %dma_wait3A_1846 : memref<1x50x64xf32, #tpu.memory_space<vmem>> -> memref<50x64xf32, #tpu.memory_space<vmem>>
        tpu.wait_dma2 semaphore(%dma_wait3A_1839 : memref<!tpu.dma_semaphore, #tpu.memory_space<semaphore_mem>>) src(%dma_wait3A_1847 : memref<50x64xf32, #tpu.memory_space<vmem>>) dst(%dma_wait3A_1843 : memref<50x64xf32, #tpu.memory_space<hbm>>)
      } else {
      }
      %mul3A_680 = arith.constant 16 : i32
      %mul3A_681 = arith.muli %add3A_674, %mul3A_680 : i32
      %mul3A_682 = arith.constant 50 : i32
      %mul3A_683 = arith.muli %mul3A_681, %mul3A_682 : i32
      %dma_start3A_684 = arith.constant 1 : i32
      %dma_start3A_685 = arith.constant 1 : i32
      %dma_start3A_686 = arith.constant 0 : i32
      %dma_start3A_687 = arith.constant 0 : i32
      %dma_start3A_688 = tpu.memref_slice %arg6[%dma_start3A_684, %dma_start3A_686, %dma_start3A_687] : memref<2x800x64xf32, #tpu.memory_space<vmem>> -> memref<1x800x64xf32, #tpu.memory_space<vmem>>
      %dma_start3A_689 = tpu.memref_squeeze %dma_start3A_688 : memref<1x800x64xf32, #tpu.memory_space<vmem>> -> memref<800x64xf32, #tpu.memory_space<vmem>>
      %dma_start3A_690 = tpu.memref_slice %arg5[%mul3A_683] : memref<6400xi32, #tpu.memory_space<vmem>> -> memref<800xi32, #tpu.memory_space<vmem>>
      %dma_start3A_691 = arith.constant 0 : i32
      %dma_start3A_692 = arith.constant 0 : i32
      %dma_start3A_693 = tpu.memref_slice %arg2[%dma_start3A_691, %dma_start3A_692] : memref<100000x64xf32, #tpu.memory_space<hbm>> -> memref<100000x64xf32, #tpu.memory_space<hbm>>
      %dma_start3A_694 = tpu.memref_slice %arg7[%dma_start3A_685] : memref<2x!tpu.dma_semaphore, #tpu.memory_space<semaphore_mem>> -> memref<1x!tpu.dma_semaphore, #tpu.memory_space<semaphore_mem>>
      %dma_start3A_695 = tpu.memref_squeeze %dma_start3A_694 : memref<1x!tpu.dma_semaphore, #tpu.memory_space<semaphore_mem>> -> memref<!tpu.dma_semaphore, #tpu.memory_space<semaphore_mem>>
      tpu.enqueue_indirect_dma source(%dma_start3A_693 : memref<100000x64xf32, #tpu.memory_space<hbm>>) target(%dma_start3A_689 : memref<800x64xf32, #tpu.memory_space<vmem>>) offsets(%dma_start3A_690 : memref<800xi32, #tpu.memory_space<vmem>>) semaphore(%dma_start3A_695 : memref<!tpu.dma_semaphore, #tpu.memory_space<semaphore_mem>>)
      %mul3A_696 = arith.constant 2 : i32
      %mul3A_697 = arith.muli %mul3A_696, %scan3A_649 : i32
      %add3A_698 = arith.constant 0 : i32
      %add3A_699 = arith.addi %mul3A_697, %add3A_698 : i32
      %dma_wait3A_700 = arith.constant 0 : i32
      %dma_wait3A_701 = arith.constant 0 : i32
      %dma_wait3A_702 = arith.constant 0 : i32
      %dma_wait3A_703 = arith.constant 0 : i32
      %dma_wait3A_704 = tpu.memref_slice %arg6[%dma_wait3A_700, %dma_wait3A_702, %dma_wait3A_703] : memref<2x800x64xf32, #tpu.memory_space<vmem>> -> memref<1x800x64xf32, #tpu.memory_space<vmem>>
      %dma_wait3A_705 = tpu.memref_squeeze %dma_wait3A_704 : memref<1x800x64xf32, #tpu.memory_space<vmem>> -> memref<800x64xf32, #tpu.memory_space<vmem>>
      %dma_wait3A_706 = tpu.memref_slice %arg5[%mul3A_659] : memref<6400xi32, #tpu.memory_space<vmem>> -> memref<800xi32, #tpu.memory_space<vmem>>
      %dma_wait3A_707 = arith.constant 0 : i32
      %dma_wait3A_708 = arith.constant 0 : i32
      %dma_wait3A_709 = tpu.memref_slice %arg2[%dma_wait3A_707, %dma_wait3A_708] : memref<100000x64xf32, #tpu.memory_space<hbm>> -> memref<100000x64xf32, #tpu.memory_space<hbm>>
      %dma_wait3A_710 = tpu.memref_slice %arg7[%dma_wait3A_701] : memref<2x!tpu.dma_semaphore, #tpu.memory_space<semaphore_mem>> -> memref<1x!tpu.dma_semaphore, #tpu.memory_space<semaphore_mem>>
      %dma_wait3A_711 = tpu.memref_squeeze %dma_wait3A_710 : memref<1x!tpu.dma_semaphore, #tpu.memory_space<semaphore_mem>> -> memref<!tpu.dma_semaphore, #tpu.memory_space<semaphore_mem>>
      tpu.wait_indirect_dma semaphore(%dma_wait3A_711 : memref<!tpu.dma_semaphore, #tpu.memory_space<semaphore_mem>>) src(%dma_wait3A_709 : memref<100000x64xf32, #tpu.memory_space<hbm>>) dst(%dma_wait3A_705 : memref<800x64xf32, #tpu.memory_space<vmem>>)
      %mul3A_712 = arith.constant 16 : i32
      %mul3A_713 = arith.muli %add3A_699, %mul3A_712 : i32
      %add3A_714 = arith.addi %mul3A_4, %mul3A_713 : i32
      %add3A_715 = arith.constant 0 : i32
      %add3A_716 = arith.addi %add3A_714, %add3A_715 : i32
      %dma_start3A_717 = arith.constant 0 : i32
      %dma_start3A_718 = arith.constant 0 : i32
      %dma_start3A_719 = arith.constant 0 : i32
      %dma_start3A_720 = arith.constant 0 : i32
      %dma_start3A_721 = tpu.memref_slice %arg6[%dma_start3A_717, %dma_start3A_719, %dma_start3A_720] : memref<2x800x64xf32, #tpu.memory_space<vmem>> -> memref<1x50x64xf32, #tpu.memory_space<vmem>>
      %dma_start3A_722 = tpu.memref_squeeze %dma_start3A_721 : memref<1x50x64xf32, #tpu.memory_space<vmem>> -> memref<50x64xf32, #tpu.memory_space<vmem>>
      %dma_start3A_723 = arith.constant 0 : i32
      %dma_start3A_724 = arith.constant 0 : i32
      %dma_start3A_725 = tpu.memref_slice %arg4[%add3A_716, %dma_start3A_723, %dma_start3A_724] : memref<4096x56x128xf32, #tpu.memory_space<hbm>> -> memref<1x50x64xf32, #tpu.memory_space<hbm>>
      %dma_start3A_726 = tpu.memref_squeeze %dma_start3A_725 : memref<1x50x64xf32, #tpu.memory_space<hbm>> -> memref<50x64xf32, #tpu.memory_space<hbm>>
      %dma_start3A_727 = tpu.memref_slice %arg8[%dma_start3A_718] : memref<2x!tpu.dma_semaphore, #tpu.memory_space<semaphore_mem>> -> memref<1x!tpu.dma_semaphore, #tpu.memory_space<semaphore_mem>>
      %dma_start3A_728 = tpu.memref_squeeze %dma_start3A_727 : memref<1x!tpu.dma_semaphore, #tpu.memory_space<semaphore_mem>> -> memref<!tpu.dma_semaphore, #tpu.memory_space<semaphore_mem>>
      %dma_start3A_729 = arith.constant 0 : i32
      %dma_start3A_730 = arith.constant 0 : i32
      %dma_start3A_731 = tpu.memref_slice %arg4[%add3A_716, %dma_start3A_729, %dma_start3A_730] : memref<4096x56x128xf32, #tpu.memory_space<hbm>> -> memref<1x50x64xf32, #tpu.memory_space<hbm>>
      %dma_start3A_732 = tpu.memref_squeeze %dma_start3A_731 : memref<1x50x64xf32, #tpu.memory_space<hbm>> -> memref<50x64xf32, #tpu.memory_space<hbm>>
      %dma_start3A_733 = arith.constant 0 : i32
      %dma_start3A_734 = arith.constant 0 : i32
      %dma_start3A_735 = tpu.memref_slice %arg6[%dma_start3A_717, %dma_start3A_733, %dma_start3A_734] : memref<2x800x64xf32, #tpu.memory_space<vmem>> -> memref<1x50x64xf32, #tpu.memory_space<vmem>>
      %dma_start3A_736 = tpu.memref_squeeze %dma_start3A_735 : memref<1x50x64xf32, #tpu.memory_space<vmem>> -> memref<50x64xf32, #tpu.memory_space<vmem>>
      tpu.enqueue_dma source(%dma_start3A_736 : memref<50x64xf32, #tpu.memory_space<vmem>>) target(%dma_start3A_732 : memref<50x64xf32, #tpu.memory_space<hbm>>) target_semaphore(%dma_start3A_728 : memref<!tpu.dma_semaphore, #tpu.memory_space<semaphore_mem>>)
      %mul3A_737 = arith.constant 16 : i32
      %mul3A_738 = arith.muli %add3A_699, %mul3A_737 : i32
      %add3A_739 = arith.addi %mul3A_4, %mul3A_738 : i32
      %add3A_740 = arith.constant 1 : i32
      %add3A_741 = arith.addi %add3A_739, %add3A_740 : i32
      %dma_start3A_742 = arith.constant 0 : i32
      %dma_start3A_743 = arith.constant 0 : i32
      %dma_start3A_744 = arith.constant 50 : i32
      %dma_start3A_745 = arith.constant 0 : i32
      %dma_start3A_746 = tpu.memref_slice %arg6[%dma_start3A_742, %dma_start3A_744, %dma_start3A_745] : memref<2x800x64xf32, #tpu.memory_space<vmem>> -> memref<1x50x64xf32, #tpu.memory_space<vmem>>
      %dma_start3A_747 = tpu.memref_squeeze %dma_start3A_746 : memref<1x50x64xf32, #tpu.memory_space<vmem>> -> memref<50x64xf32, #tpu.memory_space<vmem>>
      %dma_start3A_748 = arith.constant 0 : i32
      %dma_start3A_749 = arith.constant 0 : i32
      %dma_start3A_750 = tpu.memref_slice %arg4[%add3A_741, %dma_start3A_748, %dma_start3A_749] : memref<4096x56x128xf32, #tpu.memory_space<hbm>> -> memref<1x50x64xf32, #tpu.memory_space<hbm>>
      %dma_start3A_751 = tpu.memref_squeeze %dma_start3A_750 : memref<1x50x64xf32, #tpu.memory_space<hbm>> -> memref<50x64xf32, #tpu.memory_space<hbm>>
      %dma_start3A_752 = tpu.memref_slice %arg8[%dma_start3A_743] : memref<2x!tpu.dma_semaphore, #tpu.memory_space<semaphore_mem>> -> memref<1x!tpu.dma_semaphore, #tpu.memory_space<semaphore_mem>>
      %dma_start3A_753 = tpu.memref_squeeze %dma_start3A_752 : memref<1x!tpu.dma_semaphore, #tpu.memory_space<semaphore_mem>> -> memref<!tpu.dma_semaphore, #tpu.memory_space<semaphore_mem>>
      %dma_start3A_754 = arith.constant 0 : i32
      %dma_start3A_755 = arith.constant 0 : i32
      %dma_start3A_756 = tpu.memref_slice %arg4[%add3A_741, %dma_start3A_754, %dma_start3A_755] : memref<4096x56x128xf32, #tpu.memory_space<hbm>> -> memref<1x50x64xf32, #tpu.memory_space<hbm>>
      %dma_start3A_757 = tpu.memref_squeeze %dma_start3A_756 : memref<1x50x64xf32, #tpu.memory_space<hbm>> -> memref<50x64xf32, #tpu.memory_space<hbm>>
      %dma_start3A_758 = arith.constant 50 : i32
      %dma_start3A_759 = arith.constant 0 : i32
      %dma_start3A_760 = tpu.memref_slice %arg6[%dma_start3A_742, %dma_start3A_758, %dma_start3A_759] : memref<2x800x64xf32, #tpu.memory_space<vmem>> -> memref<1x50x64xf32, #tpu.memory_space<vmem>>
      %dma_start3A_761 = tpu.memref_squeeze %dma_start3A_760 : memref<1x50x64xf32, #tpu.memory_space<vmem>> -> memref<50x64xf32, #tpu.memory_space<vmem>>
      tpu.enqueue_dma source(%dma_start3A_761 : memref<50x64xf32, #tpu.memory_space<vmem>>) target(%dma_start3A_757 : memref<50x64xf32, #tpu.memory_space<hbm>>) target_semaphore(%dma_start3A_753 : memref<!tpu.dma_semaphore, #tpu.memory_space<semaphore_mem>>)
      %mul3A_762 = arith.constant 16 : i32
      %mul3A_763 = arith.muli %add3A_699, %mul3A_762 : i32
      %add3A_764 = arith.addi %mul3A_4, %mul3A_763 : i32
      %add3A_765 = arith.constant 2 : i32
      %add3A_766 = arith.addi %add3A_764, %add3A_765 : i32
      %dma_start3A_767 = arith.constant 0 : i32
      %dma_start3A_768 = arith.constant 0 : i32
      %dma_start3A_769 = arith.constant 100 : i32
      %dma_start3A_770 = arith.constant 0 : i32
      %dma_start3A_771 = tpu.memref_slice %arg6[%dma_start3A_767, %dma_start3A_769, %dma_start3A_770] : memref<2x800x64xf32, #tpu.memory_space<vmem>> -> memref<1x50x64xf32, #tpu.memory_space<vmem>>
      %dma_start3A_772 = tpu.memref_squeeze %dma_start3A_771 : memref<1x50x64xf32, #tpu.memory_space<vmem>> -> memref<50x64xf32, #tpu.memory_space<vmem>>
      %dma_start3A_773 = arith.constant 0 : i32
      %dma_start3A_774 = arith.constant 0 : i32
      %dma_start3A_775 = tpu.memref_slice %arg4[%add3A_766, %dma_start3A_773, %dma_start3A_774] : memref<4096x56x128xf32, #tpu.memory_space<hbm>> -> memref<1x50x64xf32, #tpu.memory_space<hbm>>
      %dma_start3A_776 = tpu.memref_squeeze %dma_start3A_775 : memref<1x50x64xf32, #tpu.memory_space<hbm>> -> memref<50x64xf32, #tpu.memory_space<hbm>>
      %dma_start3A_777 = tpu.memref_slice %arg8[%dma_start3A_768] : memref<2x!tpu.dma_semaphore, #tpu.memory_space<semaphore_mem>> -> memref<1x!tpu.dma_semaphore, #tpu.memory_space<semaphore_mem>>
      %dma_start3A_778 = tpu.memref_squeeze %dma_start3A_777 : memref<1x!tpu.dma_semaphore, #tpu.memory_space<semaphore_mem>> -> memref<!tpu.dma_semaphore, #tpu.memory_space<semaphore_mem>>
      %dma_start3A_779 = arith.constant 0 : i32
      %dma_start3A_780 = arith.constant 0 : i32
      %dma_start3A_781 = tpu.memref_slice %arg4[%add3A_766, %dma_start3A_779, %dma_start3A_780] : memref<4096x56x128xf32, #tpu.memory_space<hbm>> -> memref<1x50x64xf32, #tpu.memory_space<hbm>>
      %dma_start3A_782 = tpu.memref_squeeze %dma_start3A_781 : memref<1x50x64xf32, #tpu.memory_space<hbm>> -> memref<50x64xf32, #tpu.memory_space<hbm>>
      %dma_start3A_783 = arith.constant 100 : i32
      %dma_start3A_784 = arith.constant 0 : i32
      %dma_start3A_785 = tpu.memref_slice %arg6[%dma_start3A_767, %dma_start3A_783, %dma_start3A_784] : memref<2x800x64xf32, #tpu.memory_space<vmem>> -> memref<1x50x64xf32, #tpu.memory_space<vmem>>
      %dma_start3A_786 = tpu.memref_squeeze %dma_start3A_785 : memref<1x50x64xf32, #tpu.memory_space<vmem>> -> memref<50x64xf32, #tpu.memory_space<vmem>>
      tpu.enqueue_dma source(%dma_start3A_786 : memref<50x64xf32, #tpu.memory_space<vmem>>) target(%dma_start3A_782 : memref<50x64xf32, #tpu.memory_space<hbm>>) target_semaphore(%dma_start3A_778 : memref<!tpu.dma_semaphore, #tpu.memory_space<semaphore_mem>>)
      %mul3A_787 = arith.constant 16 : i32
      %mul3A_788 = arith.muli %add3A_699, %mul3A_787 : i32
      %add3A_789 = arith.addi %mul3A_4, %mul3A_788 : i32
      %add3A_790 = arith.constant 3 : i32
      %add3A_791 = arith.addi %add3A_789, %add3A_790 : i32
      %dma_start3A_792 = arith.constant 0 : i32
      %dma_start3A_793 = arith.constant 0 : i32
      %dma_start3A_794 = arith.constant 150 : i32
      %dma_start3A_795 = arith.constant 0 : i32
      %dma_start3A_796 = tpu.memref_slice %arg6[%dma_start3A_792, %dma_start3A_794, %dma_start3A_795] : memref<2x800x64xf32, #tpu.memory_space<vmem>> -> memref<1x50x64xf32, #tpu.memory_space<vmem>>
      %dma_start3A_797 = tpu.memref_squeeze %dma_start3A_796 : memref<1x50x64xf32, #tpu.memory_space<vmem>> -> memref<50x64xf32, #tpu.memory_space<vmem>>
      %dma_start3A_798 = arith.constant 0 : i32
      %dma_start3A_799 = arith.constant 0 : i32
      %dma_start3A_800 = tpu.memref_slice %arg4[%add3A_791, %dma_start3A_798, %dma_start3A_799] : memref<4096x56x128xf32, #tpu.memory_space<hbm>> -> memref<1x50x64xf32, #tpu.memory_space<hbm>>
      %dma_start3A_801 = tpu.memref_squeeze %dma_start3A_800 : memref<1x50x64xf32, #tpu.memory_space<hbm>> -> memref<50x64xf32, #tpu.memory_space<hbm>>
      %dma_start3A_802 = tpu.memref_slice %arg8[%dma_start3A_793] : memref<2x!tpu.dma_semaphore, #tpu.memory_space<semaphore_mem>> -> memref<1x!tpu.dma_semaphore, #tpu.memory_space<semaphore_mem>>
      %dma_start3A_803 = tpu.memref_squeeze %dma_start3A_802 : memref<1x!tpu.dma_semaphore, #tpu.memory_space<semaphore_mem>> -> memref<!tpu.dma_semaphore, #tpu.memory_space<semaphore_mem>>
      %dma_start3A_804 = arith.constant 0 : i32
      %dma_start3A_805 = arith.constant 0 : i32
      %dma_start3A_806 = tpu.memref_slice %arg4[%add3A_791, %dma_start3A_804, %dma_start3A_805] : memref<4096x56x128xf32, #tpu.memory_space<hbm>> -> memref<1x50x64xf32, #tpu.memory_space<hbm>>
      %dma_start3A_807 = tpu.memref_squeeze %dma_start3A_806 : memref<1x50x64xf32, #tpu.memory_space<hbm>> -> memref<50x64xf32, #tpu.memory_space<hbm>>
      %dma_start3A_808 = arith.constant 150 : i32
      %dma_start3A_809 = arith.constant 0 : i32
      %dma_start3A_810 = tpu.memref_slice %arg6[%dma_start3A_792, %dma_start3A_808, %dma_start3A_809] : memref<2x800x64xf32, #tpu.memory_space<vmem>> -> memref<1x50x64xf32, #tpu.memory_space<vmem>>
      %dma_start3A_811 = tpu.memref_squeeze %dma_start3A_810 : memref<1x50x64xf32, #tpu.memory_space<vmem>> -> memref<50x64xf32, #tpu.memory_space<vmem>>
      tpu.enqueue_dma source(%dma_start3A_811 : memref<50x64xf32, #tpu.memory_space<vmem>>) target(%dma_start3A_807 : memref<50x64xf32, #tpu.memory_space<hbm>>) target_semaphore(%dma_start3A_803 : memref<!tpu.dma_semaphore, #tpu.memory_space<semaphore_mem>>)
      %mul3A_812 = arith.constant 16 : i32
      %mul3A_813 = arith.muli %add3A_699, %mul3A_812 : i32
      %add3A_814 = arith.addi %mul3A_4, %mul3A_813 : i32
      %add3A_815 = arith.constant 4 : i32
      %add3A_816 = arith.addi %add3A_814, %add3A_815 : i32
      %dma_start3A_817 = arith.constant 0 : i32
      %dma_start3A_818 = arith.constant 0 : i32
      %dma_start3A_819 = arith.constant 200 : i32
      %dma_start3A_820 = arith.constant 0 : i32
      %dma_start3A_821 = tpu.memref_slice %arg6[%dma_start3A_817, %dma_start3A_819, %dma_start3A_820] : memref<2x800x64xf32, #tpu.memory_space<vmem>> -> memref<1x50x64xf32, #tpu.memory_space<vmem>>
      %dma_start3A_822 = tpu.memref_squeeze %dma_start3A_821 : memref<1x50x64xf32, #tpu.memory_space<vmem>> -> memref<50x64xf32, #tpu.memory_space<vmem>>
      %dma_start3A_823 = arith.constant 0 : i32
      %dma_start3A_824 = arith.constant 0 : i32
      %dma_start3A_825 = tpu.memref_slice %arg4[%add3A_816, %dma_start3A_823, %dma_start3A_824] : memref<4096x56x128xf32, #tpu.memory_space<hbm>> -> memref<1x50x64xf32, #tpu.memory_space<hbm>>
      %dma_start3A_826 = tpu.memref_squeeze %dma_start3A_825 : memref<1x50x64xf32, #tpu.memory_space<hbm>> -> memref<50x64xf32, #tpu.memory_space<hbm>>
      %dma_start3A_827 = tpu.memref_slice %arg8[%dma_start3A_818] : memref<2x!tpu.dma_semaphore, #tpu.memory_space<semaphore_mem>> -> memref<1x!tpu.dma_semaphore, #tpu.memory_space<semaphore_mem>>
      %dma_start3A_828 = tpu.memref_squeeze %dma_start3A_827 : memref<1x!tpu.dma_semaphore, #tpu.memory_space<semaphore_mem>> -> memref<!tpu.dma_semaphore, #tpu.memory_space<semaphore_mem>>
      %dma_start3A_829 = arith.constant 0 : i32
      %dma_start3A_830 = arith.constant 0 : i32
      %dma_start3A_831 = tpu.memref_slice %arg4[%add3A_816, %dma_start3A_829, %dma_start3A_830] : memref<4096x56x128xf32, #tpu.memory_space<hbm>> -> memref<1x50x64xf32, #tpu.memory_space<hbm>>
      %dma_start3A_832 = tpu.memref_squeeze %dma_start3A_831 : memref<1x50x64xf32, #tpu.memory_space<hbm>> -> memref<50x64xf32, #tpu.memory_space<hbm>>
      %dma_start3A_833 = arith.constant 200 : i32
      %dma_start3A_834 = arith.constant 0 : i32
      %dma_start3A_835 = tpu.memref_slice %arg6[%dma_start3A_817, %dma_start3A_833, %dma_start3A_834] : memref<2x800x64xf32, #tpu.memory_space<vmem>> -> memref<1x50x64xf32, #tpu.memory_space<vmem>>
      %dma_start3A_836 = tpu.memref_squeeze %dma_start3A_835 : memref<1x50x64xf32, #tpu.memory_space<vmem>> -> memref<50x64xf32, #tpu.memory_space<vmem>>
      tpu.enqueue_dma source(%dma_start3A_836 : memref<50x64xf32, #tpu.memory_space<vmem>>) target(%dma_start3A_832 : memref<50x64xf32, #tpu.memory_space<hbm>>) target_semaphore(%dma_start3A_828 : memref<!tpu.dma_semaphore, #tpu.memory_space<semaphore_mem>>)
      %mul3A_837 = arith.constant 16 : i32
      %mul3A_838 = arith.muli %add3A_699, %mul3A_837 : i32
      %add3A_839 = arith.addi %mul3A_4, %mul3A_838 : i32
      %add3A_840 = arith.constant 5 : i32
      %add3A_841 = arith.addi %add3A_839, %add3A_840 : i32
      %dma_start3A_842 = arith.constant 0 : i32
      %dma_start3A_843 = arith.constant 0 : i32
      %dma_start3A_844 = arith.constant 250 : i32
      %dma_start3A_845 = arith.constant 0 : i32
      %dma_start3A_846 = tpu.memref_slice %arg6[%dma_start3A_842, %dma_start3A_844, %dma_start3A_845] : memref<2x800x64xf32, #tpu.memory_space<vmem>> -> memref<1x50x64xf32, #tpu.memory_space<vmem>>
      %dma_start3A_847 = tpu.memref_squeeze %dma_start3A_846 : memref<1x50x64xf32, #tpu.memory_space<vmem>> -> memref<50x64xf32, #tpu.memory_space<vmem>>
      %dma_start3A_848 = arith.constant 0 : i32
      %dma_start3A_849 = arith.constant 0 : i32
      %dma_start3A_850 = tpu.memref_slice %arg4[%add3A_841, %dma_start3A_848, %dma_start3A_849] : memref<4096x56x128xf32, #tpu.memory_space<hbm>> -> memref<1x50x64xf32, #tpu.memory_space<hbm>>
      %dma_start3A_851 = tpu.memref_squeeze %dma_start3A_850 : memref<1x50x64xf32, #tpu.memory_space<hbm>> -> memref<50x64xf32, #tpu.memory_space<hbm>>
      %dma_start3A_852 = tpu.memref_slice %arg8[%dma_start3A_843] : memref<2x!tpu.dma_semaphore, #tpu.memory_space<semaphore_mem>> -> memref<1x!tpu.dma_semaphore, #tpu.memory_space<semaphore_mem>>
      %dma_start3A_853 = tpu.memref_squeeze %dma_start3A_852 : memref<1x!tpu.dma_semaphore, #tpu.memory_space<semaphore_mem>> -> memref<!tpu.dma_semaphore, #tpu.memory_space<semaphore_mem>>
      %dma_start3A_854 = arith.constant 0 : i32
      %dma_start3A_855 = arith.constant 0 : i32
      %dma_start3A_856 = tpu.memref_slice %arg4[%add3A_841, %dma_start3A_854, %dma_start3A_855] : memref<4096x56x128xf32, #tpu.memory_space<hbm>> -> memref<1x50x64xf32, #tpu.memory_space<hbm>>
      %dma_start3A_857 = tpu.memref_squeeze %dma_start3A_856 : memref<1x50x64xf32, #tpu.memory_space<hbm>> -> memref<50x64xf32, #tpu.memory_space<hbm>>
      %dma_start3A_858 = arith.constant 250 : i32
      %dma_start3A_859 = arith.constant 0 : i32
      %dma_start3A_860 = tpu.memref_slice %arg6[%dma_start3A_842, %dma_start3A_858, %dma_start3A_859] : memref<2x800x64xf32, #tpu.memory_space<vmem>> -> memref<1x50x64xf32, #tpu.memory_space<vmem>>
      %dma_start3A_861 = tpu.memref_squeeze %dma_start3A_860 : memref<1x50x64xf32, #tpu.memory_space<vmem>> -> memref<50x64xf32, #tpu.memory_space<vmem>>
      tpu.enqueue_dma source(%dma_start3A_861 : memref<50x64xf32, #tpu.memory_space<vmem>>) target(%dma_start3A_857 : memref<50x64xf32, #tpu.memory_space<hbm>>) target_semaphore(%dma_start3A_853 : memref<!tpu.dma_semaphore, #tpu.memory_space<semaphore_mem>>)
      %mul3A_862 = arith.constant 16 : i32
      %mul3A_863 = arith.muli %add3A_699, %mul3A_862 : i32
      %add3A_864 = arith.addi %mul3A_4, %mul3A_863 : i32
      %add3A_865 = arith.constant 6 : i32
      %add3A_866 = arith.addi %add3A_864, %add3A_865 : i32
      %dma_start3A_867 = arith.constant 0 : i32
      %dma_start3A_868 = arith.constant 0 : i32
      %dma_start3A_869 = arith.constant 300 : i32
      %dma_start3A_870 = arith.constant 0 : i32
      %dma_start3A_871 = tpu.memref_slice %arg6[%dma_start3A_867, %dma_start3A_869, %dma_start3A_870] : memref<2x800x64xf32, #tpu.memory_space<vmem>> -> memref<1x50x64xf32, #tpu.memory_space<vmem>>
      %dma_start3A_872 = tpu.memref_squeeze %dma_start3A_871 : memref<1x50x64xf32, #tpu.memory_space<vmem>> -> memref<50x64xf32, #tpu.memory_space<vmem>>
      %dma_start3A_873 = arith.constant 0 : i32
      %dma_start3A_874 = arith.constant 0 : i32
      %dma_start3A_875 = tpu.memref_slice %arg4[%add3A_866, %dma_start3A_873, %dma_start3A_874] : memref<4096x56x128xf32, #tpu.memory_space<hbm>> -> memref<1x50x64xf32, #tpu.memory_space<hbm>>
      %dma_start3A_876 = tpu.memref_squeeze %dma_start3A_875 : memref<1x50x64xf32, #tpu.memory_space<hbm>> -> memref<50x64xf32, #tpu.memory_space<hbm>>
      %dma_start3A_877 = tpu.memref_slice %arg8[%dma_start3A_868] : memref<2x!tpu.dma_semaphore, #tpu.memory_space<semaphore_mem>> -> memref<1x!tpu.dma_semaphore, #tpu.memory_space<semaphore_mem>>
      %dma_start3A_878 = tpu.memref_squeeze %dma_start3A_877 : memref<1x!tpu.dma_semaphore, #tpu.memory_space<semaphore_mem>> -> memref<!tpu.dma_semaphore, #tpu.memory_space<semaphore_mem>>
      %dma_start3A_879 = arith.constant 0 : i32
      %dma_start3A_880 = arith.constant 0 : i32
      %dma_start3A_881 = tpu.memref_slice %arg4[%add3A_866, %dma_start3A_879, %dma_start3A_880] : memref<4096x56x128xf32, #tpu.memory_space<hbm>> -> memref<1x50x64xf32, #tpu.memory_space<hbm>>
      %dma_start3A_882 = tpu.memref_squeeze %dma_start3A_881 : memref<1x50x64xf32, #tpu.memory_space<hbm>> -> memref<50x64xf32, #tpu.memory_space<hbm>>
      %dma_start3A_883 = arith.constant 300 : i32
      %dma_start3A_884 = arith.constant 0 : i32
      %dma_start3A_885 = tpu.memref_slice %arg6[%dma_start3A_867, %dma_start3A_883, %dma_start3A_884] : memref<2x800x64xf32, #tpu.memory_space<vmem>> -> memref<1x50x64xf32, #tpu.memory_space<vmem>>
      %dma_start3A_886 = tpu.memref_squeeze %dma_start3A_885 : memref<1x50x64xf32, #tpu.memory_space<vmem>> -> memref<50x64xf32, #tpu.memory_space<vmem>>
      tpu.enqueue_dma source(%dma_start3A_886 : memref<50x64xf32, #tpu.memory_space<vmem>>) target(%dma_start3A_882 : memref<50x64xf32, #tpu.memory_space<hbm>>) target_semaphore(%dma_start3A_878 : memref<!tpu.dma_semaphore, #tpu.memory_space<semaphore_mem>>)
      %mul3A_887 = arith.constant 16 : i32
      %mul3A_888 = arith.muli %add3A_699, %mul3A_887 : i32
      %add3A_889 = arith.addi %mul3A_4, %mul3A_888 : i32
      %add3A_890 = arith.constant 7 : i32
      %add3A_891 = arith.addi %add3A_889, %add3A_890 : i32
      %dma_start3A_892 = arith.constant 0 : i32
      %dma_start3A_893 = arith.constant 0 : i32
      %dma_start3A_894 = arith.constant 350 : i32
      %dma_start3A_895 = arith.constant 0 : i32
      %dma_start3A_896 = tpu.memref_slice %arg6[%dma_start3A_892, %dma_start3A_894, %dma_start3A_895] : memref<2x800x64xf32, #tpu.memory_space<vmem>> -> memref<1x50x64xf32, #tpu.memory_space<vmem>>
      %dma_start3A_897 = tpu.memref_squeeze %dma_start3A_896 : memref<1x50x64xf32, #tpu.memory_space<vmem>> -> memref<50x64xf32, #tpu.memory_space<vmem>>
      %dma_start3A_898 = arith.constant 0 : i32
      %dma_start3A_899 = arith.constant 0 : i32
      %dma_start3A_900 = tpu.memref_slice %arg4[%add3A_891, %dma_start3A_898, %dma_start3A_899] : memref<4096x56x128xf32, #tpu.memory_space<hbm>> -> memref<1x50x64xf32, #tpu.memory_space<hbm>>
      %dma_start3A_901 = tpu.memref_squeeze %dma_start3A_900 : memref<1x50x64xf32, #tpu.memory_space<hbm>> -> memref<50x64xf32, #tpu.memory_space<hbm>>
      %dma_start3A_902 = tpu.memref_slice %arg8[%dma_start3A_893] : memref<2x!tpu.dma_semaphore, #tpu.memory_space<semaphore_mem>> -> memref<1x!tpu.dma_semaphore, #tpu.memory_space<semaphore_mem>>
      %dma_start3A_903 = tpu.memref_squeeze %dma_start3A_902 : memref<1x!tpu.dma_semaphore, #tpu.memory_space<semaphore_mem>> -> memref<!tpu.dma_semaphore, #tpu.memory_space<semaphore_mem>>
      %dma_start3A_904 = arith.constant 0 : i32
      %dma_start3A_905 = arith.constant 0 : i32
      %dma_start3A_906 = tpu.memref_slice %arg4[%add3A_891, %dma_start3A_904, %dma_start3A_905] : memref<4096x56x128xf32, #tpu.memory_space<hbm>> -> memref<1x50x64xf32, #tpu.memory_space<hbm>>
      %dma_start3A_907 = tpu.memref_squeeze %dma_start3A_906 : memref<1x50x64xf32, #tpu.memory_space<hbm>> -> memref<50x64xf32, #tpu.memory_space<hbm>>
      %dma_start3A_908 = arith.constant 350 : i32
      %dma_start3A_909 = arith.constant 0 : i32
      %dma_start3A_910 = tpu.memref_slice %arg6[%dma_start3A_892, %dma_start3A_908, %dma_start3A_909] : memref<2x800x64xf32, #tpu.memory_space<vmem>> -> memref<1x50x64xf32, #tpu.memory_space<vmem>>
      %dma_start3A_911 = tpu.memref_squeeze %dma_start3A_910 : memref<1x50x64xf32, #tpu.memory_space<vmem>> -> memref<50x64xf32, #tpu.memory_space<vmem>>
      tpu.enqueue_dma source(%dma_start3A_911 : memref<50x64xf32, #tpu.memory_space<vmem>>) target(%dma_start3A_907 : memref<50x64xf32, #tpu.memory_space<hbm>>) target_semaphore(%dma_start3A_903 : memref<!tpu.dma_semaphore, #tpu.memory_space<semaphore_mem>>)
      %mul3A_912 = arith.constant 16 : i32
      %mul3A_913 = arith.muli %add3A_699, %mul3A_912 : i32
      %add3A_914 = arith.addi %mul3A_4, %mul3A_913 : i32
      %add3A_915 = arith.constant 8 : i32
      %add3A_916 = arith.addi %add3A_914, %add3A_915 : i32
      %dma_start3A_917 = arith.constant 0 : i32
      %dma_start3A_918 = arith.constant 0 : i32
      %dma_start3A_919 = arith.constant 400 : i32
      %dma_start3A_920 = arith.constant 0 : i32
      %dma_start3A_921 = tpu.memref_slice %arg6[%dma_start3A_917, %dma_start3A_919, %dma_start3A_920] : memref<2x800x64xf32, #tpu.memory_space<vmem>> -> memref<1x50x64xf32, #tpu.memory_space<vmem>>
      %dma_start3A_922 = tpu.memref_squeeze %dma_start3A_921 : memref<1x50x64xf32, #tpu.memory_space<vmem>> -> memref<50x64xf32, #tpu.memory_space<vmem>>
      %dma_start3A_923 = arith.constant 0 : i32
      %dma_start3A_924 = arith.constant 0 : i32
      %dma_start3A_925 = tpu.memref_slice %arg4[%add3A_916, %dma_start3A_923, %dma_start3A_924] : memref<4096x56x128xf32, #tpu.memory_space<hbm>> -> memref<1x50x64xf32, #tpu.memory_space<hbm>>
      %dma_start3A_926 = tpu.memref_squeeze %dma_start3A_925 : memref<1x50x64xf32, #tpu.memory_space<hbm>> -> memref<50x64xf32, #tpu.memory_space<hbm>>
      %dma_start3A_927 = tpu.memref_slice %arg8[%dma_start3A_918] : memref<2x!tpu.dma_semaphore, #tpu.memory_space<semaphore_mem>> -> memref<1x!tpu.dma_semaphore, #tpu.memory_space<semaphore_mem>>
      %dma_start3A_928 = tpu.memref_squeeze %dma_start3A_927 : memref<1x!tpu.dma_semaphore, #tpu.memory_space<semaphore_mem>> -> memref<!tpu.dma_semaphore, #tpu.memory_space<semaphore_mem>>
      %dma_start3A_929 = arith.constant 0 : i32
      %dma_start3A_930 = arith.constant 0 : i32
      %dma_start3A_931 = tpu.memref_slice %arg4[%add3A_916, %dma_start3A_929, %dma_start3A_930] : memref<4096x56x128xf32, #tpu.memory_space<hbm>> -> memref<1x50x64xf32, #tpu.memory_space<hbm>>
      %dma_start3A_932 = tpu.memref_squeeze %dma_start3A_931 : memref<1x50x64xf32, #tpu.memory_space<hbm>> -> memref<50x64xf32, #tpu.memory_space<hbm>>
      %dma_start3A_933 = arith.constant 400 : i32
      %dma_start3A_934 = arith.constant 0 : i32
      %dma_start3A_935 = tpu.memref_slice %arg6[%dma_start3A_917, %dma_start3A_933, %dma_start3A_934] : memref<2x800x64xf32, #tpu.memory_space<vmem>> -> memref<1x50x64xf32, #tpu.memory_space<vmem>>
      %dma_start3A_936 = tpu.memref_squeeze %dma_start3A_935 : memref<1x50x64xf32, #tpu.memory_space<vmem>> -> memref<50x64xf32, #tpu.memory_space<vmem>>
      tpu.enqueue_dma source(%dma_start3A_936 : memref<50x64xf32, #tpu.memory_space<vmem>>) target(%dma_start3A_932 : memref<50x64xf32, #tpu.memory_space<hbm>>) target_semaphore(%dma_start3A_928 : memref<!tpu.dma_semaphore, #tpu.memory_space<semaphore_mem>>)
      %mul3A_937 = arith.constant 16 : i32
      %mul3A_938 = arith.muli %add3A_699, %mul3A_937 : i32
      %add3A_939 = arith.addi %mul3A_4, %mul3A_938 : i32
      %add3A_940 = arith.constant 9 : i32
      %add3A_941 = arith.addi %add3A_939, %add3A_940 : i32
      %dma_start3A_942 = arith.constant 0 : i32
      %dma_start3A_943 = arith.constant 0 : i32
      %dma_start3A_944 = arith.constant 450 : i32
      %dma_start3A_945 = arith.constant 0 : i32
      %dma_start3A_946 = tpu.memref_slice %arg6[%dma_start3A_942, %dma_start3A_944, %dma_start3A_945] : memref<2x800x64xf32, #tpu.memory_space<vmem>> -> memref<1x50x64xf32, #tpu.memory_space<vmem>>
      %dma_start3A_947 = tpu.memref_squeeze %dma_start3A_946 : memref<1x50x64xf32, #tpu.memory_space<vmem>> -> memref<50x64xf32, #tpu.memory_space<vmem>>
      %dma_start3A_948 = arith.constant 0 : i32
      %dma_start3A_949 = arith.constant 0 : i32
      %dma_start3A_950 = tpu.memref_slice %arg4[%add3A_941, %dma_start3A_948, %dma_start3A_949] : memref<4096x56x128xf32, #tpu.memory_space<hbm>> -> memref<1x50x64xf32, #tpu.memory_space<hbm>>
      %dma_start3A_951 = tpu.memref_squeeze %dma_start3A_950 : memref<1x50x64xf32, #tpu.memory_space<hbm>> -> memref<50x64xf32, #tpu.memory_space<hbm>>
      %dma_start3A_952 = tpu.memref_slice %arg8[%dma_start3A_943] : memref<2x!tpu.dma_semaphore, #tpu.memory_space<semaphore_mem>> -> memref<1x!tpu.dma_semaphore, #tpu.memory_space<semaphore_mem>>
      %dma_start3A_953 = tpu.memref_squeeze %dma_start3A_952 : memref<1x!tpu.dma_semaphore, #tpu.memory_space<semaphore_mem>> -> memref<!tpu.dma_semaphore, #tpu.memory_space<semaphore_mem>>
      %dma_start3A_954 = arith.constant 0 : i32
      %dma_start3A_955 = arith.constant 0 : i32
      %dma_start3A_956 = tpu.memref_slice %arg4[%add3A_941, %dma_start3A_954, %dma_start3A_955] : memref<4096x56x128xf32, #tpu.memory_space<hbm>> -> memref<1x50x64xf32, #tpu.memory_space<hbm>>
      %dma_start3A_957 = tpu.memref_squeeze %dma_start3A_956 : memref<1x50x64xf32, #tpu.memory_space<hbm>> -> memref<50x64xf32, #tpu.memory_space<hbm>>
      %dma_start3A_958 = arith.constant 450 : i32
      %dma_start3A_959 = arith.constant 0 : i32
      %dma_start3A_960 = tpu.memref_slice %arg6[%dma_start3A_942, %dma_start3A_958, %dma_start3A_959] : memref<2x800x64xf32, #tpu.memory_space<vmem>> -> memref<1x50x64xf32, #tpu.memory_space<vmem>>
      %dma_start3A_961 = tpu.memref_squeeze %dma_start3A_960 : memref<1x50x64xf32, #tpu.memory_space<vmem>> -> memref<50x64xf32, #tpu.memory_space<vmem>>
      tpu.enqueue_dma source(%dma_start3A_961 : memref<50x64xf32, #tpu.memory_space<vmem>>) target(%dma_start3A_957 : memref<50x64xf32, #tpu.memory_space<hbm>>) target_semaphore(%dma_start3A_953 : memref<!tpu.dma_semaphore, #tpu.memory_space<semaphore_mem>>)
      %mul3A_962 = arith.constant 16 : i32
      %mul3A_963 = arith.muli %add3A_699, %mul3A_962 : i32
      %add3A_964 = arith.addi %mul3A_4, %mul3A_963 : i32
      %add3A_965 = arith.constant 10 : i32
      %add3A_966 = arith.addi %add3A_964, %add3A_965 : i32
      %dma_start3A_967 = arith.constant 0 : i32
      %dma_start3A_968 = arith.constant 0 : i32
      %dma_start3A_969 = arith.constant 500 : i32
      %dma_start3A_970 = arith.constant 0 : i32
      %dma_start3A_971 = tpu.memref_slice %arg6[%dma_start3A_967, %dma_start3A_969, %dma_start3A_970] : memref<2x800x64xf32, #tpu.memory_space<vmem>> -> memref<1x50x64xf32, #tpu.memory_space<vmem>>
      %dma_start3A_972 = tpu.memref_squeeze %dma_start3A_971 : memref<1x50x64xf32, #tpu.memory_space<vmem>> -> memref<50x64xf32, #tpu.memory_space<vmem>>
      %dma_start3A_973 = arith.constant 0 : i32
      %dma_start3A_974 = arith.constant 0 : i32
      %dma_start3A_975 = tpu.memref_slice %arg4[%add3A_966, %dma_start3A_973, %dma_start3A_974] : memref<4096x56x128xf32, #tpu.memory_space<hbm>> -> memref<1x50x64xf32, #tpu.memory_space<hbm>>
      %dma_start3A_976 = tpu.memref_squeeze %dma_start3A_975 : memref<1x50x64xf32, #tpu.memory_space<hbm>> -> memref<50x64xf32, #tpu.memory_space<hbm>>
      %dma_start3A_977 = tpu.memref_slice %arg8[%dma_start3A_968] : memref<2x!tpu.dma_semaphore, #tpu.memory_space<semaphore_mem>> -> memref<1x!tpu.dma_semaphore, #tpu.memory_space<semaphore_mem>>
      %dma_start3A_978 = tpu.memref_squeeze %dma_start3A_977 : memref<1x!tpu.dma_semaphore, #tpu.memory_space<semaphore_mem>> -> memref<!tpu.dma_semaphore, #tpu.memory_space<semaphore_mem>>
      %dma_start3A_979 = arith.constant 0 : i32
      %dma_start3A_980 = arith.constant 0 : i32
      %dma_start3A_981 = tpu.memref_slice %arg4[%add3A_966, %dma_start3A_979, %dma_start3A_980] : memref<4096x56x128xf32, #tpu.memory_space<hbm>> -> memref<1x50x64xf32, #tpu.memory_space<hbm>>
      %dma_start3A_982 = tpu.memref_squeeze %dma_start3A_981 : memref<1x50x64xf32, #tpu.memory_space<hbm>> -> memref<50x64xf32, #tpu.memory_space<hbm>>
      %dma_start3A_983 = arith.constant 500 : i32
      %dma_start3A_984 = arith.constant 0 : i32
      %dma_start3A_985 = tpu.memref_slice %arg6[%dma_start3A_967, %dma_start3A_983, %dma_start3A_984] : memref<2x800x64xf32, #tpu.memory_space<vmem>> -> memref<1x50x64xf32, #tpu.memory_space<vmem>>
      %dma_start3A_986 = tpu.memref_squeeze %dma_start3A_985 : memref<1x50x64xf32, #tpu.memory_space<vmem>> -> memref<50x64xf32, #tpu.memory_space<vmem>>
      tpu.enqueue_dma source(%dma_start3A_986 : memref<50x64xf32, #tpu.memory_space<vmem>>) target(%dma_start3A_982 : memref<50x64xf32, #tpu.memory_space<hbm>>) target_semaphore(%dma_start3A_978 : memref<!tpu.dma_semaphore, #tpu.memory_space<semaphore_mem>>)
      %mul3A_987 = arith.constant 16 : i32
      %mul3A_988 = arith.muli %add3A_699, %mul3A_987 : i32
      %add3A_989 = arith.addi %mul3A_4, %mul3A_988 : i32
      %add3A_990 = arith.constant 11 : i32
      %add3A_991 = arith.addi %add3A_989, %add3A_990 : i32
      %dma_start3A_992 = arith.constant 0 : i32
      %dma_start3A_993 = arith.constant 0 : i32
      %dma_start3A_994 = arith.constant 550 : i32
      %dma_start3A_995 = arith.constant 0 : i32
      %dma_start3A_996 = tpu.memref_slice %arg6[%dma_start3A_992, %dma_start3A_994, %dma_start3A_995] : memref<2x800x64xf32, #tpu.memory_space<vmem>> -> memref<1x50x64xf32, #tpu.memory_space<vmem>>
      %dma_start3A_997 = tpu.memref_squeeze %dma_start3A_996 : memref<1x50x64xf32, #tpu.memory_space<vmem>> -> memref<50x64xf32, #tpu.memory_space<vmem>>
      %dma_start3A_998 = arith.constant 0 : i32
      %dma_start3A_999 = arith.constant 0 : i32
      %dma_start3A_1000 = tpu.memref_slice %arg4[%add3A_991, %dma_start3A_998, %dma_start3A_999] : memref<4096x56x128xf32, #tpu.memory_space<hbm>> -> memref<1x50x64xf32, #tpu.memory_space<hbm>>
      %dma_start3A_1001 = tpu.memref_squeeze %dma_start3A_1000 : memref<1x50x64xf32, #tpu.memory_space<hbm>> -> memref<50x64xf32, #tpu.memory_space<hbm>>
      %dma_start3A_1002 = tpu.memref_slice %arg8[%dma_start3A_993] : memref<2x!tpu.dma_semaphore, #tpu.memory_space<semaphore_mem>> -> memref<1x!tpu.dma_semaphore, #tpu.memory_space<semaphore_mem>>
      %dma_start3A_1003 = tpu.memref_squeeze %dma_start3A_1002 : memref<1x!tpu.dma_semaphore, #tpu.memory_space<semaphore_mem>> -> memref<!tpu.dma_semaphore, #tpu.memory_space<semaphore_mem>>
      %dma_start3A_1004 = arith.constant 0 : i32
      %dma_start3A_1005 = arith.constant 0 : i32
      %dma_start3A_1006 = tpu.memref_slice %arg4[%add3A_991, %dma_start3A_1004, %dma_start3A_1005] : memref<4096x56x128xf32, #tpu.memory_space<hbm>> -> memref<1x50x64xf32, #tpu.memory_space<hbm>>
      %dma_start3A_1007 = tpu.memref_squeeze %dma_start3A_1006 : memref<1x50x64xf32, #tpu.memory_space<hbm>> -> memref<50x64xf32, #tpu.memory_space<hbm>>
      %dma_start3A_1008 = arith.constant 550 : i32
      %dma_start3A_1009 = arith.constant 0 : i32
      %dma_start3A_1010 = tpu.memref_slice %arg6[%dma_start3A_992, %dma_start3A_1008, %dma_start3A_1009] : memref<2x800x64xf32, #tpu.memory_space<vmem>> -> memref<1x50x64xf32, #tpu.memory_space<vmem>>
      %dma_start3A_1011 = tpu.memref_squeeze %dma_start3A_1010 : memref<1x50x64xf32, #tpu.memory_space<vmem>> -> memref<50x64xf32, #tpu.memory_space<vmem>>
      tpu.enqueue_dma source(%dma_start3A_1011 : memref<50x64xf32, #tpu.memory_space<vmem>>) target(%dma_start3A_1007 : memref<50x64xf32, #tpu.memory_space<hbm>>) target_semaphore(%dma_start3A_1003 : memref<!tpu.dma_semaphore, #tpu.memory_space<semaphore_mem>>)
      %mul3A_1012 = arith.constant 16 : i32
      %mul3A_1013 = arith.muli %add3A_699, %mul3A_1012 : i32
      %add3A_1014 = arith.addi %mul3A_4, %mul3A_1013 : i32
      %add3A_1015 = arith.constant 12 : i32
      %add3A_1016 = arith.addi %add3A_1014, %add3A_1015 : i32
      %dma_start3A_1017 = arith.constant 0 : i32
      %dma_start3A_1018 = arith.constant 0 : i32
      %dma_start3A_1019 = arith.constant 600 : i32
      %dma_start3A_1020 = arith.constant 0 : i32
      %dma_start3A_1021 = tpu.memref_slice %arg6[%dma_start3A_1017, %dma_start3A_1019, %dma_start3A_1020] : memref<2x800x64xf32, #tpu.memory_space<vmem>> -> memref<1x50x64xf32, #tpu.memory_space<vmem>>
      %dma_start3A_1022 = tpu.memref_squeeze %dma_start3A_1021 : memref<1x50x64xf32, #tpu.memory_space<vmem>> -> memref<50x64xf32, #tpu.memory_space<vmem>>
      %dma_start3A_1023 = arith.constant 0 : i32
      %dma_start3A_1024 = arith.constant 0 : i32
      %dma_start3A_1025 = tpu.memref_slice %arg4[%add3A_1016, %dma_start3A_1023, %dma_start3A_1024] : memref<4096x56x128xf32, #tpu.memory_space<hbm>> -> memref<1x50x64xf32, #tpu.memory_space<hbm>>
      %dma_start3A_1026 = tpu.memref_squeeze %dma_start3A_1025 : memref<1x50x64xf32, #tpu.memory_space<hbm>> -> memref<50x64xf32, #tpu.memory_space<hbm>>
      %dma_start3A_1027 = tpu.memref_slice %arg8[%dma_start3A_1018] : memref<2x!tpu.dma_semaphore, #tpu.memory_space<semaphore_mem>> -> memref<1x!tpu.dma_semaphore, #tpu.memory_space<semaphore_mem>>
      %dma_start3A_1028 = tpu.memref_squeeze %dma_start3A_1027 : memref<1x!tpu.dma_semaphore, #tpu.memory_space<semaphore_mem>> -> memref<!tpu.dma_semaphore, #tpu.memory_space<semaphore_mem>>
      %dma_start3A_1029 = arith.constant 0 : i32
      %dma_start3A_1030 = arith.constant 0 : i32
      %dma_start3A_1031 = tpu.memref_slice %arg4[%add3A_1016, %dma_start3A_1029, %dma_start3A_1030] : memref<4096x56x128xf32, #tpu.memory_space<hbm>> -> memref<1x50x64xf32, #tpu.memory_space<hbm>>
      %dma_start3A_1032 = tpu.memref_squeeze %dma_start3A_1031 : memref<1x50x64xf32, #tpu.memory_space<hbm>> -> memref<50x64xf32, #tpu.memory_space<hbm>>
      %dma_start3A_1033 = arith.constant 600 : i32
      %dma_start3A_1034 = arith.constant 0 : i32
      %dma_start3A_1035 = tpu.memref_slice %arg6[%dma_start3A_1017, %dma_start3A_1033, %dma_start3A_1034] : memref<2x800x64xf32, #tpu.memory_space<vmem>> -> memref<1x50x64xf32, #tpu.memory_space<vmem>>
      %dma_start3A_1036 = tpu.memref_squeeze %dma_start3A_1035 : memref<1x50x64xf32, #tpu.memory_space<vmem>> -> memref<50x64xf32, #tpu.memory_space<vmem>>
      tpu.enqueue_dma source(%dma_start3A_1036 : memref<50x64xf32, #tpu.memory_space<vmem>>) target(%dma_start3A_1032 : memref<50x64xf32, #tpu.memory_space<hbm>>) target_semaphore(%dma_start3A_1028 : memref<!tpu.dma_semaphore, #tpu.memory_space<semaphore_mem>>)
      %mul3A_1037 = arith.constant 16 : i32
      %mul3A_1038 = arith.muli %add3A_699, %mul3A_1037 : i32
      %add3A_1039 = arith.addi %mul3A_4, %mul3A_1038 : i32
      %add3A_1040 = arith.constant 13 : i32
      %add3A_1041 = arith.addi %add3A_1039, %add3A_1040 : i32
      %dma_start3A_1042 = arith.constant 0 : i32
      %dma_start3A_1043 = arith.constant 0 : i32
      %dma_start3A_1044 = arith.constant 650 : i32
      %dma_start3A_1045 = arith.constant 0 : i32
      %dma_start3A_1046 = tpu.memref_slice %arg6[%dma_start3A_1042, %dma_start3A_1044, %dma_start3A_1045] : memref<2x800x64xf32, #tpu.memory_space<vmem>> -> memref<1x50x64xf32, #tpu.memory_space<vmem>>
      %dma_start3A_1047 = tpu.memref_squeeze %dma_start3A_1046 : memref<1x50x64xf32, #tpu.memory_space<vmem>> -> memref<50x64xf32, #tpu.memory_space<vmem>>
      %dma_start3A_1048 = arith.constant 0 : i32
      %dma_start3A_1049 = arith.constant 0 : i32
      %dma_start3A_1050 = tpu.memref_slice %arg4[%add3A_1041, %dma_start3A_1048, %dma_start3A_1049] : memref<4096x56x128xf32, #tpu.memory_space<hbm>> -> memref<1x50x64xf32, #tpu.memory_space<hbm>>
      %dma_start3A_1051 = tpu.memref_squeeze %dma_start3A_1050 : memref<1x50x64xf32, #tpu.memory_space<hbm>> -> memref<50x64xf32, #tpu.memory_space<hbm>>
      %dma_start3A_1052 = tpu.memref_slice %arg8[%dma_start3A_1043] : memref<2x!tpu.dma_semaphore, #tpu.memory_space<semaphore_mem>> -> memref<1x!tpu.dma_semaphore, #tpu.memory_space<semaphore_mem>>
      %dma_start3A_1053 = tpu.memref_squeeze %dma_start3A_1052 : memref<1x!tpu.dma_semaphore, #tpu.memory_space<semaphore_mem>> -> memref<!tpu.dma_semaphore, #tpu.memory_space<semaphore_mem>>
      %dma_start3A_1054 = arith.constant 0 : i32
      %dma_start3A_1055 = arith.constant 0 : i32
      %dma_start3A_1056 = tpu.memref_slice %arg4[%add3A_1041, %dma_start3A_1054, %dma_start3A_1055] : memref<4096x56x128xf32, #tpu.memory_space<hbm>> -> memref<1x50x64xf32, #tpu.memory_space<hbm>>
      %dma_start3A_1057 = tpu.memref_squeeze %dma_start3A_1056 : memref<1x50x64xf32, #tpu.memory_space<hbm>> -> memref<50x64xf32, #tpu.memory_space<hbm>>
      %dma_start3A_1058 = arith.constant 650 : i32
      %dma_start3A_1059 = arith.constant 0 : i32
      %dma_start3A_1060 = tpu.memref_slice %arg6[%dma_start3A_1042, %dma_start3A_1058, %dma_start3A_1059] : memref<2x800x64xf32, #tpu.memory_space<vmem>> -> memref<1x50x64xf32, #tpu.memory_space<vmem>>
      %dma_start3A_1061 = tpu.memref_squeeze %dma_start3A_1060 : memref<1x50x64xf32, #tpu.memory_space<vmem>> -> memref<50x64xf32, #tpu.memory_space<vmem>>
      tpu.enqueue_dma source(%dma_start3A_1061 : memref<50x64xf32, #tpu.memory_space<vmem>>) target(%dma_start3A_1057 : memref<50x64xf32, #tpu.memory_space<hbm>>) target_semaphore(%dma_start3A_1053 : memref<!tpu.dma_semaphore, #tpu.memory_space<semaphore_mem>>)
      %mul3A_1062 = arith.constant 16 : i32
      %mul3A_1063 = arith.muli %add3A_699, %mul3A_1062 : i32
      %add3A_1064 = arith.addi %mul3A_4, %mul3A_1063 : i32
      %add3A_1065 = arith.constant 14 : i32
      %add3A_1066 = arith.addi %add3A_1064, %add3A_1065 : i32
      %dma_start3A_1067 = arith.constant 0 : i32
      %dma_start3A_1068 = arith.constant 0 : i32
      %dma_start3A_1069 = arith.constant 700 : i32
      %dma_start3A_1070 = arith.constant 0 : i32
      %dma_start3A_1071 = tpu.memref_slice %arg6[%dma_start3A_1067, %dma_start3A_1069, %dma_start3A_1070] : memref<2x800x64xf32, #tpu.memory_space<vmem>> -> memref<1x50x64xf32, #tpu.memory_space<vmem>>
      %dma_start3A_1072 = tpu.memref_squeeze %dma_start3A_1071 : memref<1x50x64xf32, #tpu.memory_space<vmem>> -> memref<50x64xf32, #tpu.memory_space<vmem>>
      %dma_start3A_1073 = arith.constant 0 : i32
      %dma_start3A_1074 = arith.constant 0 : i32
      %dma_start3A_1075 = tpu.memref_slice %arg4[%add3A_1066, %dma_start3A_1073, %dma_start3A_1074] : memref<4096x56x128xf32, #tpu.memory_space<hbm>> -> memref<1x50x64xf32, #tpu.memory_space<hbm>>
      %dma_start3A_1076 = tpu.memref_squeeze %dma_start3A_1075 : memref<1x50x64xf32, #tpu.memory_space<hbm>> -> memref<50x64xf32, #tpu.memory_space<hbm>>
      %dma_start3A_1077 = tpu.memref_slice %arg8[%dma_start3A_1068] : memref<2x!tpu.dma_semaphore, #tpu.memory_space<semaphore_mem>> -> memref<1x!tpu.dma_semaphore, #tpu.memory_space<semaphore_mem>>
      %dma_start3A_1078 = tpu.memref_squeeze %dma_start3A_1077 : memref<1x!tpu.dma_semaphore, #tpu.memory_space<semaphore_mem>> -> memref<!tpu.dma_semaphore, #tpu.memory_space<semaphore_mem>>
      %dma_start3A_1079 = arith.constant 0 : i32
      %dma_start3A_1080 = arith.constant 0 : i32
      %dma_start3A_1081 = tpu.memref_slice %arg4[%add3A_1066, %dma_start3A_1079, %dma_start3A_1080] : memref<4096x56x128xf32, #tpu.memory_space<hbm>> -> memref<1x50x64xf32, #tpu.memory_space<hbm>>
      %dma_start3A_1082 = tpu.memref_squeeze %dma_start3A_1081 : memref<1x50x64xf32, #tpu.memory_space<hbm>> -> memref<50x64xf32, #tpu.memory_space<hbm>>
      %dma_start3A_1083 = arith.constant 700 : i32
      %dma_start3A_1084 = arith.constant 0 : i32
      %dma_start3A_1085 = tpu.memref_slice %arg6[%dma_start3A_1067, %dma_start3A_1083, %dma_start3A_1084] : memref<2x800x64xf32, #tpu.memory_space<vmem>> -> memref<1x50x64xf32, #tpu.memory_space<vmem>>
      %dma_start3A_1086 = tpu.memref_squeeze %dma_start3A_1085 : memref<1x50x64xf32, #tpu.memory_space<vmem>> -> memref<50x64xf32, #tpu.memory_space<vmem>>
      tpu.enqueue_dma source(%dma_start3A_1086 : memref<50x64xf32, #tpu.memory_space<vmem>>) target(%dma_start3A_1082 : memref<50x64xf32, #tpu.memory_space<hbm>>) target_semaphore(%dma_start3A_1078 : memref<!tpu.dma_semaphore, #tpu.memory_space<semaphore_mem>>)
      %mul3A_1087 = arith.constant 16 : i32
      %mul3A_1088 = arith.muli %add3A_699, %mul3A_1087 : i32
      %add3A_1089 = arith.addi %mul3A_4, %mul3A_1088 : i32
      %add3A_1090 = arith.constant 15 : i32
      %add3A_1091 = arith.addi %add3A_1089, %add3A_1090 : i32
      %dma_start3A_1092 = arith.constant 0 : i32
      %dma_start3A_1093 = arith.constant 0 : i32
      %dma_start3A_1094 = arith.constant 750 : i32
      %dma_start3A_1095 = arith.constant 0 : i32
      %dma_start3A_1096 = tpu.memref_slice %arg6[%dma_start3A_1092, %dma_start3A_1094, %dma_start3A_1095] : memref<2x800x64xf32, #tpu.memory_space<vmem>> -> memref<1x50x64xf32, #tpu.memory_space<vmem>>
      %dma_start3A_1097 = tpu.memref_squeeze %dma_start3A_1096 : memref<1x50x64xf32, #tpu.memory_space<vmem>> -> memref<50x64xf32, #tpu.memory_space<vmem>>
      %dma_start3A_1098 = arith.constant 0 : i32
      %dma_start3A_1099 = arith.constant 0 : i32
      %dma_start3A_1100 = tpu.memref_slice %arg4[%add3A_1091, %dma_start3A_1098, %dma_start3A_1099] : memref<4096x56x128xf32, #tpu.memory_space<hbm>> -> memref<1x50x64xf32, #tpu.memory_space<hbm>>
      %dma_start3A_1101 = tpu.memref_squeeze %dma_start3A_1100 : memref<1x50x64xf32, #tpu.memory_space<hbm>> -> memref<50x64xf32, #tpu.memory_space<hbm>>
      %dma_start3A_1102 = tpu.memref_slice %arg8[%dma_start3A_1093] : memref<2x!tpu.dma_semaphore, #tpu.memory_space<semaphore_mem>> -> memref<1x!tpu.dma_semaphore, #tpu.memory_space<semaphore_mem>>
      %dma_start3A_1103 = tpu.memref_squeeze %dma_start3A_1102 : memref<1x!tpu.dma_semaphore, #tpu.memory_space<semaphore_mem>> -> memref<!tpu.dma_semaphore, #tpu.memory_space<semaphore_mem>>
      %dma_start3A_1104 = arith.constant 0 : i32
      %dma_start3A_1105 = arith.constant 0 : i32
      %dma_start3A_1106 = tpu.memref_slice %arg4[%add3A_1091, %dma_start3A_1104, %dma_start3A_1105] : memref<4096x56x128xf32, #tpu.memory_space<hbm>> -> memref<1x50x64xf32, #tpu.memory_space<hbm>>
      %dma_start3A_1107 = tpu.memref_squeeze %dma_start3A_1106 : memref<1x50x64xf32, #tpu.memory_space<hbm>> -> memref<50x64xf32, #tpu.memory_space<hbm>>
      %dma_start3A_1108 = arith.constant 750 : i32
      %dma_start3A_1109 = arith.constant 0 : i32
      %dma_start3A_1110 = tpu.memref_slice %arg6[%dma_start3A_1092, %dma_start3A_1108, %dma_start3A_1109] : memref<2x800x64xf32, #tpu.memory_space<vmem>> -> memref<1x50x64xf32, #tpu.memory_space<vmem>>
      %dma_start3A_1111 = tpu.memref_squeeze %dma_start3A_1110 : memref<1x50x64xf32, #tpu.memory_space<vmem>> -> memref<50x64xf32, #tpu.memory_space<vmem>>
      tpu.enqueue_dma source(%dma_start3A_1111 : memref<50x64xf32, #tpu.memory_space<vmem>>) target(%dma_start3A_1107 : memref<50x64xf32, #tpu.memory_space<hbm>>) target_semaphore(%dma_start3A_1103 : memref<!tpu.dma_semaphore, #tpu.memory_space<semaphore_mem>>)
      %mul3A_1112 = arith.constant 2 : i32
      %mul3A_1113 = arith.muli %mul3A_1112, %scan3A_649 : i32
      %add3A_1114 = arith.constant 1 : i32
      %add3A_1115 = arith.addi %mul3A_1113, %add3A_1114 : i32
      %dma_wait3A_1116 = arith.constant 1 : i32
      %dma_wait3A_1117 = arith.constant 1 : i32
      %dma_wait3A_1118 = arith.constant 0 : i32
      %dma_wait3A_1119 = arith.constant 0 : i32
      %dma_wait3A_1120 = tpu.memref_slice %arg6[%dma_wait3A_1116, %dma_wait3A_1118, %dma_wait3A_1119] : memref<2x800x64xf32, #tpu.memory_space<vmem>> -> memref<1x800x64xf32, #tpu.memory_space<vmem>>
      %dma_wait3A_1121 = tpu.memref_squeeze %dma_wait3A_1120 : memref<1x800x64xf32, #tpu.memory_space<vmem>> -> memref<800x64xf32, #tpu.memory_space<vmem>>
      %dma_wait3A_1122 = tpu.memref_slice %arg5[%mul3A_683] : memref<6400xi32, #tpu.memory_space<vmem>> -> memref<800xi32, #tpu.memory_space<vmem>>
      %dma_wait3A_1123 = arith.constant 0 : i32
      %dma_wait3A_1124 = arith.constant 0 : i32
      %dma_wait3A_1125 = tpu.memref_slice %arg2[%dma_wait3A_1123, %dma_wait3A_1124] : memref<100000x64xf32, #tpu.memory_space<hbm>> -> memref<100000x64xf32, #tpu.memory_space<hbm>>
      %dma_wait3A_1126 = tpu.memref_slice %arg7[%dma_wait3A_1117] : memref<2x!tpu.dma_semaphore, #tpu.memory_space<semaphore_mem>> -> memref<1x!tpu.dma_semaphore, #tpu.memory_space<semaphore_mem>>
      %dma_wait3A_1127 = tpu.memref_squeeze %dma_wait3A_1126 : memref<1x!tpu.dma_semaphore, #tpu.memory_space<semaphore_mem>> -> memref<!tpu.dma_semaphore, #tpu.memory_space<semaphore_mem>>
      tpu.wait_indirect_dma semaphore(%dma_wait3A_1127 : memref<!tpu.dma_semaphore, #tpu.memory_space<semaphore_mem>>) src(%dma_wait3A_1125 : memref<100000x64xf32, #tpu.memory_space<hbm>>) dst(%dma_wait3A_1121 : memref<800x64xf32, #tpu.memory_space<vmem>>)
      %mul3A_1128 = arith.constant 16 : i32
      %mul3A_1129 = arith.muli %add3A_1115, %mul3A_1128 : i32
      %add3A_1130 = arith.addi %mul3A_4, %mul3A_1129 : i32
      %add3A_1131 = arith.constant 0 : i32
      %add3A_1132 = arith.addi %add3A_1130, %add3A_1131 : i32
      %dma_start3A_1133 = arith.constant 1 : i32
      %dma_start3A_1134 = arith.constant 1 : i32
      %dma_start3A_1135 = arith.constant 0 : i32
      %dma_start3A_1136 = arith.constant 0 : i32
      %dma_start3A_1137 = tpu.memref_slice %arg6[%dma_start3A_1133, %dma_start3A_1135, %dma_start3A_1136] : memref<2x800x64xf32, #tpu.memory_space<vmem>> -> memref<1x50x64xf32, #tpu.memory_space<vmem>>
      %dma_start3A_1138 = tpu.memref_squeeze %dma_start3A_1137 : memref<1x50x64xf32, #tpu.memory_space<vmem>> -> memref<50x64xf32, #tpu.memory_space<vmem>>
      %dma_start3A_1139 = arith.constant 0 : i32
      %dma_start3A_1140 = arith.constant 0 : i32
      %dma_start3A_1141 = tpu.memref_slice %arg4[%add3A_1132, %dma_start3A_1139, %dma_start3A_1140] : memref<4096x56x128xf32, #tpu.memory_space<hbm>> -> memref<1x50x64xf32, #tpu.memory_space<hbm>>
      %dma_start3A_1142 = tpu.memref_squeeze %dma_start3A_1141 : memref<1x50x64xf32, #tpu.memory_space<hbm>> -> memref<50x64xf32, #tpu.memory_space<hbm>>
      %dma_start3A_1143 = tpu.memref_slice %arg8[%dma_start3A_1134] : memref<2x!tpu.dma_semaphore, #tpu.memory_space<semaphore_mem>> -> memref<1x!tpu.dma_semaphore, #tpu.memory_space<semaphore_mem>>
      %dma_start3A_1144 = tpu.memref_squeeze %dma_start3A_1143 : memref<1x!tpu.dma_semaphore, #tpu.memory_space<semaphore_mem>> -> memref<!tpu.dma_semaphore, #tpu.memory_space<semaphore_mem>>
      %dma_start3A_1145 = arith.constant 0 : i32
      %dma_start3A_1146 = arith.constant 0 : i32
      %dma_start3A_1147 = tpu.memref_slice %arg4[%add3A_1132, %dma_start3A_1145, %dma_start3A_1146] : memref<4096x56x128xf32, #tpu.memory_space<hbm>> -> memref<1x50x64xf32, #tpu.memory_space<hbm>>
      %dma_start3A_1148 = tpu.memref_squeeze %dma_start3A_1147 : memref<1x50x64xf32, #tpu.memory_space<hbm>> -> memref<50x64xf32, #tpu.memory_space<hbm>>
      %dma_start3A_1149 = arith.constant 0 : i32
      %dma_start3A_1150 = arith.constant 0 : i32
      %dma_start3A_1151 = tpu.memref_slice %arg6[%dma_start3A_1133, %dma_start3A_1149, %dma_start3A_1150] : memref<2x800x64xf32, #tpu.memory_space<vmem>> -> memref<1x50x64xf32, #tpu.memory_space<vmem>>
      %dma_start3A_1152 = tpu.memref_squeeze %dma_start3A_1151 : memref<1x50x64xf32, #tpu.memory_space<vmem>> -> memref<50x64xf32, #tpu.memory_space<vmem>>
      tpu.enqueue_dma source(%dma_start3A_1152 : memref<50x64xf32, #tpu.memory_space<vmem>>) target(%dma_start3A_1148 : memref<50x64xf32, #tpu.memory_space<hbm>>) target_semaphore(%dma_start3A_1144 : memref<!tpu.dma_semaphore, #tpu.memory_space<semaphore_mem>>)
      %mul3A_1153 = arith.constant 16 : i32
      %mul3A_1154 = arith.muli %add3A_1115, %mul3A_1153 : i32
      %add3A_1155 = arith.addi %mul3A_4, %mul3A_1154 : i32
      %add3A_1156 = arith.constant 1 : i32
      %add3A_1157 = arith.addi %add3A_1155, %add3A_1156 : i32
      %dma_start3A_1158 = arith.constant 1 : i32
      %dma_start3A_1159 = arith.constant 1 : i32
      %dma_start3A_1160 = arith.constant 50 : i32
      %dma_start3A_1161 = arith.constant 0 : i32
      %dma_start3A_1162 = tpu.memref_slice %arg6[%dma_start3A_1158, %dma_start3A_1160, %dma_start3A_1161] : memref<2x800x64xf32, #tpu.memory_space<vmem>> -> memref<1x50x64xf32, #tpu.memory_space<vmem>>
      %dma_start3A_1163 = tpu.memref_squeeze %dma_start3A_1162 : memref<1x50x64xf32, #tpu.memory_space<vmem>> -> memref<50x64xf32, #tpu.memory_space<vmem>>
      %dma_start3A_1164 = arith.constant 0 : i32
      %dma_start3A_1165 = arith.constant 0 : i32
      %dma_start3A_1166 = tpu.memref_slice %arg4[%add3A_1157, %dma_start3A_1164, %dma_start3A_1165] : memref<4096x56x128xf32, #tpu.memory_space<hbm>> -> memref<1x50x64xf32, #tpu.memory_space<hbm>>
      %dma_start3A_1167 = tpu.memref_squeeze %dma_start3A_1166 : memref<1x50x64xf32, #tpu.memory_space<hbm>> -> memref<50x64xf32, #tpu.memory_space<hbm>>
      %dma_start3A_1168 = tpu.memref_slice %arg8[%dma_start3A_1159] : memref<2x!tpu.dma_semaphore, #tpu.memory_space<semaphore_mem>> -> memref<1x!tpu.dma_semaphore, #tpu.memory_space<semaphore_mem>>
      %dma_start3A_1169 = tpu.memref_squeeze %dma_start3A_1168 : memref<1x!tpu.dma_semaphore, #tpu.memory_space<semaphore_mem>> -> memref<!tpu.dma_semaphore, #tpu.memory_space<semaphore_mem>>
      %dma_start3A_1170 = arith.constant 0 : i32
      %dma_start3A_1171 = arith.constant 0 : i32
      %dma_start3A_1172 = tpu.memref_slice %arg4[%add3A_1157, %dma_start3A_1170, %dma_start3A_1171] : memref<4096x56x128xf32, #tpu.memory_space<hbm>> -> memref<1x50x64xf32, #tpu.memory_space<hbm>>
      %dma_start3A_1173 = tpu.memref_squeeze %dma_start3A_1172 : memref<1x50x64xf32, #tpu.memory_space<hbm>> -> memref<50x64xf32, #tpu.memory_space<hbm>>
      %dma_start3A_1174 = arith.constant 50 : i32
      %dma_start3A_1175 = arith.constant 0 : i32
      %dma_start3A_1176 = tpu.memref_slice %arg6[%dma_start3A_1158, %dma_start3A_1174, %dma_start3A_1175] : memref<2x800x64xf32, #tpu.memory_space<vmem>> -> memref<1x50x64xf32, #tpu.memory_space<vmem>>
      %dma_start3A_1177 = tpu.memref_squeeze %dma_start3A_1176 : memref<1x50x64xf32, #tpu.memory_space<vmem>> -> memref<50x64xf32, #tpu.memory_space<vmem>>
      tpu.enqueue_dma source(%dma_start3A_1177 : memref<50x64xf32, #tpu.memory_space<vmem>>) target(%dma_start3A_1173 : memref<50x64xf32, #tpu.memory_space<hbm>>) target_semaphore(%dma_start3A_1169 : memref<!tpu.dma_semaphore, #tpu.memory_space<semaphore_mem>>)
      %mul3A_1178 = arith.constant 16 : i32
      %mul3A_1179 = arith.muli %add3A_1115, %mul3A_1178 : i32
      %add3A_1180 = arith.addi %mul3A_4, %mul3A_1179 : i32
      %add3A_1181 = arith.constant 2 : i32
      %add3A_1182 = arith.addi %add3A_1180, %add3A_1181 : i32
      %dma_start3A_1183 = arith.constant 1 : i32
      %dma_start3A_1184 = arith.constant 1 : i32
      %dma_start3A_1185 = arith.constant 100 : i32
      %dma_start3A_1186 = arith.constant 0 : i32
      %dma_start3A_1187 = tpu.memref_slice %arg6[%dma_start3A_1183, %dma_start3A_1185, %dma_start3A_1186] : memref<2x800x64xf32, #tpu.memory_space<vmem>> -> memref<1x50x64xf32, #tpu.memory_space<vmem>>
      %dma_start3A_1188 = tpu.memref_squeeze %dma_start3A_1187 : memref<1x50x64xf32, #tpu.memory_space<vmem>> -> memref<50x64xf32, #tpu.memory_space<vmem>>
      %dma_start3A_1189 = arith.constant 0 : i32
      %dma_start3A_1190 = arith.constant 0 : i32
      %dma_start3A_1191 = tpu.memref_slice %arg4[%add3A_1182, %dma_start3A_1189, %dma_start3A_1190] : memref<4096x56x128xf32, #tpu.memory_space<hbm>> -> memref<1x50x64xf32, #tpu.memory_space<hbm>>
      %dma_start3A_1192 = tpu.memref_squeeze %dma_start3A_1191 : memref<1x50x64xf32, #tpu.memory_space<hbm>> -> memref<50x64xf32, #tpu.memory_space<hbm>>
      %dma_start3A_1193 = tpu.memref_slice %arg8[%dma_start3A_1184] : memref<2x!tpu.dma_semaphore, #tpu.memory_space<semaphore_mem>> -> memref<1x!tpu.dma_semaphore, #tpu.memory_space<semaphore_mem>>
      %dma_start3A_1194 = tpu.memref_squeeze %dma_start3A_1193 : memref<1x!tpu.dma_semaphore, #tpu.memory_space<semaphore_mem>> -> memref<!tpu.dma_semaphore, #tpu.memory_space<semaphore_mem>>
      %dma_start3A_1195 = arith.constant 0 : i32
      %dma_start3A_1196 = arith.constant 0 : i32
      %dma_start3A_1197 = tpu.memref_slice %arg4[%add3A_1182, %dma_start3A_1195, %dma_start3A_1196] : memref<4096x56x128xf32, #tpu.memory_space<hbm>> -> memref<1x50x64xf32, #tpu.memory_space<hbm>>
      %dma_start3A_1198 = tpu.memref_squeeze %dma_start3A_1197 : memref<1x50x64xf32, #tpu.memory_space<hbm>> -> memref<50x64xf32, #tpu.memory_space<hbm>>
      %dma_start3A_1199 = arith.constant 100 : i32
      %dma_start3A_1200 = arith.constant 0 : i32
      %dma_start3A_1201 = tpu.memref_slice %arg6[%dma_start3A_1183, %dma_start3A_1199, %dma_start3A_1200] : memref<2x800x64xf32, #tpu.memory_space<vmem>> -> memref<1x50x64xf32, #tpu.memory_space<vmem>>
      %dma_start3A_1202 = tpu.memref_squeeze %dma_start3A_1201 : memref<1x50x64xf32, #tpu.memory_space<vmem>> -> memref<50x64xf32, #tpu.memory_space<vmem>>
      tpu.enqueue_dma source(%dma_start3A_1202 : memref<50x64xf32, #tpu.memory_space<vmem>>) target(%dma_start3A_1198 : memref<50x64xf32, #tpu.memory_space<hbm>>) target_semaphore(%dma_start3A_1194 : memref<!tpu.dma_semaphore, #tpu.memory_space<semaphore_mem>>)
      %mul3A_1203 = arith.constant 16 : i32
      %mul3A_1204 = arith.muli %add3A_1115, %mul3A_1203 : i32
      %add3A_1205 = arith.addi %mul3A_4, %mul3A_1204 : i32
      %add3A_1206 = arith.constant 3 : i32
      %add3A_1207 = arith.addi %add3A_1205, %add3A_1206 : i32
      %dma_start3A_1208 = arith.constant 1 : i32
      %dma_start3A_1209 = arith.constant 1 : i32
      %dma_start3A_1210 = arith.constant 150 : i32
      %dma_start3A_1211 = arith.constant 0 : i32
      %dma_start3A_1212 = tpu.memref_slice %arg6[%dma_start3A_1208, %dma_start3A_1210, %dma_start3A_1211] : memref<2x800x64xf32, #tpu.memory_space<vmem>> -> memref<1x50x64xf32, #tpu.memory_space<vmem>>
      %dma_start3A_1213 = tpu.memref_squeeze %dma_start3A_1212 : memref<1x50x64xf32, #tpu.memory_space<vmem>> -> memref<50x64xf32, #tpu.memory_space<vmem>>
      %dma_start3A_1214 = arith.constant 0 : i32
      %dma_start3A_1215 = arith.constant 0 : i32
      %dma_start3A_1216 = tpu.memref_slice %arg4[%add3A_1207, %dma_start3A_1214, %dma_start3A_1215] : memref<4096x56x128xf32, #tpu.memory_space<hbm>> -> memref<1x50x64xf32, #tpu.memory_space<hbm>>
      %dma_start3A_1217 = tpu.memref_squeeze %dma_start3A_1216 : memref<1x50x64xf32, #tpu.memory_space<hbm>> -> memref<50x64xf32, #tpu.memory_space<hbm>>
      %dma_start3A_1218 = tpu.memref_slice %arg8[%dma_start3A_1209] : memref<2x!tpu.dma_semaphore, #tpu.memory_space<semaphore_mem>> -> memref<1x!tpu.dma_semaphore, #tpu.memory_space<semaphore_mem>>
      %dma_start3A_1219 = tpu.memref_squeeze %dma_start3A_1218 : memref<1x!tpu.dma_semaphore, #tpu.memory_space<semaphore_mem>> -> memref<!tpu.dma_semaphore, #tpu.memory_space<semaphore_mem>>
      %dma_start3A_1220 = arith.constant 0 : i32
      %dma_start3A_1221 = arith.constant 0 : i32
      %dma_start3A_1222 = tpu.memref_slice %arg4[%add3A_1207, %dma_start3A_1220, %dma_start3A_1221] : memref<4096x56x128xf32, #tpu.memory_space<hbm>> -> memref<1x50x64xf32, #tpu.memory_space<hbm>>
      %dma_start3A_1223 = tpu.memref_squeeze %dma_start3A_1222 : memref<1x50x64xf32, #tpu.memory_space<hbm>> -> memref<50x64xf32, #tpu.memory_space<hbm>>
      %dma_start3A_1224 = arith.constant 150 : i32
      %dma_start3A_1225 = arith.constant 0 : i32
      %dma_start3A_1226 = tpu.memref_slice %arg6[%dma_start3A_1208, %dma_start3A_1224, %dma_start3A_1225] : memref<2x800x64xf32, #tpu.memory_space<vmem>> -> memref<1x50x64xf32, #tpu.memory_space<vmem>>
      %dma_start3A_1227 = tpu.memref_squeeze %dma_start3A_1226 : memref<1x50x64xf32, #tpu.memory_space<vmem>> -> memref<50x64xf32, #tpu.memory_space<vmem>>
      tpu.enqueue_dma source(%dma_start3A_1227 : memref<50x64xf32, #tpu.memory_space<vmem>>) target(%dma_start3A_1223 : memref<50x64xf32, #tpu.memory_space<hbm>>) target_semaphore(%dma_start3A_1219 : memref<!tpu.dma_semaphore, #tpu.memory_space<semaphore_mem>>)
      %mul3A_1228 = arith.constant 16 : i32
      %mul3A_1229 = arith.muli %add3A_1115, %mul3A_1228 : i32
      %add3A_1230 = arith.addi %mul3A_4, %mul3A_1229 : i32
      %add3A_1231 = arith.constant 4 : i32
      %add3A_1232 = arith.addi %add3A_1230, %add3A_1231 : i32
      %dma_start3A_1233 = arith.constant 1 : i32
      %dma_start3A_1234 = arith.constant 1 : i32
      %dma_start3A_1235 = arith.constant 200 : i32
      %dma_start3A_1236 = arith.constant 0 : i32
      %dma_start3A_1237 = tpu.memref_slice %arg6[%dma_start3A_1233, %dma_start3A_1235, %dma_start3A_1236] : memref<2x800x64xf32, #tpu.memory_space<vmem>> -> memref<1x50x64xf32, #tpu.memory_space<vmem>>
      %dma_start3A_1238 = tpu.memref_squeeze %dma_start3A_1237 : memref<1x50x64xf32, #tpu.memory_space<vmem>> -> memref<50x64xf32, #tpu.memory_space<vmem>>
      %dma_start3A_1239 = arith.constant 0 : i32
      %dma_start3A_1240 = arith.constant 0 : i32
      %dma_start3A_1241 = tpu.memref_slice %arg4[%add3A_1232, %dma_start3A_1239, %dma_start3A_1240] : memref<4096x56x128xf32, #tpu.memory_space<hbm>> -> memref<1x50x64xf32, #tpu.memory_space<hbm>>
      %dma_start3A_1242 = tpu.memref_squeeze %dma_start3A_1241 : memref<1x50x64xf32, #tpu.memory_space<hbm>> -> memref<50x64xf32, #tpu.memory_space<hbm>>
      %dma_start3A_1243 = tpu.memref_slice %arg8[%dma_start3A_1234] : memref<2x!tpu.dma_semaphore, #tpu.memory_space<semaphore_mem>> -> memref<1x!tpu.dma_semaphore, #tpu.memory_space<semaphore_mem>>
      %dma_start3A_1244 = tpu.memref_squeeze %dma_start3A_1243 : memref<1x!tpu.dma_semaphore, #tpu.memory_space<semaphore_mem>> -> memref<!tpu.dma_semaphore, #tpu.memory_space<semaphore_mem>>
      %dma_start3A_1245 = arith.constant 0 : i32
      %dma_start3A_1246 = arith.constant 0 : i32
      %dma_start3A_1247 = tpu.memref_slice %arg4[%add3A_1232, %dma_start3A_1245, %dma_start3A_1246] : memref<4096x56x128xf32, #tpu.memory_space<hbm>> -> memref<1x50x64xf32, #tpu.memory_space<hbm>>
      %dma_start3A_1248 = tpu.memref_squeeze %dma_start3A_1247 : memref<1x50x64xf32, #tpu.memory_space<hbm>> -> memref<50x64xf32, #tpu.memory_space<hbm>>
      %dma_start3A_1249 = arith.constant 200 : i32
      %dma_start3A_1250 = arith.constant 0 : i32
      %dma_start3A_1251 = tpu.memref_slice %arg6[%dma_start3A_1233, %dma_start3A_1249, %dma_start3A_1250] : memref<2x800x64xf32, #tpu.memory_space<vmem>> -> memref<1x50x64xf32, #tpu.memory_space<vmem>>
      %dma_start3A_1252 = tpu.memref_squeeze %dma_start3A_1251 : memref<1x50x64xf32, #tpu.memory_space<vmem>> -> memref<50x64xf32, #tpu.memory_space<vmem>>
      tpu.enqueue_dma source(%dma_start3A_1252 : memref<50x64xf32, #tpu.memory_space<vmem>>) target(%dma_start3A_1248 : memref<50x64xf32, #tpu.memory_space<hbm>>) target_semaphore(%dma_start3A_1244 : memref<!tpu.dma_semaphore, #tpu.memory_space<semaphore_mem>>)
      %mul3A_1253 = arith.constant 16 : i32
      %mul3A_1254 = arith.muli %add3A_1115, %mul3A_1253 : i32
      %add3A_1255 = arith.addi %mul3A_4, %mul3A_1254 : i32
      %add3A_1256 = arith.constant 5 : i32
      %add3A_1257 = arith.addi %add3A_1255, %add3A_1256 : i32
      %dma_start3A_1258 = arith.constant 1 : i32
      %dma_start3A_1259 = arith.constant 1 : i32
      %dma_start3A_1260 = arith.constant 250 : i32
      %dma_start3A_1261 = arith.constant 0 : i32
      %dma_start3A_1262 = tpu.memref_slice %arg6[%dma_start3A_1258, %dma_start3A_1260, %dma_start3A_1261] : memref<2x800x64xf32, #tpu.memory_space<vmem>> -> memref<1x50x64xf32, #tpu.memory_space<vmem>>
      %dma_start3A_1263 = tpu.memref_squeeze %dma_start3A_1262 : memref<1x50x64xf32, #tpu.memory_space<vmem>> -> memref<50x64xf32, #tpu.memory_space<vmem>>
      %dma_start3A_1264 = arith.constant 0 : i32
      %dma_start3A_1265 = arith.constant 0 : i32
      %dma_start3A_1266 = tpu.memref_slice %arg4[%add3A_1257, %dma_start3A_1264, %dma_start3A_1265] : memref<4096x56x128xf32, #tpu.memory_space<hbm>> -> memref<1x50x64xf32, #tpu.memory_space<hbm>>
      %dma_start3A_1267 = tpu.memref_squeeze %dma_start3A_1266 : memref<1x50x64xf32, #tpu.memory_space<hbm>> -> memref<50x64xf32, #tpu.memory_space<hbm>>
      %dma_start3A_1268 = tpu.memref_slice %arg8[%dma_start3A_1259] : memref<2x!tpu.dma_semaphore, #tpu.memory_space<semaphore_mem>> -> memref<1x!tpu.dma_semaphore, #tpu.memory_space<semaphore_mem>>
      %dma_start3A_1269 = tpu.memref_squeeze %dma_start3A_1268 : memref<1x!tpu.dma_semaphore, #tpu.memory_space<semaphore_mem>> -> memref<!tpu.dma_semaphore, #tpu.memory_space<semaphore_mem>>
      %dma_start3A_1270 = arith.constant 0 : i32
      %dma_start3A_1271 = arith.constant 0 : i32
      %dma_start3A_1272 = tpu.memref_slice %arg4[%add3A_1257, %dma_start3A_1270, %dma_start3A_1271] : memref<4096x56x128xf32, #tpu.memory_space<hbm>> -> memref<1x50x64xf32, #tpu.memory_space<hbm>>
      %dma_start3A_1273 = tpu.memref_squeeze %dma_start3A_1272 : memref<1x50x64xf32, #tpu.memory_space<hbm>> -> memref<50x64xf32, #tpu.memory_space<hbm>>
      %dma_start3A_1274 = arith.constant 250 : i32
      %dma_start3A_1275 = arith.constant 0 : i32
      %dma_start3A_1276 = tpu.memref_slice %arg6[%dma_start3A_1258, %dma_start3A_1274, %dma_start3A_1275] : memref<2x800x64xf32, #tpu.memory_space<vmem>> -> memref<1x50x64xf32, #tpu.memory_space<vmem>>
      %dma_start3A_1277 = tpu.memref_squeeze %dma_start3A_1276 : memref<1x50x64xf32, #tpu.memory_space<vmem>> -> memref<50x64xf32, #tpu.memory_space<vmem>>
      tpu.enqueue_dma source(%dma_start3A_1277 : memref<50x64xf32, #tpu.memory_space<vmem>>) target(%dma_start3A_1273 : memref<50x64xf32, #tpu.memory_space<hbm>>) target_semaphore(%dma_start3A_1269 : memref<!tpu.dma_semaphore, #tpu.memory_space<semaphore_mem>>)
      %mul3A_1278 = arith.constant 16 : i32
      %mul3A_1279 = arith.muli %add3A_1115, %mul3A_1278 : i32
      %add3A_1280 = arith.addi %mul3A_4, %mul3A_1279 : i32
      %add3A_1281 = arith.constant 6 : i32
      %add3A_1282 = arith.addi %add3A_1280, %add3A_1281 : i32
      %dma_start3A_1283 = arith.constant 1 : i32
      %dma_start3A_1284 = arith.constant 1 : i32
      %dma_start3A_1285 = arith.constant 300 : i32
      %dma_start3A_1286 = arith.constant 0 : i32
      %dma_start3A_1287 = tpu.memref_slice %arg6[%dma_start3A_1283, %dma_start3A_1285, %dma_start3A_1286] : memref<2x800x64xf32, #tpu.memory_space<vmem>> -> memref<1x50x64xf32, #tpu.memory_space<vmem>>
      %dma_start3A_1288 = tpu.memref_squeeze %dma_start3A_1287 : memref<1x50x64xf32, #tpu.memory_space<vmem>> -> memref<50x64xf32, #tpu.memory_space<vmem>>
      %dma_start3A_1289 = arith.constant 0 : i32
      %dma_start3A_1290 = arith.constant 0 : i32
      %dma_start3A_1291 = tpu.memref_slice %arg4[%add3A_1282, %dma_start3A_1289, %dma_start3A_1290] : memref<4096x56x128xf32, #tpu.memory_space<hbm>> -> memref<1x50x64xf32, #tpu.memory_space<hbm>>
      %dma_start3A_1292 = tpu.memref_squeeze %dma_start3A_1291 : memref<1x50x64xf32, #tpu.memory_space<hbm>> -> memref<50x64xf32, #tpu.memory_space<hbm>>
      %dma_start3A_1293 = tpu.memref_slice %arg8[%dma_start3A_1284] : memref<2x!tpu.dma_semaphore, #tpu.memory_space<semaphore_mem>> -> memref<1x!tpu.dma_semaphore, #tpu.memory_space<semaphore_mem>>
      %dma_start3A_1294 = tpu.memref_squeeze %dma_start3A_1293 : memref<1x!tpu.dma_semaphore, #tpu.memory_space<semaphore_mem>> -> memref<!tpu.dma_semaphore, #tpu.memory_space<semaphore_mem>>
      %dma_start3A_1295 = arith.constant 0 : i32
      %dma_start3A_1296 = arith.constant 0 : i32
      %dma_start3A_1297 = tpu.memref_slice %arg4[%add3A_1282, %dma_start3A_1295, %dma_start3A_1296] : memref<4096x56x128xf32, #tpu.memory_space<hbm>> -> memref<1x50x64xf32, #tpu.memory_space<hbm>>
      %dma_start3A_1298 = tpu.memref_squeeze %dma_start3A_1297 : memref<1x50x64xf32, #tpu.memory_space<hbm>> -> memref<50x64xf32, #tpu.memory_space<hbm>>
      %dma_start3A_1299 = arith.constant 300 : i32
      %dma_start3A_1300 = arith.constant 0 : i32
      %dma_start3A_1301 = tpu.memref_slice %arg6[%dma_start3A_1283, %dma_start3A_1299, %dma_start3A_1300] : memref<2x800x64xf32, #tpu.memory_space<vmem>> -> memref<1x50x64xf32, #tpu.memory_space<vmem>>
      %dma_start3A_1302 = tpu.memref_squeeze %dma_start3A_1301 : memref<1x50x64xf32, #tpu.memory_space<vmem>> -> memref<50x64xf32, #tpu.memory_space<vmem>>
      tpu.enqueue_dma source(%dma_start3A_1302 : memref<50x64xf32, #tpu.memory_space<vmem>>) target(%dma_start3A_1298 : memref<50x64xf32, #tpu.memory_space<hbm>>) target_semaphore(%dma_start3A_1294 : memref<!tpu.dma_semaphore, #tpu.memory_space<semaphore_mem>>)
      %mul3A_1303 = arith.constant 16 : i32
      %mul3A_1304 = arith.muli %add3A_1115, %mul3A_1303 : i32
      %add3A_1305 = arith.addi %mul3A_4, %mul3A_1304 : i32
      %add3A_1306 = arith.constant 7 : i32
      %add3A_1307 = arith.addi %add3A_1305, %add3A_1306 : i32
      %dma_start3A_1308 = arith.constant 1 : i32
      %dma_start3A_1309 = arith.constant 1 : i32
      %dma_start3A_1310 = arith.constant 350 : i32
      %dma_start3A_1311 = arith.constant 0 : i32
      %dma_start3A_1312 = tpu.memref_slice %arg6[%dma_start3A_1308, %dma_start3A_1310, %dma_start3A_1311] : memref<2x800x64xf32, #tpu.memory_space<vmem>> -> memref<1x50x64xf32, #tpu.memory_space<vmem>>
      %dma_start3A_1313 = tpu.memref_squeeze %dma_start3A_1312 : memref<1x50x64xf32, #tpu.memory_space<vmem>> -> memref<50x64xf32, #tpu.memory_space<vmem>>
      %dma_start3A_1314 = arith.constant 0 : i32
      %dma_start3A_1315 = arith.constant 0 : i32
      %dma_start3A_1316 = tpu.memref_slice %arg4[%add3A_1307, %dma_start3A_1314, %dma_start3A_1315] : memref<4096x56x128xf32, #tpu.memory_space<hbm>> -> memref<1x50x64xf32, #tpu.memory_space<hbm>>
      %dma_start3A_1317 = tpu.memref_squeeze %dma_start3A_1316 : memref<1x50x64xf32, #tpu.memory_space<hbm>> -> memref<50x64xf32, #tpu.memory_space<hbm>>
      %dma_start3A_1318 = tpu.memref_slice %arg8[%dma_start3A_1309] : memref<2x!tpu.dma_semaphore, #tpu.memory_space<semaphore_mem>> -> memref<1x!tpu.dma_semaphore, #tpu.memory_space<semaphore_mem>>
      %dma_start3A_1319 = tpu.memref_squeeze %dma_start3A_1318 : memref<1x!tpu.dma_semaphore, #tpu.memory_space<semaphore_mem>> -> memref<!tpu.dma_semaphore, #tpu.memory_space<semaphore_mem>>
      %dma_start3A_1320 = arith.constant 0 : i32
      %dma_start3A_1321 = arith.constant 0 : i32
      %dma_start3A_1322 = tpu.memref_slice %arg4[%add3A_1307, %dma_start3A_1320, %dma_start3A_1321] : memref<4096x56x128xf32, #tpu.memory_space<hbm>> -> memref<1x50x64xf32, #tpu.memory_space<hbm>>
      %dma_start3A_1323 = tpu.memref_squeeze %dma_start3A_1322 : memref<1x50x64xf32, #tpu.memory_space<hbm>> -> memref<50x64xf32, #tpu.memory_space<hbm>>
      %dma_start3A_1324 = arith.constant 350 : i32
      %dma_start3A_1325 = arith.constant 0 : i32
      %dma_start3A_1326 = tpu.memref_slice %arg6[%dma_start3A_1308, %dma_start3A_1324, %dma_start3A_1325] : memref<2x800x64xf32, #tpu.memory_space<vmem>> -> memref<1x50x64xf32, #tpu.memory_space<vmem>>
      %dma_start3A_1327 = tpu.memref_squeeze %dma_start3A_1326 : memref<1x50x64xf32, #tpu.memory_space<vmem>> -> memref<50x64xf32, #tpu.memory_space<vmem>>
      tpu.enqueue_dma source(%dma_start3A_1327 : memref<50x64xf32, #tpu.memory_space<vmem>>) target(%dma_start3A_1323 : memref<50x64xf32, #tpu.memory_space<hbm>>) target_semaphore(%dma_start3A_1319 : memref<!tpu.dma_semaphore, #tpu.memory_space<semaphore_mem>>)
      %mul3A_1328 = arith.constant 16 : i32
      %mul3A_1329 = arith.muli %add3A_1115, %mul3A_1328 : i32
      %add3A_1330 = arith.addi %mul3A_4, %mul3A_1329 : i32
      %add3A_1331 = arith.constant 8 : i32
      %add3A_1332 = arith.addi %add3A_1330, %add3A_1331 : i32
      %dma_start3A_1333 = arith.constant 1 : i32
      %dma_start3A_1334 = arith.constant 1 : i32
      %dma_start3A_1335 = arith.constant 400 : i32
      %dma_start3A_1336 = arith.constant 0 : i32
      %dma_start3A_1337 = tpu.memref_slice %arg6[%dma_start3A_1333, %dma_start3A_1335, %dma_start3A_1336] : memref<2x800x64xf32, #tpu.memory_space<vmem>> -> memref<1x50x64xf32, #tpu.memory_space<vmem>>
      %dma_start3A_1338 = tpu.memref_squeeze %dma_start3A_1337 : memref<1x50x64xf32, #tpu.memory_space<vmem>> -> memref<50x64xf32, #tpu.memory_space<vmem>>
      %dma_start3A_1339 = arith.constant 0 : i32
      %dma_start3A_1340 = arith.constant 0 : i32
      %dma_start3A_1341 = tpu.memref_slice %arg4[%add3A_1332, %dma_start3A_1339, %dma_start3A_1340] : memref<4096x56x128xf32, #tpu.memory_space<hbm>> -> memref<1x50x64xf32, #tpu.memory_space<hbm>>
      %dma_start3A_1342 = tpu.memref_squeeze %dma_start3A_1341 : memref<1x50x64xf32, #tpu.memory_space<hbm>> -> memref<50x64xf32, #tpu.memory_space<hbm>>
      %dma_start3A_1343 = tpu.memref_slice %arg8[%dma_start3A_1334] : memref<2x!tpu.dma_semaphore, #tpu.memory_space<semaphore_mem>> -> memref<1x!tpu.dma_semaphore, #tpu.memory_space<semaphore_mem>>
      %dma_start3A_1344 = tpu.memref_squeeze %dma_start3A_1343 : memref<1x!tpu.dma_semaphore, #tpu.memory_space<semaphore_mem>> -> memref<!tpu.dma_semaphore, #tpu.memory_space<semaphore_mem>>
      %dma_start3A_1345 = arith.constant 0 : i32
      %dma_start3A_1346 = arith.constant 0 : i32
      %dma_start3A_1347 = tpu.memref_slice %arg4[%add3A_1332, %dma_start3A_1345, %dma_start3A_1346] : memref<4096x56x128xf32, #tpu.memory_space<hbm>> -> memref<1x50x64xf32, #tpu.memory_space<hbm>>
      %dma_start3A_1348 = tpu.memref_squeeze %dma_start3A_1347 : memref<1x50x64xf32, #tpu.memory_space<hbm>> -> memref<50x64xf32, #tpu.memory_space<hbm>>
      %dma_start3A_1349 = arith.constant 400 : i32
      %dma_start3A_1350 = arith.constant 0 : i32
      %dma_start3A_1351 = tpu.memref_slice %arg6[%dma_start3A_1333, %dma_start3A_1349, %dma_start3A_1350] : memref<2x800x64xf32, #tpu.memory_space<vmem>> -> memref<1x50x64xf32, #tpu.memory_space<vmem>>
      %dma_start3A_1352 = tpu.memref_squeeze %dma_start3A_1351 : memref<1x50x64xf32, #tpu.memory_space<vmem>> -> memref<50x64xf32, #tpu.memory_space<vmem>>
      tpu.enqueue_dma source(%dma_start3A_1352 : memref<50x64xf32, #tpu.memory_space<vmem>>) target(%dma_start3A_1348 : memref<50x64xf32, #tpu.memory_space<hbm>>) target_semaphore(%dma_start3A_1344 : memref<!tpu.dma_semaphore, #tpu.memory_space<semaphore_mem>>)
      %mul3A_1353 = arith.constant 16 : i32
      %mul3A_1354 = arith.muli %add3A_1115, %mul3A_1353 : i32
      %add3A_1355 = arith.addi %mul3A_4, %mul3A_1354 : i32
      %add3A_1356 = arith.constant 9 : i32
      %add3A_1357 = arith.addi %add3A_1355, %add3A_1356 : i32
      %dma_start3A_1358 = arith.constant 1 : i32
      %dma_start3A_1359 = arith.constant 1 : i32
      %dma_start3A_1360 = arith.constant 450 : i32
      %dma_start3A_1361 = arith.constant 0 : i32
      %dma_start3A_1362 = tpu.memref_slice %arg6[%dma_start3A_1358, %dma_start3A_1360, %dma_start3A_1361] : memref<2x800x64xf32, #tpu.memory_space<vmem>> -> memref<1x50x64xf32, #tpu.memory_space<vmem>>
      %dma_start3A_1363 = tpu.memref_squeeze %dma_start3A_1362 : memref<1x50x64xf32, #tpu.memory_space<vmem>> -> memref<50x64xf32, #tpu.memory_space<vmem>>
      %dma_start3A_1364 = arith.constant 0 : i32
      %dma_start3A_1365 = arith.constant 0 : i32
      %dma_start3A_1366 = tpu.memref_slice %arg4[%add3A_1357, %dma_start3A_1364, %dma_start3A_1365] : memref<4096x56x128xf32, #tpu.memory_space<hbm>> -> memref<1x50x64xf32, #tpu.memory_space<hbm>>
      %dma_start3A_1367 = tpu.memref_squeeze %dma_start3A_1366 : memref<1x50x64xf32, #tpu.memory_space<hbm>> -> memref<50x64xf32, #tpu.memory_space<hbm>>
      %dma_start3A_1368 = tpu.memref_slice %arg8[%dma_start3A_1359] : memref<2x!tpu.dma_semaphore, #tpu.memory_space<semaphore_mem>> -> memref<1x!tpu.dma_semaphore, #tpu.memory_space<semaphore_mem>>
      %dma_start3A_1369 = tpu.memref_squeeze %dma_start3A_1368 : memref<1x!tpu.dma_semaphore, #tpu.memory_space<semaphore_mem>> -> memref<!tpu.dma_semaphore, #tpu.memory_space<semaphore_mem>>
      %dma_start3A_1370 = arith.constant 0 : i32
      %dma_start3A_1371 = arith.constant 0 : i32
      %dma_start3A_1372 = tpu.memref_slice %arg4[%add3A_1357, %dma_start3A_1370, %dma_start3A_1371] : memref<4096x56x128xf32, #tpu.memory_space<hbm>> -> memref<1x50x64xf32, #tpu.memory_space<hbm>>
      %dma_start3A_1373 = tpu.memref_squeeze %dma_start3A_1372 : memref<1x50x64xf32, #tpu.memory_space<hbm>> -> memref<50x64xf32, #tpu.memory_space<hbm>>
      %dma_start3A_1374 = arith.constant 450 : i32
      %dma_start3A_1375 = arith.constant 0 : i32
      %dma_start3A_1376 = tpu.memref_slice %arg6[%dma_start3A_1358, %dma_start3A_1374, %dma_start3A_1375] : memref<2x800x64xf32, #tpu.memory_space<vmem>> -> memref<1x50x64xf32, #tpu.memory_space<vmem>>
      %dma_start3A_1377 = tpu.memref_squeeze %dma_start3A_1376 : memref<1x50x64xf32, #tpu.memory_space<vmem>> -> memref<50x64xf32, #tpu.memory_space<vmem>>
      tpu.enqueue_dma source(%dma_start3A_1377 : memref<50x64xf32, #tpu.memory_space<vmem>>) target(%dma_start3A_1373 : memref<50x64xf32, #tpu.memory_space<hbm>>) target_semaphore(%dma_start3A_1369 : memref<!tpu.dma_semaphore, #tpu.memory_space<semaphore_mem>>)
      %mul3A_1378 = arith.constant 16 : i32
      %mul3A_1379 = arith.muli %add3A_1115, %mul3A_1378 : i32
      %add3A_1380 = arith.addi %mul3A_4, %mul3A_1379 : i32
      %add3A_1381 = arith.constant 10 : i32
      %add3A_1382 = arith.addi %add3A_1380, %add3A_1381 : i32
      %dma_start3A_1383 = arith.constant 1 : i32
      %dma_start3A_1384 = arith.constant 1 : i32
      %dma_start3A_1385 = arith.constant 500 : i32
      %dma_start3A_1386 = arith.constant 0 : i32
      %dma_start3A_1387 = tpu.memref_slice %arg6[%dma_start3A_1383, %dma_start3A_1385, %dma_start3A_1386] : memref<2x800x64xf32, #tpu.memory_space<vmem>> -> memref<1x50x64xf32, #tpu.memory_space<vmem>>
      %dma_start3A_1388 = tpu.memref_squeeze %dma_start3A_1387 : memref<1x50x64xf32, #tpu.memory_space<vmem>> -> memref<50x64xf32, #tpu.memory_space<vmem>>
      %dma_start3A_1389 = arith.constant 0 : i32
      %dma_start3A_1390 = arith.constant 0 : i32
      %dma_start3A_1391 = tpu.memref_slice %arg4[%add3A_1382, %dma_start3A_1389, %dma_start3A_1390] : memref<4096x56x128xf32, #tpu.memory_space<hbm>> -> memref<1x50x64xf32, #tpu.memory_space<hbm>>
      %dma_start3A_1392 = tpu.memref_squeeze %dma_start3A_1391 : memref<1x50x64xf32, #tpu.memory_space<hbm>> -> memref<50x64xf32, #tpu.memory_space<hbm>>
      %dma_start3A_1393 = tpu.memref_slice %arg8[%dma_start3A_1384] : memref<2x!tpu.dma_semaphore, #tpu.memory_space<semaphore_mem>> -> memref<1x!tpu.dma_semaphore, #tpu.memory_space<semaphore_mem>>
      %dma_start3A_1394 = tpu.memref_squeeze %dma_start3A_1393 : memref<1x!tpu.dma_semaphore, #tpu.memory_space<semaphore_mem>> -> memref<!tpu.dma_semaphore, #tpu.memory_space<semaphore_mem>>
      %dma_start3A_1395 = arith.constant 0 : i32
      %dma_start3A_1396 = arith.constant 0 : i32
      %dma_start3A_1397 = tpu.memref_slice %arg4[%add3A_1382, %dma_start3A_1395, %dma_start3A_1396] : memref<4096x56x128xf32, #tpu.memory_space<hbm>> -> memref<1x50x64xf32, #tpu.memory_space<hbm>>
      %dma_start3A_1398 = tpu.memref_squeeze %dma_start3A_1397 : memref<1x50x64xf32, #tpu.memory_space<hbm>> -> memref<50x64xf32, #tpu.memory_space<hbm>>
      %dma_start3A_1399 = arith.constant 500 : i32
      %dma_start3A_1400 = arith.constant 0 : i32
      %dma_start3A_1401 = tpu.memref_slice %arg6[%dma_start3A_1383, %dma_start3A_1399, %dma_start3A_1400] : memref<2x800x64xf32, #tpu.memory_space<vmem>> -> memref<1x50x64xf32, #tpu.memory_space<vmem>>
      %dma_start3A_1402 = tpu.memref_squeeze %dma_start3A_1401 : memref<1x50x64xf32, #tpu.memory_space<vmem>> -> memref<50x64xf32, #tpu.memory_space<vmem>>
      tpu.enqueue_dma source(%dma_start3A_1402 : memref<50x64xf32, #tpu.memory_space<vmem>>) target(%dma_start3A_1398 : memref<50x64xf32, #tpu.memory_space<hbm>>) target_semaphore(%dma_start3A_1394 : memref<!tpu.dma_semaphore, #tpu.memory_space<semaphore_mem>>)
      %mul3A_1403 = arith.constant 16 : i32
      %mul3A_1404 = arith.muli %add3A_1115, %mul3A_1403 : i32
      %add3A_1405 = arith.addi %mul3A_4, %mul3A_1404 : i32
      %add3A_1406 = arith.constant 11 : i32
      %add3A_1407 = arith.addi %add3A_1405, %add3A_1406 : i32
      %dma_start3A_1408 = arith.constant 1 : i32
      %dma_start3A_1409 = arith.constant 1 : i32
      %dma_start3A_1410 = arith.constant 550 : i32
      %dma_start3A_1411 = arith.constant 0 : i32
      %dma_start3A_1412 = tpu.memref_slice %arg6[%dma_start3A_1408, %dma_start3A_1410, %dma_start3A_1411] : memref<2x800x64xf32, #tpu.memory_space<vmem>> -> memref<1x50x64xf32, #tpu.memory_space<vmem>>
      %dma_start3A_1413 = tpu.memref_squeeze %dma_start3A_1412 : memref<1x50x64xf32, #tpu.memory_space<vmem>> -> memref<50x64xf32, #tpu.memory_space<vmem>>
      %dma_start3A_1414 = arith.constant 0 : i32
      %dma_start3A_1415 = arith.constant 0 : i32
      %dma_start3A_1416 = tpu.memref_slice %arg4[%add3A_1407, %dma_start3A_1414, %dma_start3A_1415] : memref<4096x56x128xf32, #tpu.memory_space<hbm>> -> memref<1x50x64xf32, #tpu.memory_space<hbm>>
      %dma_start3A_1417 = tpu.memref_squeeze %dma_start3A_1416 : memref<1x50x64xf32, #tpu.memory_space<hbm>> -> memref<50x64xf32, #tpu.memory_space<hbm>>
      %dma_start3A_1418 = tpu.memref_slice %arg8[%dma_start3A_1409] : memref<2x!tpu.dma_semaphore, #tpu.memory_space<semaphore_mem>> -> memref<1x!tpu.dma_semaphore, #tpu.memory_space<semaphore_mem>>
      %dma_start3A_1419 = tpu.memref_squeeze %dma_start3A_1418 : memref<1x!tpu.dma_semaphore, #tpu.memory_space<semaphore_mem>> -> memref<!tpu.dma_semaphore, #tpu.memory_space<semaphore_mem>>
      %dma_start3A_1420 = arith.constant 0 : i32
      %dma_start3A_1421 = arith.constant 0 : i32
      %dma_start3A_1422 = tpu.memref_slice %arg4[%add3A_1407, %dma_start3A_1420, %dma_start3A_1421] : memref<4096x56x128xf32, #tpu.memory_space<hbm>> -> memref<1x50x64xf32, #tpu.memory_space<hbm>>
      %dma_start3A_1423 = tpu.memref_squeeze %dma_start3A_1422 : memref<1x50x64xf32, #tpu.memory_space<hbm>> -> memref<50x64xf32, #tpu.memory_space<hbm>>
      %dma_start3A_1424 = arith.constant 550 : i32
      %dma_start3A_1425 = arith.constant 0 : i32
      %dma_start3A_1426 = tpu.memref_slice %arg6[%dma_start3A_1408, %dma_start3A_1424, %dma_start3A_1425] : memref<2x800x64xf32, #tpu.memory_space<vmem>> -> memref<1x50x64xf32, #tpu.memory_space<vmem>>
      %dma_start3A_1427 = tpu.memref_squeeze %dma_start3A_1426 : memref<1x50x64xf32, #tpu.memory_space<vmem>> -> memref<50x64xf32, #tpu.memory_space<vmem>>
      tpu.enqueue_dma source(%dma_start3A_1427 : memref<50x64xf32, #tpu.memory_space<vmem>>) target(%dma_start3A_1423 : memref<50x64xf32, #tpu.memory_space<hbm>>) target_semaphore(%dma_start3A_1419 : memref<!tpu.dma_semaphore, #tpu.memory_space<semaphore_mem>>)
      %mul3A_1428 = arith.constant 16 : i32
      %mul3A_1429 = arith.muli %add3A_1115, %mul3A_1428 : i32
      %add3A_1430 = arith.addi %mul3A_4, %mul3A_1429 : i32
      %add3A_1431 = arith.constant 12 : i32
      %add3A_1432 = arith.addi %add3A_1430, %add3A_1431 : i32
      %dma_start3A_1433 = arith.constant 1 : i32
      %dma_start3A_1434 = arith.constant 1 : i32
      %dma_start3A_1435 = arith.constant 600 : i32
      %dma_start3A_1436 = arith.constant 0 : i32
      %dma_start3A_1437 = tpu.memref_slice %arg6[%dma_start3A_1433, %dma_start3A_1435, %dma_start3A_1436] : memref<2x800x64xf32, #tpu.memory_space<vmem>> -> memref<1x50x64xf32, #tpu.memory_space<vmem>>
      %dma_start3A_1438 = tpu.memref_squeeze %dma_start3A_1437 : memref<1x50x64xf32, #tpu.memory_space<vmem>> -> memref<50x64xf32, #tpu.memory_space<vmem>>
      %dma_start3A_1439 = arith.constant 0 : i32
      %dma_start3A_1440 = arith.constant 0 : i32
      %dma_start3A_1441 = tpu.memref_slice %arg4[%add3A_1432, %dma_start3A_1439, %dma_start3A_1440] : memref<4096x56x128xf32, #tpu.memory_space<hbm>> -> memref<1x50x64xf32, #tpu.memory_space<hbm>>
      %dma_start3A_1442 = tpu.memref_squeeze %dma_start3A_1441 : memref<1x50x64xf32, #tpu.memory_space<hbm>> -> memref<50x64xf32, #tpu.memory_space<hbm>>
      %dma_start3A_1443 = tpu.memref_slice %arg8[%dma_start3A_1434] : memref<2x!tpu.dma_semaphore, #tpu.memory_space<semaphore_mem>> -> memref<1x!tpu.dma_semaphore, #tpu.memory_space<semaphore_mem>>
      %dma_start3A_1444 = tpu.memref_squeeze %dma_start3A_1443 : memref<1x!tpu.dma_semaphore, #tpu.memory_space<semaphore_mem>> -> memref<!tpu.dma_semaphore, #tpu.memory_space<semaphore_mem>>
      %dma_start3A_1445 = arith.constant 0 : i32
      %dma_start3A_1446 = arith.constant 0 : i32
      %dma_start3A_1447 = tpu.memref_slice %arg4[%add3A_1432, %dma_start3A_1445, %dma_start3A_1446] : memref<4096x56x128xf32, #tpu.memory_space<hbm>> -> memref<1x50x64xf32, #tpu.memory_space<hbm>>
      %dma_start3A_1448 = tpu.memref_squeeze %dma_start3A_1447 : memref<1x50x64xf32, #tpu.memory_space<hbm>> -> memref<50x64xf32, #tpu.memory_space<hbm>>
      %dma_start3A_1449 = arith.constant 600 : i32
      %dma_start3A_1450 = arith.constant 0 : i32
      %dma_start3A_1451 = tpu.memref_slice %arg6[%dma_start3A_1433, %dma_start3A_1449, %dma_start3A_1450] : memref<2x800x64xf32, #tpu.memory_space<vmem>> -> memref<1x50x64xf32, #tpu.memory_space<vmem>>
      %dma_start3A_1452 = tpu.memref_squeeze %dma_start3A_1451 : memref<1x50x64xf32, #tpu.memory_space<vmem>> -> memref<50x64xf32, #tpu.memory_space<vmem>>
      tpu.enqueue_dma source(%dma_start3A_1452 : memref<50x64xf32, #tpu.memory_space<vmem>>) target(%dma_start3A_1448 : memref<50x64xf32, #tpu.memory_space<hbm>>) target_semaphore(%dma_start3A_1444 : memref<!tpu.dma_semaphore, #tpu.memory_space<semaphore_mem>>)
      %mul3A_1453 = arith.constant 16 : i32
      %mul3A_1454 = arith.muli %add3A_1115, %mul3A_1453 : i32
      %add3A_1455 = arith.addi %mul3A_4, %mul3A_1454 : i32
      %add3A_1456 = arith.constant 13 : i32
      %add3A_1457 = arith.addi %add3A_1455, %add3A_1456 : i32
      %dma_start3A_1458 = arith.constant 1 : i32
      %dma_start3A_1459 = arith.constant 1 : i32
      %dma_start3A_1460 = arith.constant 650 : i32
      %dma_start3A_1461 = arith.constant 0 : i32
      %dma_start3A_1462 = tpu.memref_slice %arg6[%dma_start3A_1458, %dma_start3A_1460, %dma_start3A_1461] : memref<2x800x64xf32, #tpu.memory_space<vmem>> -> memref<1x50x64xf32, #tpu.memory_space<vmem>>
      %dma_start3A_1463 = tpu.memref_squeeze %dma_start3A_1462 : memref<1x50x64xf32, #tpu.memory_space<vmem>> -> memref<50x64xf32, #tpu.memory_space<vmem>>
      %dma_start3A_1464 = arith.constant 0 : i32
      %dma_start3A_1465 = arith.constant 0 : i32
      %dma_start3A_1466 = tpu.memref_slice %arg4[%add3A_1457, %dma_start3A_1464, %dma_start3A_1465] : memref<4096x56x128xf32, #tpu.memory_space<hbm>> -> memref<1x50x64xf32, #tpu.memory_space<hbm>>
      %dma_start3A_1467 = tpu.memref_squeeze %dma_start3A_1466 : memref<1x50x64xf32, #tpu.memory_space<hbm>> -> memref<50x64xf32, #tpu.memory_space<hbm>>
      %dma_start3A_1468 = tpu.memref_slice %arg8[%dma_start3A_1459] : memref<2x!tpu.dma_semaphore, #tpu.memory_space<semaphore_mem>> -> memref<1x!tpu.dma_semaphore, #tpu.memory_space<semaphore_mem>>
      %dma_start3A_1469 = tpu.memref_squeeze %dma_start3A_1468 : memref<1x!tpu.dma_semaphore, #tpu.memory_space<semaphore_mem>> -> memref<!tpu.dma_semaphore, #tpu.memory_space<semaphore_mem>>
      %dma_start3A_1470 = arith.constant 0 : i32
      %dma_start3A_1471 = arith.constant 0 : i32
      %dma_start3A_1472 = tpu.memref_slice %arg4[%add3A_1457, %dma_start3A_1470, %dma_start3A_1471] : memref<4096x56x128xf32, #tpu.memory_space<hbm>> -> memref<1x50x64xf32, #tpu.memory_space<hbm>>
      %dma_start3A_1473 = tpu.memref_squeeze %dma_start3A_1472 : memref<1x50x64xf32, #tpu.memory_space<hbm>> -> memref<50x64xf32, #tpu.memory_space<hbm>>
      %dma_start3A_1474 = arith.constant 650 : i32
      %dma_start3A_1475 = arith.constant 0 : i32
      %dma_start3A_1476 = tpu.memref_slice %arg6[%dma_start3A_1458, %dma_start3A_1474, %dma_start3A_1475] : memref<2x800x64xf32, #tpu.memory_space<vmem>> -> memref<1x50x64xf32, #tpu.memory_space<vmem>>
      %dma_start3A_1477 = tpu.memref_squeeze %dma_start3A_1476 : memref<1x50x64xf32, #tpu.memory_space<vmem>> -> memref<50x64xf32, #tpu.memory_space<vmem>>
      tpu.enqueue_dma source(%dma_start3A_1477 : memref<50x64xf32, #tpu.memory_space<vmem>>) target(%dma_start3A_1473 : memref<50x64xf32, #tpu.memory_space<hbm>>) target_semaphore(%dma_start3A_1469 : memref<!tpu.dma_semaphore, #tpu.memory_space<semaphore_mem>>)
      %mul3A_1478 = arith.constant 16 : i32
      %mul3A_1479 = arith.muli %add3A_1115, %mul3A_1478 : i32
      %add3A_1480 = arith.addi %mul3A_4, %mul3A_1479 : i32
      %add3A_1481 = arith.constant 14 : i32
      %add3A_1482 = arith.addi %add3A_1480, %add3A_1481 : i32
      %dma_start3A_1483 = arith.constant 1 : i32
      %dma_start3A_1484 = arith.constant 1 : i32
      %dma_start3A_1485 = arith.constant 700 : i32
      %dma_start3A_1486 = arith.constant 0 : i32
      %dma_start3A_1487 = tpu.memref_slice %arg6[%dma_start3A_1483, %dma_start3A_1485, %dma_start3A_1486] : memref<2x800x64xf32, #tpu.memory_space<vmem>> -> memref<1x50x64xf32, #tpu.memory_space<vmem>>
      %dma_start3A_1488 = tpu.memref_squeeze %dma_start3A_1487 : memref<1x50x64xf32, #tpu.memory_space<vmem>> -> memref<50x64xf32, #tpu.memory_space<vmem>>
      %dma_start3A_1489 = arith.constant 0 : i32
      %dma_start3A_1490 = arith.constant 0 : i32
      %dma_start3A_1491 = tpu.memref_slice %arg4[%add3A_1482, %dma_start3A_1489, %dma_start3A_1490] : memref<4096x56x128xf32, #tpu.memory_space<hbm>> -> memref<1x50x64xf32, #tpu.memory_space<hbm>>
      %dma_start3A_1492 = tpu.memref_squeeze %dma_start3A_1491 : memref<1x50x64xf32, #tpu.memory_space<hbm>> -> memref<50x64xf32, #tpu.memory_space<hbm>>
      %dma_start3A_1493 = tpu.memref_slice %arg8[%dma_start3A_1484] : memref<2x!tpu.dma_semaphore, #tpu.memory_space<semaphore_mem>> -> memref<1x!tpu.dma_semaphore, #tpu.memory_space<semaphore_mem>>
      %dma_start3A_1494 = tpu.memref_squeeze %dma_start3A_1493 : memref<1x!tpu.dma_semaphore, #tpu.memory_space<semaphore_mem>> -> memref<!tpu.dma_semaphore, #tpu.memory_space<semaphore_mem>>
      %dma_start3A_1495 = arith.constant 0 : i32
      %dma_start3A_1496 = arith.constant 0 : i32
      %dma_start3A_1497 = tpu.memref_slice %arg4[%add3A_1482, %dma_start3A_1495, %dma_start3A_1496] : memref<4096x56x128xf32, #tpu.memory_space<hbm>> -> memref<1x50x64xf32, #tpu.memory_space<hbm>>
      %dma_start3A_1498 = tpu.memref_squeeze %dma_start3A_1497 : memref<1x50x64xf32, #tpu.memory_space<hbm>> -> memref<50x64xf32, #tpu.memory_space<hbm>>
      %dma_start3A_1499 = arith.constant 700 : i32
      %dma_start3A_1500 = arith.constant 0 : i32
      %dma_start3A_1501 = tpu.memref_slice %arg6[%dma_start3A_1483, %dma_start3A_1499, %dma_start3A_1500] : memref<2x800x64xf32, #tpu.memory_space<vmem>> -> memref<1x50x64xf32, #tpu.memory_space<vmem>>
      %dma_start3A_1502 = tpu.memref_squeeze %dma_start3A_1501 : memref<1x50x64xf32, #tpu.memory_space<vmem>> -> memref<50x64xf32, #tpu.memory_space<vmem>>
      tpu.enqueue_dma source(%dma_start3A_1502 : memref<50x64xf32, #tpu.memory_space<vmem>>) target(%dma_start3A_1498 : memref<50x64xf32, #tpu.memory_space<hbm>>) target_semaphore(%dma_start3A_1494 : memref<!tpu.dma_semaphore, #tpu.memory_space<semaphore_mem>>)
      %mul3A_1503 = arith.constant 16 : i32
      %mul3A_1504 = arith.muli %add3A_1115, %mul3A_1503 : i32
      %add3A_1505 = arith.addi %mul3A_4, %mul3A_1504 : i32
      %add3A_1506 = arith.constant 15 : i32
      %add3A_1507 = arith.addi %add3A_1505, %add3A_1506 : i32
      %dma_start3A_1508 = arith.constant 1 : i32
      %dma_start3A_1509 = arith.constant 1 : i32
      %dma_start3A_1510 = arith.constant 750 : i32
      %dma_start3A_1511 = arith.constant 0 : i32
      %dma_start3A_1512 = tpu.memref_slice %arg6[%dma_start3A_1508, %dma_start3A_1510, %dma_start3A_1511] : memref<2x800x64xf32, #tpu.memory_space<vmem>> -> memref<1x50x64xf32, #tpu.memory_space<vmem>>
      %dma_start3A_1513 = tpu.memref_squeeze %dma_start3A_1512 : memref<1x50x64xf32, #tpu.memory_space<vmem>> -> memref<50x64xf32, #tpu.memory_space<vmem>>
      %dma_start3A_1514 = arith.constant 0 : i32
      %dma_start3A_1515 = arith.constant 0 : i32
      %dma_start3A_1516 = tpu.memref_slice %arg4[%add3A_1507, %dma_start3A_1514, %dma_start3A_1515] : memref<4096x56x128xf32, #tpu.memory_space<hbm>> -> memref<1x50x64xf32, #tpu.memory_space<hbm>>
      %dma_start3A_1517 = tpu.memref_squeeze %dma_start3A_1516 : memref<1x50x64xf32, #tpu.memory_space<hbm>> -> memref<50x64xf32, #tpu.memory_space<hbm>>
      %dma_start3A_1518 = tpu.memref_slice %arg8[%dma_start3A_1509] : memref<2x!tpu.dma_semaphore, #tpu.memory_space<semaphore_mem>> -> memref<1x!tpu.dma_semaphore, #tpu.memory_space<semaphore_mem>>
      %dma_start3A_1519 = tpu.memref_squeeze %dma_start3A_1518 : memref<1x!tpu.dma_semaphore, #tpu.memory_space<semaphore_mem>> -> memref<!tpu.dma_semaphore, #tpu.memory_space<semaphore_mem>>
      %dma_start3A_1520 = arith.constant 0 : i32
      %dma_start3A_1521 = arith.constant 0 : i32
      %dma_start3A_1522 = tpu.memref_slice %arg4[%add3A_1507, %dma_start3A_1520, %dma_start3A_1521] : memref<4096x56x128xf32, #tpu.memory_space<hbm>> -> memref<1x50x64xf32, #tpu.memory_space<hbm>>
      %dma_start3A_1523 = tpu.memref_squeeze %dma_start3A_1522 : memref<1x50x64xf32, #tpu.memory_space<hbm>> -> memref<50x64xf32, #tpu.memory_space<hbm>>
      %dma_start3A_1524 = arith.constant 750 : i32
      %dma_start3A_1525 = arith.constant 0 : i32
      %dma_start3A_1526 = tpu.memref_slice %arg6[%dma_start3A_1508, %dma_start3A_1524, %dma_start3A_1525] : memref<2x800x64xf32, #tpu.memory_space<vmem>> -> memref<1x50x64xf32, #tpu.memory_space<vmem>>
      %dma_start3A_1527 = tpu.memref_squeeze %dma_start3A_1526 : memref<1x50x64xf32, #tpu.memory_space<vmem>> -> memref<50x64xf32, #tpu.memory_space<vmem>>
      tpu.enqueue_dma source(%dma_start3A_1527 : memref<50x64xf32, #tpu.memory_space<vmem>>) target(%dma_start3A_1523 : memref<50x64xf32, #tpu.memory_space<hbm>>) target_semaphore(%dma_start3A_1519 : memref<!tpu.dma_semaphore, #tpu.memory_space<semaphore_mem>>)
    }
    %scan3A_9 = arith.constant 4 : i32
    %dma_wait3A = arith.constant 0 : i32
    %dma_wait3A_10 = arith.constant 0 : i32
    %dma_wait3A_11 = arith.constant 0 : i32
    %dma_wait3A_12 = arith.constant 0 : i32
    %dma_wait3A_13 = tpu.memref_slice %arg6[%dma_wait3A, %dma_wait3A_11, %dma_wait3A_12] : memref<2x800x64xf32, #tpu.memory_space<vmem>> -> memref<1x50x64xf32, #tpu.memory_space<vmem>>
    %dma_wait3A_14 = tpu.memref_squeeze %dma_wait3A_13 : memref<1x50x64xf32, #tpu.memory_space<vmem>> -> memref<50x64xf32, #tpu.memory_space<vmem>>
    %dma_wait3A_15 = arith.constant 0 : i32
    %dma_wait3A_16 = arith.constant 0 : i32
    %dma_wait3A_17 = tpu.memref_slice %arg4[%mul3A_4, %dma_wait3A_15, %dma_wait3A_16] : memref<4096x56x128xf32, #tpu.memory_space<hbm>> -> memref<1x50x64xf32, #tpu.memory_space<hbm>>
    %dma_wait3A_18 = tpu.memref_squeeze %dma_wait3A_17 : memref<1x50x64xf32, #tpu.memory_space<hbm>> -> memref<50x64xf32, #tpu.memory_space<hbm>>
    %dma_wait3A_19 = tpu.memref_slice %arg8[%dma_wait3A_10] : memref<2x!tpu.dma_semaphore, #tpu.memory_space<semaphore_mem>> -> memref<1x!tpu.dma_semaphore, #tpu.memory_space<semaphore_mem>>
    %dma_wait3A_20 = tpu.memref_squeeze %dma_wait3A_19 : memref<1x!tpu.dma_semaphore, #tpu.memory_space<semaphore_mem>> -> memref<!tpu.dma_semaphore, #tpu.memory_space<semaphore_mem>>
    %dma_wait3A_21 = arith.constant 0 : i32
    %dma_wait3A_22 = arith.constant 0 : i32
    %dma_wait3A_23 = tpu.memref_slice %arg4[%mul3A_4, %dma_wait3A_21, %dma_wait3A_22] : memref<4096x56x128xf32, #tpu.memory_space<hbm>> -> memref<1x50x64xf32, #tpu.memory_space<hbm>>
    %dma_wait3A_24 = tpu.memref_squeeze %dma_wait3A_23 : memref<1x50x64xf32, #tpu.memory_space<hbm>> -> memref<50x64xf32, #tpu.memory_space<hbm>>
    %dma_wait3A_25 = arith.constant 0 : i32
    %dma_wait3A_26 = arith.constant 0 : i32
    %dma_wait3A_27 = tpu.memref_slice %arg6[%dma_wait3A, %dma_wait3A_25, %dma_wait3A_26] : memref<2x800x64xf32, #tpu.memory_space<vmem>> -> memref<1x50x64xf32, #tpu.memory_space<vmem>>
    %dma_wait3A_28 = tpu.memref_squeeze %dma_wait3A_27 : memref<1x50x64xf32, #tpu.memory_space<vmem>> -> memref<50x64xf32, #tpu.memory_space<vmem>>
    tpu.wait_dma2 semaphore(%dma_wait3A_20 : memref<!tpu.dma_semaphore, #tpu.memory_space<semaphore_mem>>) src(%dma_wait3A_28 : memref<50x64xf32, #tpu.memory_space<vmem>>) dst(%dma_wait3A_24 : memref<50x64xf32, #tpu.memory_space<hbm>>)
    %dma_wait3A_29 = arith.constant 0 : i32
    %dma_wait3A_30 = arith.constant 0 : i32
    %dma_wait3A_31 = arith.constant 50 : i32
    %dma_wait3A_32 = arith.constant 0 : i32
    %dma_wait3A_33 = tpu.memref_slice %arg6[%dma_wait3A_29, %dma_wait3A_31, %dma_wait3A_32] : memref<2x800x64xf32, #tpu.memory_space<vmem>> -> memref<1x50x64xf32, #tpu.memory_space<vmem>>
    %dma_wait3A_34 = tpu.memref_squeeze %dma_wait3A_33 : memref<1x50x64xf32, #tpu.memory_space<vmem>> -> memref<50x64xf32, #tpu.memory_space<vmem>>
    %dma_wait3A_35 = arith.constant 0 : i32
    %dma_wait3A_36 = arith.constant 0 : i32
    %dma_wait3A_37 = tpu.memref_slice %arg4[%mul3A_4, %dma_wait3A_35, %dma_wait3A_36] : memref<4096x56x128xf32, #tpu.memory_space<hbm>> -> memref<1x50x64xf32, #tpu.memory_space<hbm>>
    %dma_wait3A_38 = tpu.memref_squeeze %dma_wait3A_37 : memref<1x50x64xf32, #tpu.memory_space<hbm>> -> memref<50x64xf32, #tpu.memory_space<hbm>>
    %dma_wait3A_39 = tpu.memref_slice %arg8[%dma_wait3A_30] : memref<2x!tpu.dma_semaphore, #tpu.memory_space<semaphore_mem>> -> memref<1x!tpu.dma_semaphore, #tpu.memory_space<semaphore_mem>>
    %dma_wait3A_40 = tpu.memref_squeeze %dma_wait3A_39 : memref<1x!tpu.dma_semaphore, #tpu.memory_space<semaphore_mem>> -> memref<!tpu.dma_semaphore, #tpu.memory_space<semaphore_mem>>
    %dma_wait3A_41 = arith.constant 0 : i32
    %dma_wait3A_42 = arith.constant 0 : i32
    %dma_wait3A_43 = tpu.memref_slice %arg4[%mul3A_4, %dma_wait3A_41, %dma_wait3A_42] : memref<4096x56x128xf32, #tpu.memory_space<hbm>> -> memref<1x50x64xf32, #tpu.memory_space<hbm>>
    %dma_wait3A_44 = tpu.memref_squeeze %dma_wait3A_43 : memref<1x50x64xf32, #tpu.memory_space<hbm>> -> memref<50x64xf32, #tpu.memory_space<hbm>>
    %dma_wait3A_45 = arith.constant 50 : i32
    %dma_wait3A_46 = arith.constant 0 : i32
    %dma_wait3A_47 = tpu.memref_slice %arg6[%dma_wait3A_29, %dma_wait3A_45, %dma_wait3A_46] : memref<2x800x64xf32, #tpu.memory_space<vmem>> -> memref<1x50x64xf32, #tpu.memory_space<vmem>>
    %dma_wait3A_48 = tpu.memref_squeeze %dma_wait3A_47 : memref<1x50x64xf32, #tpu.memory_space<vmem>> -> memref<50x64xf32, #tpu.memory_space<vmem>>
    tpu.wait_dma2 semaphore(%dma_wait3A_40 : memref<!tpu.dma_semaphore, #tpu.memory_space<semaphore_mem>>) src(%dma_wait3A_48 : memref<50x64xf32, #tpu.memory_space<vmem>>) dst(%dma_wait3A_44 : memref<50x64xf32, #tpu.memory_space<hbm>>)
    %dma_wait3A_49 = arith.constant 0 : i32
    %dma_wait3A_50 = arith.constant 0 : i32
    %dma_wait3A_51 = arith.constant 100 : i32
    %dma_wait3A_52 = arith.constant 0 : i32
    %dma_wait3A_53 = tpu.memref_slice %arg6[%dma_wait3A_49, %dma_wait3A_51, %dma_wait3A_52] : memref<2x800x64xf32, #tpu.memory_space<vmem>> -> memref<1x50x64xf32, #tpu.memory_space<vmem>>
    %dma_wait3A_54 = tpu.memref_squeeze %dma_wait3A_53 : memref<1x50x64xf32, #tpu.memory_space<vmem>> -> memref<50x64xf32, #tpu.memory_space<vmem>>
    %dma_wait3A_55 = arith.constant 0 : i32
    %dma_wait3A_56 = arith.constant 0 : i32
    %dma_wait3A_57 = tpu.memref_slice %arg4[%mul3A_4, %dma_wait3A_55, %dma_wait3A_56] : memref<4096x56x128xf32, #tpu.memory_space<hbm>> -> memref<1x50x64xf32, #tpu.memory_space<hbm>>
    %dma_wait3A_58 = tpu.memref_squeeze %dma_wait3A_57 : memref<1x50x64xf32, #tpu.memory_space<hbm>> -> memref<50x64xf32, #tpu.memory_space<hbm>>
    %dma_wait3A_59 = tpu.memref_slice %arg8[%dma_wait3A_50] : memref<2x!tpu.dma_semaphore, #tpu.memory_space<semaphore_mem>> -> memref<1x!tpu.dma_semaphore, #tpu.memory_space<semaphore_mem>>
    %dma_wait3A_60 = tpu.memref_squeeze %dma_wait3A_59 : memref<1x!tpu.dma_semaphore, #tpu.memory_space<semaphore_mem>> -> memref<!tpu.dma_semaphore, #tpu.memory_space<semaphore_mem>>
    %dma_wait3A_61 = arith.constant 0 : i32
    %dma_wait3A_62 = arith.constant 0 : i32
    %dma_wait3A_63 = tpu.memref_slice %arg4[%mul3A_4, %dma_wait3A_61, %dma_wait3A_62] : memref<4096x56x128xf32, #tpu.memory_space<hbm>> -> memref<1x50x64xf32, #tpu.memory_space<hbm>>
    %dma_wait3A_64 = tpu.memref_squeeze %dma_wait3A_63 : memref<1x50x64xf32, #tpu.memory_space<hbm>> -> memref<50x64xf32, #tpu.memory_space<hbm>>
    %dma_wait3A_65 = arith.constant 100 : i32
    %dma_wait3A_66 = arith.constant 0 : i32
    %dma_wait3A_67 = tpu.memref_slice %arg6[%dma_wait3A_49, %dma_wait3A_65, %dma_wait3A_66] : memref<2x800x64xf32, #tpu.memory_space<vmem>> -> memref<1x50x64xf32, #tpu.memory_space<vmem>>
    %dma_wait3A_68 = tpu.memref_squeeze %dma_wait3A_67 : memref<1x50x64xf32, #tpu.memory_space<vmem>> -> memref<50x64xf32, #tpu.memory_space<vmem>>
    tpu.wait_dma2 semaphore(%dma_wait3A_60 : memref<!tpu.dma_semaphore, #tpu.memory_space<semaphore_mem>>) src(%dma_wait3A_68 : memref<50x64xf32, #tpu.memory_space<vmem>>) dst(%dma_wait3A_64 : memref<50x64xf32, #tpu.memory_space<hbm>>)
    %dma_wait3A_69 = arith.constant 0 : i32
    %dma_wait3A_70 = arith.constant 0 : i32
    %dma_wait3A_71 = arith.constant 150 : i32
    %dma_wait3A_72 = arith.constant 0 : i32
    %dma_wait3A_73 = tpu.memref_slice %arg6[%dma_wait3A_69, %dma_wait3A_71, %dma_wait3A_72] : memref<2x800x64xf32, #tpu.memory_space<vmem>> -> memref<1x50x64xf32, #tpu.memory_space<vmem>>
    %dma_wait3A_74 = tpu.memref_squeeze %dma_wait3A_73 : memref<1x50x64xf32, #tpu.memory_space<vmem>> -> memref<50x64xf32, #tpu.memory_space<vmem>>
    %dma_wait3A_75 = arith.constant 0 : i32
    %dma_wait3A_76 = arith.constant 0 : i32
    %dma_wait3A_77 = tpu.memref_slice %arg4[%mul3A_4, %dma_wait3A_75, %dma_wait3A_76] : memref<4096x56x128xf32, #tpu.memory_space<hbm>> -> memref<1x50x64xf32, #tpu.memory_space<hbm>>
    %dma_wait3A_78 = tpu.memref_squeeze %dma_wait3A_77 : memref<1x50x64xf32, #tpu.memory_space<hbm>> -> memref<50x64xf32, #tpu.memory_space<hbm>>
    %dma_wait3A_79 = tpu.memref_slice %arg8[%dma_wait3A_70] : memref<2x!tpu.dma_semaphore, #tpu.memory_space<semaphore_mem>> -> memref<1x!tpu.dma_semaphore, #tpu.memory_space<semaphore_mem>>
    %dma_wait3A_80 = tpu.memref_squeeze %dma_wait3A_79 : memref<1x!tpu.dma_semaphore, #tpu.memory_space<semaphore_mem>> -> memref<!tpu.dma_semaphore, #tpu.memory_space<semaphore_mem>>
    %dma_wait3A_81 = arith.constant 0 : i32
    %dma_wait3A_82 = arith.constant 0 : i32
    %dma_wait3A_83 = tpu.memref_slice %arg4[%mul3A_4, %dma_wait3A_81, %dma_wait3A_82] : memref<4096x56x128xf32, #tpu.memory_space<hbm>> -> memref<1x50x64xf32, #tpu.memory_space<hbm>>
    %dma_wait3A_84 = tpu.memref_squeeze %dma_wait3A_83 : memref<1x50x64xf32, #tpu.memory_space<hbm>> -> memref<50x64xf32, #tpu.memory_space<hbm>>
    %dma_wait3A_85 = arith.constant 150 : i32
    %dma_wait3A_86 = arith.constant 0 : i32
    %dma_wait3A_87 = tpu.memref_slice %arg6[%dma_wait3A_69, %dma_wait3A_85, %dma_wait3A_86] : memref<2x800x64xf32, #tpu.memory_space<vmem>> -> memref<1x50x64xf32, #tpu.memory_space<vmem>>
    %dma_wait3A_88 = tpu.memref_squeeze %dma_wait3A_87 : memref<1x50x64xf32, #tpu.memory_space<vmem>> -> memref<50x64xf32, #tpu.memory_space<vmem>>
    tpu.wait_dma2 semaphore(%dma_wait3A_80 : memref<!tpu.dma_semaphore, #tpu.memory_space<semaphore_mem>>) src(%dma_wait3A_88 : memref<50x64xf32, #tpu.memory_space<vmem>>) dst(%dma_wait3A_84 : memref<50x64xf32, #tpu.memory_space<hbm>>)
    %dma_wait3A_89 = arith.constant 0 : i32
    %dma_wait3A_90 = arith.constant 0 : i32
    %dma_wait3A_91 = arith.constant 200 : i32
    %dma_wait3A_92 = arith.constant 0 : i32
    %dma_wait3A_93 = tpu.memref_slice %arg6[%dma_wait3A_89, %dma_wait3A_91, %dma_wait3A_92] : memref<2x800x64xf32, #tpu.memory_space<vmem>> -> memref<1x50x64xf32, #tpu.memory_space<vmem>>
    %dma_wait3A_94 = tpu.memref_squeeze %dma_wait3A_93 : memref<1x50x64xf32, #tpu.memory_space<vmem>> -> memref<50x64xf32, #tpu.memory_space<vmem>>
    %dma_wait3A_95 = arith.constant 0 : i32
    %dma_wait3A_96 = arith.constant 0 : i32
    %dma_wait3A_97 = tpu.memref_slice %arg4[%mul3A_4, %dma_wait3A_95, %dma_wait3A_96] : memref<4096x56x128xf32, #tpu.memory_space<hbm>> -> memref<1x50x64xf32, #tpu.memory_space<hbm>>
    %dma_wait3A_98 = tpu.memref_squeeze %dma_wait3A_97 : memref<1x50x64xf32, #tpu.memory_space<hbm>> -> memref<50x64xf32, #tpu.memory_space<hbm>>
    %dma_wait3A_99 = tpu.memref_slice %arg8[%dma_wait3A_90] : memref<2x!tpu.dma_semaphore, #tpu.memory_space<semaphore_mem>> -> memref<1x!tpu.dma_semaphore, #tpu.memory_space<semaphore_mem>>
    %dma_wait3A_100 = tpu.memref_squeeze %dma_wait3A_99 : memref<1x!tpu.dma_semaphore, #tpu.memory_space<semaphore_mem>> -> memref<!tpu.dma_semaphore, #tpu.memory_space<semaphore_mem>>
    %dma_wait3A_101 = arith.constant 0 : i32
    %dma_wait3A_102 = arith.constant 0 : i32
    %dma_wait3A_103 = tpu.memref_slice %arg4[%mul3A_4, %dma_wait3A_101, %dma_wait3A_102] : memref<4096x56x128xf32, #tpu.memory_space<hbm>> -> memref<1x50x64xf32, #tpu.memory_space<hbm>>
    %dma_wait3A_104 = tpu.memref_squeeze %dma_wait3A_103 : memref<1x50x64xf32, #tpu.memory_space<hbm>> -> memref<50x64xf32, #tpu.memory_space<hbm>>
    %dma_wait3A_105 = arith.constant 200 : i32
    %dma_wait3A_106 = arith.constant 0 : i32
    %dma_wait3A_107 = tpu.memref_slice %arg6[%dma_wait3A_89, %dma_wait3A_105, %dma_wait3A_106] : memref<2x800x64xf32, #tpu.memory_space<vmem>> -> memref<1x50x64xf32, #tpu.memory_space<vmem>>
    %dma_wait3A_108 = tpu.memref_squeeze %dma_wait3A_107 : memref<1x50x64xf32, #tpu.memory_space<vmem>> -> memref<50x64xf32, #tpu.memory_space<vmem>>
    tpu.wait_dma2 semaphore(%dma_wait3A_100 : memref<!tpu.dma_semaphore, #tpu.memory_space<semaphore_mem>>) src(%dma_wait3A_108 : memref<50x64xf32, #tpu.memory_space<vmem>>) dst(%dma_wait3A_104 : memref<50x64xf32, #tpu.memory_space<hbm>>)
    %dma_wait3A_109 = arith.constant 0 : i32
    %dma_wait3A_110 = arith.constant 0 : i32
    %dma_wait3A_111 = arith.constant 250 : i32
    %dma_wait3A_112 = arith.constant 0 : i32
    %dma_wait3A_113 = tpu.memref_slice %arg6[%dma_wait3A_109, %dma_wait3A_111, %dma_wait3A_112] : memref<2x800x64xf32, #tpu.memory_space<vmem>> -> memref<1x50x64xf32, #tpu.memory_space<vmem>>
    %dma_wait3A_114 = tpu.memref_squeeze %dma_wait3A_113 : memref<1x50x64xf32, #tpu.memory_space<vmem>> -> memref<50x64xf32, #tpu.memory_space<vmem>>
    %dma_wait3A_115 = arith.constant 0 : i32
    %dma_wait3A_116 = arith.constant 0 : i32
    %dma_wait3A_117 = tpu.memref_slice %arg4[%mul3A_4, %dma_wait3A_115, %dma_wait3A_116] : memref<4096x56x128xf32, #tpu.memory_space<hbm>> -> memref<1x50x64xf32, #tpu.memory_space<hbm>>
    %dma_wait3A_118 = tpu.memref_squeeze %dma_wait3A_117 : memref<1x50x64xf32, #tpu.memory_space<hbm>> -> memref<50x64xf32, #tpu.memory_space<hbm>>
    %dma_wait3A_119 = tpu.memref_slice %arg8[%dma_wait3A_110] : memref<2x!tpu.dma_semaphore, #tpu.memory_space<semaphore_mem>> -> memref<1x!tpu.dma_semaphore, #tpu.memory_space<semaphore_mem>>
    %dma_wait3A_120 = tpu.memref_squeeze %dma_wait3A_119 : memref<1x!tpu.dma_semaphore, #tpu.memory_space<semaphore_mem>> -> memref<!tpu.dma_semaphore, #tpu.memory_space<semaphore_mem>>
    %dma_wait3A_121 = arith.constant 0 : i32
    %dma_wait3A_122 = arith.constant 0 : i32
    %dma_wait3A_123 = tpu.memref_slice %arg4[%mul3A_4, %dma_wait3A_121, %dma_wait3A_122] : memref<4096x56x128xf32, #tpu.memory_space<hbm>> -> memref<1x50x64xf32, #tpu.memory_space<hbm>>
    %dma_wait3A_124 = tpu.memref_squeeze %dma_wait3A_123 : memref<1x50x64xf32, #tpu.memory_space<hbm>> -> memref<50x64xf32, #tpu.memory_space<hbm>>
    %dma_wait3A_125 = arith.constant 250 : i32
    %dma_wait3A_126 = arith.constant 0 : i32
    %dma_wait3A_127 = tpu.memref_slice %arg6[%dma_wait3A_109, %dma_wait3A_125, %dma_wait3A_126] : memref<2x800x64xf32, #tpu.memory_space<vmem>> -> memref<1x50x64xf32, #tpu.memory_space<vmem>>
    %dma_wait3A_128 = tpu.memref_squeeze %dma_wait3A_127 : memref<1x50x64xf32, #tpu.memory_space<vmem>> -> memref<50x64xf32, #tpu.memory_space<vmem>>
    tpu.wait_dma2 semaphore(%dma_wait3A_120 : memref<!tpu.dma_semaphore, #tpu.memory_space<semaphore_mem>>) src(%dma_wait3A_128 : memref<50x64xf32, #tpu.memory_space<vmem>>) dst(%dma_wait3A_124 : memref<50x64xf32, #tpu.memory_space<hbm>>)
    %dma_wait3A_129 = arith.constant 0 : i32
    %dma_wait3A_130 = arith.constant 0 : i32
    %dma_wait3A_131 = arith.constant 300 : i32
    %dma_wait3A_132 = arith.constant 0 : i32
    %dma_wait3A_133 = tpu.memref_slice %arg6[%dma_wait3A_129, %dma_wait3A_131, %dma_wait3A_132] : memref<2x800x64xf32, #tpu.memory_space<vmem>> -> memref<1x50x64xf32, #tpu.memory_space<vmem>>
    %dma_wait3A_134 = tpu.memref_squeeze %dma_wait3A_133 : memref<1x50x64xf32, #tpu.memory_space<vmem>> -> memref<50x64xf32, #tpu.memory_space<vmem>>
    %dma_wait3A_135 = arith.constant 0 : i32
    %dma_wait3A_136 = arith.constant 0 : i32
    %dma_wait3A_137 = tpu.memref_slice %arg4[%mul3A_4, %dma_wait3A_135, %dma_wait3A_136] : memref<4096x56x128xf32, #tpu.memory_space<hbm>> -> memref<1x50x64xf32, #tpu.memory_space<hbm>>
    %dma_wait3A_138 = tpu.memref_squeeze %dma_wait3A_137 : memref<1x50x64xf32, #tpu.memory_space<hbm>> -> memref<50x64xf32, #tpu.memory_space<hbm>>
    %dma_wait3A_139 = tpu.memref_slice %arg8[%dma_wait3A_130] : memref<2x!tpu.dma_semaphore, #tpu.memory_space<semaphore_mem>> -> memref<1x!tpu.dma_semaphore, #tpu.memory_space<semaphore_mem>>
    %dma_wait3A_140 = tpu.memref_squeeze %dma_wait3A_139 : memref<1x!tpu.dma_semaphore, #tpu.memory_space<semaphore_mem>> -> memref<!tpu.dma_semaphore, #tpu.memory_space<semaphore_mem>>
    %dma_wait3A_141 = arith.constant 0 : i32
    %dma_wait3A_142 = arith.constant 0 : i32
    %dma_wait3A_143 = tpu.memref_slice %arg4[%mul3A_4, %dma_wait3A_141, %dma_wait3A_142] : memref<4096x56x128xf32, #tpu.memory_space<hbm>> -> memref<1x50x64xf32, #tpu.memory_space<hbm>>
    %dma_wait3A_144 = tpu.memref_squeeze %dma_wait3A_143 : memref<1x50x64xf32, #tpu.memory_space<hbm>> -> memref<50x64xf32, #tpu.memory_space<hbm>>
    %dma_wait3A_145 = arith.constant 300 : i32
    %dma_wait3A_146 = arith.constant 0 : i32
    %dma_wait3A_147 = tpu.memref_slice %arg6[%dma_wait3A_129, %dma_wait3A_145, %dma_wait3A_146] : memref<2x800x64xf32, #tpu.memory_space<vmem>> -> memref<1x50x64xf32, #tpu.memory_space<vmem>>
    %dma_wait3A_148 = tpu.memref_squeeze %dma_wait3A_147 : memref<1x50x64xf32, #tpu.memory_space<vmem>> -> memref<50x64xf32, #tpu.memory_space<vmem>>
    tpu.wait_dma2 semaphore(%dma_wait3A_140 : memref<!tpu.dma_semaphore, #tpu.memory_space<semaphore_mem>>) src(%dma_wait3A_148 : memref<50x64xf32, #tpu.memory_space<vmem>>) dst(%dma_wait3A_144 : memref<50x64xf32, #tpu.memory_space<hbm>>)
    %dma_wait3A_149 = arith.constant 0 : i32
    %dma_wait3A_150 = arith.constant 0 : i32
    %dma_wait3A_151 = arith.constant 350 : i32
    %dma_wait3A_152 = arith.constant 0 : i32
    %dma_wait3A_153 = tpu.memref_slice %arg6[%dma_wait3A_149, %dma_wait3A_151, %dma_wait3A_152] : memref<2x800x64xf32, #tpu.memory_space<vmem>> -> memref<1x50x64xf32, #tpu.memory_space<vmem>>
    %dma_wait3A_154 = tpu.memref_squeeze %dma_wait3A_153 : memref<1x50x64xf32, #tpu.memory_space<vmem>> -> memref<50x64xf32, #tpu.memory_space<vmem>>
    %dma_wait3A_155 = arith.constant 0 : i32
    %dma_wait3A_156 = arith.constant 0 : i32
    %dma_wait3A_157 = tpu.memref_slice %arg4[%mul3A_4, %dma_wait3A_155, %dma_wait3A_156] : memref<4096x56x128xf32, #tpu.memory_space<hbm>> -> memref<1x50x64xf32, #tpu.memory_space<hbm>>
    %dma_wait3A_158 = tpu.memref_squeeze %dma_wait3A_157 : memref<1x50x64xf32, #tpu.memory_space<hbm>> -> memref<50x64xf32, #tpu.memory_space<hbm>>
    %dma_wait3A_159 = tpu.memref_slice %arg8[%dma_wait3A_150] : memref<2x!tpu.dma_semaphore, #tpu.memory_space<semaphore_mem>> -> memref<1x!tpu.dma_semaphore, #tpu.memory_space<semaphore_mem>>
    %dma_wait3A_160 = tpu.memref_squeeze %dma_wait3A_159 : memref<1x!tpu.dma_semaphore, #tpu.memory_space<semaphore_mem>> -> memref<!tpu.dma_semaphore, #tpu.memory_space<semaphore_mem>>
    %dma_wait3A_161 = arith.constant 0 : i32
    %dma_wait3A_162 = arith.constant 0 : i32
    %dma_wait3A_163 = tpu.memref_slice %arg4[%mul3A_4, %dma_wait3A_161, %dma_wait3A_162] : memref<4096x56x128xf32, #tpu.memory_space<hbm>> -> memref<1x50x64xf32, #tpu.memory_space<hbm>>
    %dma_wait3A_164 = tpu.memref_squeeze %dma_wait3A_163 : memref<1x50x64xf32, #tpu.memory_space<hbm>> -> memref<50x64xf32, #tpu.memory_space<hbm>>
    %dma_wait3A_165 = arith.constant 350 : i32
    %dma_wait3A_166 = arith.constant 0 : i32
    %dma_wait3A_167 = tpu.memref_slice %arg6[%dma_wait3A_149, %dma_wait3A_165, %dma_wait3A_166] : memref<2x800x64xf32, #tpu.memory_space<vmem>> -> memref<1x50x64xf32, #tpu.memory_space<vmem>>
    %dma_wait3A_168 = tpu.memref_squeeze %dma_wait3A_167 : memref<1x50x64xf32, #tpu.memory_space<vmem>> -> memref<50x64xf32, #tpu.memory_space<vmem>>
    tpu.wait_dma2 semaphore(%dma_wait3A_160 : memref<!tpu.dma_semaphore, #tpu.memory_space<semaphore_mem>>) src(%dma_wait3A_168 : memref<50x64xf32, #tpu.memory_space<vmem>>) dst(%dma_wait3A_164 : memref<50x64xf32, #tpu.memory_space<hbm>>)
    %dma_wait3A_169 = arith.constant 0 : i32
    %dma_wait3A_170 = arith.constant 0 : i32
    %dma_wait3A_171 = arith.constant 400 : i32
    %dma_wait3A_172 = arith.constant 0 : i32
    %dma_wait3A_173 = tpu.memref_slice %arg6[%dma_wait3A_169, %dma_wait3A_171, %dma_wait3A_172] : memref<2x800x64xf32, #tpu.memory_space<vmem>> -> memref<1x50x64xf32, #tpu.memory_space<vmem>>
    %dma_wait3A_174 = tpu.memref_squeeze %dma_wait3A_173 : memref<1x50x64xf32, #tpu.memory_space<vmem>> -> memref<50x64xf32, #tpu.memory_space<vmem>>
    %dma_wait3A_175 = arith.constant 0 : i32
    %dma_wait3A_176 = arith.constant 0 : i32
    %dma_wait3A_177 = tpu.memref_slice %arg4[%mul3A_4, %dma_wait3A_175, %dma_wait3A_176] : memref<4096x56x128xf32, #tpu.memory_space<hbm>> -> memref<1x50x64xf32, #tpu.memory_space<hbm>>
    %dma_wait3A_178 = tpu.memref_squeeze %dma_wait3A_177 : memref<1x50x64xf32, #tpu.memory_space<hbm>> -> memref<50x64xf32, #tpu.memory_space<hbm>>
    %dma_wait3A_179 = tpu.memref_slice %arg8[%dma_wait3A_170] : memref<2x!tpu.dma_semaphore, #tpu.memory_space<semaphore_mem>> -> memref<1x!tpu.dma_semaphore, #tpu.memory_space<semaphore_mem>>
    %dma_wait3A_180 = tpu.memref_squeeze %dma_wait3A_179 : memref<1x!tpu.dma_semaphore, #tpu.memory_space<semaphore_mem>> -> memref<!tpu.dma_semaphore, #tpu.memory_space<semaphore_mem>>
    %dma_wait3A_181 = arith.constant 0 : i32
    %dma_wait3A_182 = arith.constant 0 : i32
    %dma_wait3A_183 = tpu.memref_slice %arg4[%mul3A_4, %dma_wait3A_181, %dma_wait3A_182] : memref<4096x56x128xf32, #tpu.memory_space<hbm>> -> memref<1x50x64xf32, #tpu.memory_space<hbm>>
    %dma_wait3A_184 = tpu.memref_squeeze %dma_wait3A_183 : memref<1x50x64xf32, #tpu.memory_space<hbm>> -> memref<50x64xf32, #tpu.memory_space<hbm>>
    %dma_wait3A_185 = arith.constant 400 : i32
    %dma_wait3A_186 = arith.constant 0 : i32
    %dma_wait3A_187 = tpu.memref_slice %arg6[%dma_wait3A_169, %dma_wait3A_185, %dma_wait3A_186] : memref<2x800x64xf32, #tpu.memory_space<vmem>> -> memref<1x50x64xf32, #tpu.memory_space<vmem>>
    %dma_wait3A_188 = tpu.memref_squeeze %dma_wait3A_187 : memref<1x50x64xf32, #tpu.memory_space<vmem>> -> memref<50x64xf32, #tpu.memory_space<vmem>>
    tpu.wait_dma2 semaphore(%dma_wait3A_180 : memref<!tpu.dma_semaphore, #tpu.memory_space<semaphore_mem>>) src(%dma_wait3A_188 : memref<50x64xf32, #tpu.memory_space<vmem>>) dst(%dma_wait3A_184 : memref<50x64xf32, #tpu.memory_space<hbm>>)
    %dma_wait3A_189 = arith.constant 0 : i32
    %dma_wait3A_190 = arith.constant 0 : i32
    %dma_wait3A_191 = arith.constant 450 : i32
    %dma_wait3A_192 = arith.constant 0 : i32
    %dma_wait3A_193 = tpu.memref_slice %arg6[%dma_wait3A_189, %dma_wait3A_191, %dma_wait3A_192] : memref<2x800x64xf32, #tpu.memory_space<vmem>> -> memref<1x50x64xf32, #tpu.memory_space<vmem>>
    %dma_wait3A_194 = tpu.memref_squeeze %dma_wait3A_193 : memref<1x50x64xf32, #tpu.memory_space<vmem>> -> memref<50x64xf32, #tpu.memory_space<vmem>>
    %dma_wait3A_195 = arith.constant 0 : i32
    %dma_wait3A_196 = arith.constant 0 : i32
    %dma_wait3A_197 = tpu.memref_slice %arg4[%mul3A_4, %dma_wait3A_195, %dma_wait3A_196] : memref<4096x56x128xf32, #tpu.memory_space<hbm>> -> memref<1x50x64xf32, #tpu.memory_space<hbm>>
    %dma_wait3A_198 = tpu.memref_squeeze %dma_wait3A_197 : memref<1x50x64xf32, #tpu.memory_space<hbm>> -> memref<50x64xf32, #tpu.memory_space<hbm>>
    %dma_wait3A_199 = tpu.memref_slice %arg8[%dma_wait3A_190] : memref<2x!tpu.dma_semaphore, #tpu.memory_space<semaphore_mem>> -> memref<1x!tpu.dma_semaphore, #tpu.memory_space<semaphore_mem>>
    %dma_wait3A_200 = tpu.memref_squeeze %dma_wait3A_199 : memref<1x!tpu.dma_semaphore, #tpu.memory_space<semaphore_mem>> -> memref<!tpu.dma_semaphore, #tpu.memory_space<semaphore_mem>>
    %dma_wait3A_201 = arith.constant 0 : i32
    %dma_wait3A_202 = arith.constant 0 : i32
    %dma_wait3A_203 = tpu.memref_slice %arg4[%mul3A_4, %dma_wait3A_201, %dma_wait3A_202] : memref<4096x56x128xf32, #tpu.memory_space<hbm>> -> memref<1x50x64xf32, #tpu.memory_space<hbm>>
    %dma_wait3A_204 = tpu.memref_squeeze %dma_wait3A_203 : memref<1x50x64xf32, #tpu.memory_space<hbm>> -> memref<50x64xf32, #tpu.memory_space<hbm>>
    %dma_wait3A_205 = arith.constant 450 : i32
    %dma_wait3A_206 = arith.constant 0 : i32
    %dma_wait3A_207 = tpu.memref_slice %arg6[%dma_wait3A_189, %dma_wait3A_205, %dma_wait3A_206] : memref<2x800x64xf32, #tpu.memory_space<vmem>> -> memref<1x50x64xf32, #tpu.memory_space<vmem>>
    %dma_wait3A_208 = tpu.memref_squeeze %dma_wait3A_207 : memref<1x50x64xf32, #tpu.memory_space<vmem>> -> memref<50x64xf32, #tpu.memory_space<vmem>>
    tpu.wait_dma2 semaphore(%dma_wait3A_200 : memref<!tpu.dma_semaphore, #tpu.memory_space<semaphore_mem>>) src(%dma_wait3A_208 : memref<50x64xf32, #tpu.memory_space<vmem>>) dst(%dma_wait3A_204 : memref<50x64xf32, #tpu.memory_space<hbm>>)
    %dma_wait3A_209 = arith.constant 0 : i32
    %dma_wait3A_210 = arith.constant 0 : i32
    %dma_wait3A_211 = arith.constant 500 : i32
    %dma_wait3A_212 = arith.constant 0 : i32
    %dma_wait3A_213 = tpu.memref_slice %arg6[%dma_wait3A_209, %dma_wait3A_211, %dma_wait3A_212] : memref<2x800x64xf32, #tpu.memory_space<vmem>> -> memref<1x50x64xf32, #tpu.memory_space<vmem>>
    %dma_wait3A_214 = tpu.memref_squeeze %dma_wait3A_213 : memref<1x50x64xf32, #tpu.memory_space<vmem>> -> memref<50x64xf32, #tpu.memory_space<vmem>>
    %dma_wait3A_215 = arith.constant 0 : i32
    %dma_wait3A_216 = arith.constant 0 : i32
    %dma_wait3A_217 = tpu.memref_slice %arg4[%mul3A_4, %dma_wait3A_215, %dma_wait3A_216] : memref<4096x56x128xf32, #tpu.memory_space<hbm>> -> memref<1x50x64xf32, #tpu.memory_space<hbm>>
    %dma_wait3A_218 = tpu.memref_squeeze %dma_wait3A_217 : memref<1x50x64xf32, #tpu.memory_space<hbm>> -> memref<50x64xf32, #tpu.memory_space<hbm>>
    %dma_wait3A_219 = tpu.memref_slice %arg8[%dma_wait3A_210] : memref<2x!tpu.dma_semaphore, #tpu.memory_space<semaphore_mem>> -> memref<1x!tpu.dma_semaphore, #tpu.memory_space<semaphore_mem>>
    %dma_wait3A_220 = tpu.memref_squeeze %dma_wait3A_219 : memref<1x!tpu.dma_semaphore, #tpu.memory_space<semaphore_mem>> -> memref<!tpu.dma_semaphore, #tpu.memory_space<semaphore_mem>>
    %dma_wait3A_221 = arith.constant 0 : i32
    %dma_wait3A_222 = arith.constant 0 : i32
    %dma_wait3A_223 = tpu.memref_slice %arg4[%mul3A_4, %dma_wait3A_221, %dma_wait3A_222] : memref<4096x56x128xf32, #tpu.memory_space<hbm>> -> memref<1x50x64xf32, #tpu.memory_space<hbm>>
    %dma_wait3A_224 = tpu.memref_squeeze %dma_wait3A_223 : memref<1x50x64xf32, #tpu.memory_space<hbm>> -> memref<50x64xf32, #tpu.memory_space<hbm>>
    %dma_wait3A_225 = arith.constant 500 : i32
    %dma_wait3A_226 = arith.constant 0 : i32
    %dma_wait3A_227 = tpu.memref_slice %arg6[%dma_wait3A_209, %dma_wait3A_225, %dma_wait3A_226] : memref<2x800x64xf32, #tpu.memory_space<vmem>> -> memref<1x50x64xf32, #tpu.memory_space<vmem>>
    %dma_wait3A_228 = tpu.memref_squeeze %dma_wait3A_227 : memref<1x50x64xf32, #tpu.memory_space<vmem>> -> memref<50x64xf32, #tpu.memory_space<vmem>>
    tpu.wait_dma2 semaphore(%dma_wait3A_220 : memref<!tpu.dma_semaphore, #tpu.memory_space<semaphore_mem>>) src(%dma_wait3A_228 : memref<50x64xf32, #tpu.memory_space<vmem>>) dst(%dma_wait3A_224 : memref<50x64xf32, #tpu.memory_space<hbm>>)
    %dma_wait3A_229 = arith.constant 0 : i32
    %dma_wait3A_230 = arith.constant 0 : i32
    %dma_wait3A_231 = arith.constant 550 : i32
    %dma_wait3A_232 = arith.constant 0 : i32
    %dma_wait3A_233 = tpu.memref_slice %arg6[%dma_wait3A_229, %dma_wait3A_231, %dma_wait3A_232] : memref<2x800x64xf32, #tpu.memory_space<vmem>> -> memref<1x50x64xf32, #tpu.memory_space<vmem>>
    %dma_wait3A_234 = tpu.memref_squeeze %dma_wait3A_233 : memref<1x50x64xf32, #tpu.memory_space<vmem>> -> memref<50x64xf32, #tpu.memory_space<vmem>>
    %dma_wait3A_235 = arith.constant 0 : i32
    %dma_wait3A_236 = arith.constant 0 : i32
    %dma_wait3A_237 = tpu.memref_slice %arg4[%mul3A_4, %dma_wait3A_235, %dma_wait3A_236] : memref<4096x56x128xf32, #tpu.memory_space<hbm>> -> memref<1x50x64xf32, #tpu.memory_space<hbm>>
    %dma_wait3A_238 = tpu.memref_squeeze %dma_wait3A_237 : memref<1x50x64xf32, #tpu.memory_space<hbm>> -> memref<50x64xf32, #tpu.memory_space<hbm>>
    %dma_wait3A_239 = tpu.memref_slice %arg8[%dma_wait3A_230] : memref<2x!tpu.dma_semaphore, #tpu.memory_space<semaphore_mem>> -> memref<1x!tpu.dma_semaphore, #tpu.memory_space<semaphore_mem>>
    %dma_wait3A_240 = tpu.memref_squeeze %dma_wait3A_239 : memref<1x!tpu.dma_semaphore, #tpu.memory_space<semaphore_mem>> -> memref<!tpu.dma_semaphore, #tpu.memory_space<semaphore_mem>>
    %dma_wait3A_241 = arith.constant 0 : i32
    %dma_wait3A_242 = arith.constant 0 : i32
    %dma_wait3A_243 = tpu.memref_slice %arg4[%mul3A_4, %dma_wait3A_241, %dma_wait3A_242] : memref<4096x56x128xf32, #tpu.memory_space<hbm>> -> memref<1x50x64xf32, #tpu.memory_space<hbm>>
    %dma_wait3A_244 = tpu.memref_squeeze %dma_wait3A_243 : memref<1x50x64xf32, #tpu.memory_space<hbm>> -> memref<50x64xf32, #tpu.memory_space<hbm>>
    %dma_wait3A_245 = arith.constant 550 : i32
    %dma_wait3A_246 = arith.constant 0 : i32
    %dma_wait3A_247 = tpu.memref_slice %arg6[%dma_wait3A_229, %dma_wait3A_245, %dma_wait3A_246] : memref<2x800x64xf32, #tpu.memory_space<vmem>> -> memref<1x50x64xf32, #tpu.memory_space<vmem>>
    %dma_wait3A_248 = tpu.memref_squeeze %dma_wait3A_247 : memref<1x50x64xf32, #tpu.memory_space<vmem>> -> memref<50x64xf32, #tpu.memory_space<vmem>>
    tpu.wait_dma2 semaphore(%dma_wait3A_240 : memref<!tpu.dma_semaphore, #tpu.memory_space<semaphore_mem>>) src(%dma_wait3A_248 : memref<50x64xf32, #tpu.memory_space<vmem>>) dst(%dma_wait3A_244 : memref<50x64xf32, #tpu.memory_space<hbm>>)
    %dma_wait3A_249 = arith.constant 0 : i32
    %dma_wait3A_250 = arith.constant 0 : i32
    %dma_wait3A_251 = arith.constant 600 : i32
    %dma_wait3A_252 = arith.constant 0 : i32
    %dma_wait3A_253 = tpu.memref_slice %arg6[%dma_wait3A_249, %dma_wait3A_251, %dma_wait3A_252] : memref<2x800x64xf32, #tpu.memory_space<vmem>> -> memref<1x50x64xf32, #tpu.memory_space<vmem>>
    %dma_wait3A_254 = tpu.memref_squeeze %dma_wait3A_253 : memref<1x50x64xf32, #tpu.memory_space<vmem>> -> memref<50x64xf32, #tpu.memory_space<vmem>>
    %dma_wait3A_255 = arith.constant 0 : i32
    %dma_wait3A_256 = arith.constant 0 : i32
    %dma_wait3A_257 = tpu.memref_slice %arg4[%mul3A_4, %dma_wait3A_255, %dma_wait3A_256] : memref<4096x56x128xf32, #tpu.memory_space<hbm>> -> memref<1x50x64xf32, #tpu.memory_space<hbm>>
    %dma_wait3A_258 = tpu.memref_squeeze %dma_wait3A_257 : memref<1x50x64xf32, #tpu.memory_space<hbm>> -> memref<50x64xf32, #tpu.memory_space<hbm>>
    %dma_wait3A_259 = tpu.memref_slice %arg8[%dma_wait3A_250] : memref<2x!tpu.dma_semaphore, #tpu.memory_space<semaphore_mem>> -> memref<1x!tpu.dma_semaphore, #tpu.memory_space<semaphore_mem>>
    %dma_wait3A_260 = tpu.memref_squeeze %dma_wait3A_259 : memref<1x!tpu.dma_semaphore, #tpu.memory_space<semaphore_mem>> -> memref<!tpu.dma_semaphore, #tpu.memory_space<semaphore_mem>>
    %dma_wait3A_261 = arith.constant 0 : i32
    %dma_wait3A_262 = arith.constant 0 : i32
    %dma_wait3A_263 = tpu.memref_slice %arg4[%mul3A_4, %dma_wait3A_261, %dma_wait3A_262] : memref<4096x56x128xf32, #tpu.memory_space<hbm>> -> memref<1x50x64xf32, #tpu.memory_space<hbm>>
    %dma_wait3A_264 = tpu.memref_squeeze %dma_wait3A_263 : memref<1x50x64xf32, #tpu.memory_space<hbm>> -> memref<50x64xf32, #tpu.memory_space<hbm>>
    %dma_wait3A_265 = arith.constant 600 : i32
    %dma_wait3A_266 = arith.constant 0 : i32
    %dma_wait3A_267 = tpu.memref_slice %arg6[%dma_wait3A_249, %dma_wait3A_265, %dma_wait3A_266] : memref<2x800x64xf32, #tpu.memory_space<vmem>> -> memref<1x50x64xf32, #tpu.memory_space<vmem>>
    %dma_wait3A_268 = tpu.memref_squeeze %dma_wait3A_267 : memref<1x50x64xf32, #tpu.memory_space<vmem>> -> memref<50x64xf32, #tpu.memory_space<vmem>>
    tpu.wait_dma2 semaphore(%dma_wait3A_260 : memref<!tpu.dma_semaphore, #tpu.memory_space<semaphore_mem>>) src(%dma_wait3A_268 : memref<50x64xf32, #tpu.memory_space<vmem>>) dst(%dma_wait3A_264 : memref<50x64xf32, #tpu.memory_space<hbm>>)
    %dma_wait3A_269 = arith.constant 0 : i32
    %dma_wait3A_270 = arith.constant 0 : i32
    %dma_wait3A_271 = arith.constant 650 : i32
    %dma_wait3A_272 = arith.constant 0 : i32
    %dma_wait3A_273 = tpu.memref_slice %arg6[%dma_wait3A_269, %dma_wait3A_271, %dma_wait3A_272] : memref<2x800x64xf32, #tpu.memory_space<vmem>> -> memref<1x50x64xf32, #tpu.memory_space<vmem>>
    %dma_wait3A_274 = tpu.memref_squeeze %dma_wait3A_273 : memref<1x50x64xf32, #tpu.memory_space<vmem>> -> memref<50x64xf32, #tpu.memory_space<vmem>>
    %dma_wait3A_275 = arith.constant 0 : i32
    %dma_wait3A_276 = arith.constant 0 : i32
    %dma_wait3A_277 = tpu.memref_slice %arg4[%mul3A_4, %dma_wait3A_275, %dma_wait3A_276] : memref<4096x56x128xf32, #tpu.memory_space<hbm>> -> memref<1x50x64xf32, #tpu.memory_space<hbm>>
    %dma_wait3A_278 = tpu.memref_squeeze %dma_wait3A_277 : memref<1x50x64xf32, #tpu.memory_space<hbm>> -> memref<50x64xf32, #tpu.memory_space<hbm>>
    %dma_wait3A_279 = tpu.memref_slice %arg8[%dma_wait3A_270] : memref<2x!tpu.dma_semaphore, #tpu.memory_space<semaphore_mem>> -> memref<1x!tpu.dma_semaphore, #tpu.memory_space<semaphore_mem>>
    %dma_wait3A_280 = tpu.memref_squeeze %dma_wait3A_279 : memref<1x!tpu.dma_semaphore, #tpu.memory_space<semaphore_mem>> -> memref<!tpu.dma_semaphore, #tpu.memory_space<semaphore_mem>>
    %dma_wait3A_281 = arith.constant 0 : i32
    %dma_wait3A_282 = arith.constant 0 : i32
    %dma_wait3A_283 = tpu.memref_slice %arg4[%mul3A_4, %dma_wait3A_281, %dma_wait3A_282] : memref<4096x56x128xf32, #tpu.memory_space<hbm>> -> memref<1x50x64xf32, #tpu.memory_space<hbm>>
    %dma_wait3A_284 = tpu.memref_squeeze %dma_wait3A_283 : memref<1x50x64xf32, #tpu.memory_space<hbm>> -> memref<50x64xf32, #tpu.memory_space<hbm>>
    %dma_wait3A_285 = arith.constant 650 : i32
    %dma_wait3A_286 = arith.constant 0 : i32
    %dma_wait3A_287 = tpu.memref_slice %arg6[%dma_wait3A_269, %dma_wait3A_285, %dma_wait3A_286] : memref<2x800x64xf32, #tpu.memory_space<vmem>> -> memref<1x50x64xf32, #tpu.memory_space<vmem>>
    %dma_wait3A_288 = tpu.memref_squeeze %dma_wait3A_287 : memref<1x50x64xf32, #tpu.memory_space<vmem>> -> memref<50x64xf32, #tpu.memory_space<vmem>>
    tpu.wait_dma2 semaphore(%dma_wait3A_280 : memref<!tpu.dma_semaphore, #tpu.memory_space<semaphore_mem>>) src(%dma_wait3A_288 : memref<50x64xf32, #tpu.memory_space<vmem>>) dst(%dma_wait3A_284 : memref<50x64xf32, #tpu.memory_space<hbm>>)
    %dma_wait3A_289 = arith.constant 0 : i32
    %dma_wait3A_290 = arith.constant 0 : i32
    %dma_wait3A_291 = arith.constant 700 : i32
    %dma_wait3A_292 = arith.constant 0 : i32
    %dma_wait3A_293 = tpu.memref_slice %arg6[%dma_wait3A_289, %dma_wait3A_291, %dma_wait3A_292] : memref<2x800x64xf32, #tpu.memory_space<vmem>> -> memref<1x50x64xf32, #tpu.memory_space<vmem>>
    %dma_wait3A_294 = tpu.memref_squeeze %dma_wait3A_293 : memref<1x50x64xf32, #tpu.memory_space<vmem>> -> memref<50x64xf32, #tpu.memory_space<vmem>>
    %dma_wait3A_295 = arith.constant 0 : i32
    %dma_wait3A_296 = arith.constant 0 : i32
    %dma_wait3A_297 = tpu.memref_slice %arg4[%mul3A_4, %dma_wait3A_295, %dma_wait3A_296] : memref<4096x56x128xf32, #tpu.memory_space<hbm>> -> memref<1x50x64xf32, #tpu.memory_space<hbm>>
    %dma_wait3A_298 = tpu.memref_squeeze %dma_wait3A_297 : memref<1x50x64xf32, #tpu.memory_space<hbm>> -> memref<50x64xf32, #tpu.memory_space<hbm>>
    %dma_wait3A_299 = tpu.memref_slice %arg8[%dma_wait3A_290] : memref<2x!tpu.dma_semaphore, #tpu.memory_space<semaphore_mem>> -> memref<1x!tpu.dma_semaphore, #tpu.memory_space<semaphore_mem>>
    %dma_wait3A_300 = tpu.memref_squeeze %dma_wait3A_299 : memref<1x!tpu.dma_semaphore, #tpu.memory_space<semaphore_mem>> -> memref<!tpu.dma_semaphore, #tpu.memory_space<semaphore_mem>>
    %dma_wait3A_301 = arith.constant 0 : i32
    %dma_wait3A_302 = arith.constant 0 : i32
    %dma_wait3A_303 = tpu.memref_slice %arg4[%mul3A_4, %dma_wait3A_301, %dma_wait3A_302] : memref<4096x56x128xf32, #tpu.memory_space<hbm>> -> memref<1x50x64xf32, #tpu.memory_space<hbm>>
    %dma_wait3A_304 = tpu.memref_squeeze %dma_wait3A_303 : memref<1x50x64xf32, #tpu.memory_space<hbm>> -> memref<50x64xf32, #tpu.memory_space<hbm>>
    %dma_wait3A_305 = arith.constant 700 : i32
    %dma_wait3A_306 = arith.constant 0 : i32
    %dma_wait3A_307 = tpu.memref_slice %arg6[%dma_wait3A_289, %dma_wait3A_305, %dma_wait3A_306] : memref<2x800x64xf32, #tpu.memory_space<vmem>> -> memref<1x50x64xf32, #tpu.memory_space<vmem>>
    %dma_wait3A_308 = tpu.memref_squeeze %dma_wait3A_307 : memref<1x50x64xf32, #tpu.memory_space<vmem>> -> memref<50x64xf32, #tpu.memory_space<vmem>>
    tpu.wait_dma2 semaphore(%dma_wait3A_300 : memref<!tpu.dma_semaphore, #tpu.memory_space<semaphore_mem>>) src(%dma_wait3A_308 : memref<50x64xf32, #tpu.memory_space<vmem>>) dst(%dma_wait3A_304 : memref<50x64xf32, #tpu.memory_space<hbm>>)
    %dma_wait3A_309 = arith.constant 0 : i32
    %dma_wait3A_310 = arith.constant 0 : i32
    %dma_wait3A_311 = arith.constant 750 : i32
    %dma_wait3A_312 = arith.constant 0 : i32
    %dma_wait3A_313 = tpu.memref_slice %arg6[%dma_wait3A_309, %dma_wait3A_311, %dma_wait3A_312] : memref<2x800x64xf32, #tpu.memory_space<vmem>> -> memref<1x50x64xf32, #tpu.memory_space<vmem>>
    %dma_wait3A_314 = tpu.memref_squeeze %dma_wait3A_313 : memref<1x50x64xf32, #tpu.memory_space<vmem>> -> memref<50x64xf32, #tpu.memory_space<vmem>>
    %dma_wait3A_315 = arith.constant 0 : i32
    %dma_wait3A_316 = arith.constant 0 : i32
    %dma_wait3A_317 = tpu.memref_slice %arg4[%mul3A_4, %dma_wait3A_315, %dma_wait3A_316] : memref<4096x56x128xf32, #tpu.memory_space<hbm>> -> memref<1x50x64xf32, #tpu.memory_space<hbm>>
    %dma_wait3A_318 = tpu.memref_squeeze %dma_wait3A_317 : memref<1x50x64xf32, #tpu.memory_space<hbm>> -> memref<50x64xf32, #tpu.memory_space<hbm>>
    %dma_wait3A_319 = tpu.memref_slice %arg8[%dma_wait3A_310] : memref<2x!tpu.dma_semaphore, #tpu.memory_space<semaphore_mem>> -> memref<1x!tpu.dma_semaphore, #tpu.memory_space<semaphore_mem>>
    %dma_wait3A_320 = tpu.memref_squeeze %dma_wait3A_319 : memref<1x!tpu.dma_semaphore, #tpu.memory_space<semaphore_mem>> -> memref<!tpu.dma_semaphore, #tpu.memory_space<semaphore_mem>>
    %dma_wait3A_321 = arith.constant 0 : i32
    %dma_wait3A_322 = arith.constant 0 : i32
    %dma_wait3A_323 = tpu.memref_slice %arg4[%mul3A_4, %dma_wait3A_321, %dma_wait3A_322] : memref<4096x56x128xf32, #tpu.memory_space<hbm>> -> memref<1x50x64xf32, #tpu.memory_space<hbm>>
    %dma_wait3A_324 = tpu.memref_squeeze %dma_wait3A_323 : memref<1x50x64xf32, #tpu.memory_space<hbm>> -> memref<50x64xf32, #tpu.memory_space<hbm>>
    %dma_wait3A_325 = arith.constant 750 : i32
    %dma_wait3A_326 = arith.constant 0 : i32
    %dma_wait3A_327 = tpu.memref_slice %arg6[%dma_wait3A_309, %dma_wait3A_325, %dma_wait3A_326] : memref<2x800x64xf32, #tpu.memory_space<vmem>> -> memref<1x50x64xf32, #tpu.memory_space<vmem>>
    %dma_wait3A_328 = tpu.memref_squeeze %dma_wait3A_327 : memref<1x50x64xf32, #tpu.memory_space<vmem>> -> memref<50x64xf32, #tpu.memory_space<vmem>>
    tpu.wait_dma2 semaphore(%dma_wait3A_320 : memref<!tpu.dma_semaphore, #tpu.memory_space<semaphore_mem>>) src(%dma_wait3A_328 : memref<50x64xf32, #tpu.memory_space<vmem>>) dst(%dma_wait3A_324 : memref<50x64xf32, #tpu.memory_space<hbm>>)
    %dma_wait3A_329 = arith.constant 1 : i32
    %dma_wait3A_330 = arith.constant 1 : i32
    %dma_wait3A_331 = arith.constant 0 : i32
    %dma_wait3A_332 = arith.constant 0 : i32
    %dma_wait3A_333 = tpu.memref_slice %arg6[%dma_wait3A_329, %dma_wait3A_331, %dma_wait3A_332] : memref<2x800x64xf32, #tpu.memory_space<vmem>> -> memref<1x50x64xf32, #tpu.memory_space<vmem>>
    %dma_wait3A_334 = tpu.memref_squeeze %dma_wait3A_333 : memref<1x50x64xf32, #tpu.memory_space<vmem>> -> memref<50x64xf32, #tpu.memory_space<vmem>>
    %dma_wait3A_335 = arith.constant 0 : i32
    %dma_wait3A_336 = arith.constant 0 : i32
    %dma_wait3A_337 = tpu.memref_slice %arg4[%mul3A_4, %dma_wait3A_335, %dma_wait3A_336] : memref<4096x56x128xf32, #tpu.memory_space<hbm>> -> memref<1x50x64xf32, #tpu.memory_space<hbm>>
    %dma_wait3A_338 = tpu.memref_squeeze %dma_wait3A_337 : memref<1x50x64xf32, #tpu.memory_space<hbm>> -> memref<50x64xf32, #tpu.memory_space<hbm>>
    %dma_wait3A_339 = tpu.memref_slice %arg8[%dma_wait3A_330] : memref<2x!tpu.dma_semaphore, #tpu.memory_space<semaphore_mem>> -> memref<1x!tpu.dma_semaphore, #tpu.memory_space<semaphore_mem>>
    %dma_wait3A_340 = tpu.memref_squeeze %dma_wait3A_339 : memref<1x!tpu.dma_semaphore, #tpu.memory_space<semaphore_mem>> -> memref<!tpu.dma_semaphore, #tpu.memory_space<semaphore_mem>>
    %dma_wait3A_341 = arith.constant 0 : i32
    %dma_wait3A_342 = arith.constant 0 : i32
    %dma_wait3A_343 = tpu.memref_slice %arg4[%mul3A_4, %dma_wait3A_341, %dma_wait3A_342] : memref<4096x56x128xf32, #tpu.memory_space<hbm>> -> memref<1x50x64xf32, #tpu.memory_space<hbm>>
    %dma_wait3A_344 = tpu.memref_squeeze %dma_wait3A_343 : memref<1x50x64xf32, #tpu.memory_space<hbm>> -> memref<50x64xf32, #tpu.memory_space<hbm>>
    %dma_wait3A_345 = arith.constant 0 : i32
    %dma_wait3A_346 = arith.constant 0 : i32
    %dma_wait3A_347 = tpu.memref_slice %arg6[%dma_wait3A_329, %dma_wait3A_345, %dma_wait3A_346] : memref<2x800x64xf32, #tpu.memory_space<vmem>> -> memref<1x50x64xf32, #tpu.memory_space<vmem>>
    %dma_wait3A_348 = tpu.memref_squeeze %dma_wait3A_347 : memref<1x50x64xf32, #tpu.memory_space<vmem>> -> memref<50x64xf32, #tpu.memory_space<vmem>>
    tpu.wait_dma2 semaphore(%dma_wait3A_340 : memref<!tpu.dma_semaphore, #tpu.memory_space<semaphore_mem>>) src(%dma_wait3A_348 : memref<50x64xf32, #tpu.memory_space<vmem>>) dst(%dma_wait3A_344 : memref<50x64xf32, #tpu.memory_space<hbm>>)
    %dma_wait3A_349 = arith.constant 1 : i32
    %dma_wait3A_350 = arith.constant 1 : i32
    %dma_wait3A_351 = arith.constant 50 : i32
    %dma_wait3A_352 = arith.constant 0 : i32
    %dma_wait3A_353 = tpu.memref_slice %arg6[%dma_wait3A_349, %dma_wait3A_351, %dma_wait3A_352] : memref<2x800x64xf32, #tpu.memory_space<vmem>> -> memref<1x50x64xf32, #tpu.memory_space<vmem>>
    %dma_wait3A_354 = tpu.memref_squeeze %dma_wait3A_353 : memref<1x50x64xf32, #tpu.memory_space<vmem>> -> memref<50x64xf32, #tpu.memory_space<vmem>>
    %dma_wait3A_355 = arith.constant 0 : i32
    %dma_wait3A_356 = arith.constant 0 : i32
    %dma_wait3A_357 = tpu.memref_slice %arg4[%mul3A_4, %dma_wait3A_355, %dma_wait3A_356] : memref<4096x56x128xf32, #tpu.memory_space<hbm>> -> memref<1x50x64xf32, #tpu.memory_space<hbm>>
    %dma_wait3A_358 = tpu.memref_squeeze %dma_wait3A_357 : memref<1x50x64xf32, #tpu.memory_space<hbm>> -> memref<50x64xf32, #tpu.memory_space<hbm>>
    %dma_wait3A_359 = tpu.memref_slice %arg8[%dma_wait3A_350] : memref<2x!tpu.dma_semaphore, #tpu.memory_space<semaphore_mem>> -> memref<1x!tpu.dma_semaphore, #tpu.memory_space<semaphore_mem>>
    %dma_wait3A_360 = tpu.memref_squeeze %dma_wait3A_359 : memref<1x!tpu.dma_semaphore, #tpu.memory_space<semaphore_mem>> -> memref<!tpu.dma_semaphore, #tpu.memory_space<semaphore_mem>>
    %dma_wait3A_361 = arith.constant 0 : i32
    %dma_wait3A_362 = arith.constant 0 : i32
    %dma_wait3A_363 = tpu.memref_slice %arg4[%mul3A_4, %dma_wait3A_361, %dma_wait3A_362] : memref<4096x56x128xf32, #tpu.memory_space<hbm>> -> memref<1x50x64xf32, #tpu.memory_space<hbm>>
    %dma_wait3A_364 = tpu.memref_squeeze %dma_wait3A_363 : memref<1x50x64xf32, #tpu.memory_space<hbm>> -> memref<50x64xf32, #tpu.memory_space<hbm>>
    %dma_wait3A_365 = arith.constant 50 : i32
    %dma_wait3A_366 = arith.constant 0 : i32
    %dma_wait3A_367 = tpu.memref_slice %arg6[%dma_wait3A_349, %dma_wait3A_365, %dma_wait3A_366] : memref<2x800x64xf32, #tpu.memory_space<vmem>> -> memref<1x50x64xf32, #tpu.memory_space<vmem>>
    %dma_wait3A_368 = tpu.memref_squeeze %dma_wait3A_367 : memref<1x50x64xf32, #tpu.memory_space<vmem>> -> memref<50x64xf32, #tpu.memory_space<vmem>>
    tpu.wait_dma2 semaphore(%dma_wait3A_360 : memref<!tpu.dma_semaphore, #tpu.memory_space<semaphore_mem>>) src(%dma_wait3A_368 : memref<50x64xf32, #tpu.memory_space<vmem>>) dst(%dma_wait3A_364 : memref<50x64xf32, #tpu.memory_space<hbm>>)
    %dma_wait3A_369 = arith.constant 1 : i32
    %dma_wait3A_370 = arith.constant 1 : i32
    %dma_wait3A_371 = arith.constant 100 : i32
    %dma_wait3A_372 = arith.constant 0 : i32
    %dma_wait3A_373 = tpu.memref_slice %arg6[%dma_wait3A_369, %dma_wait3A_371, %dma_wait3A_372] : memref<2x800x64xf32, #tpu.memory_space<vmem>> -> memref<1x50x64xf32, #tpu.memory_space<vmem>>
    %dma_wait3A_374 = tpu.memref_squeeze %dma_wait3A_373 : memref<1x50x64xf32, #tpu.memory_space<vmem>> -> memref<50x64xf32, #tpu.memory_space<vmem>>
    %dma_wait3A_375 = arith.constant 0 : i32
    %dma_wait3A_376 = arith.constant 0 : i32
    %dma_wait3A_377 = tpu.memref_slice %arg4[%mul3A_4, %dma_wait3A_375, %dma_wait3A_376] : memref<4096x56x128xf32, #tpu.memory_space<hbm>> -> memref<1x50x64xf32, #tpu.memory_space<hbm>>
    %dma_wait3A_378 = tpu.memref_squeeze %dma_wait3A_377 : memref<1x50x64xf32, #tpu.memory_space<hbm>> -> memref<50x64xf32, #tpu.memory_space<hbm>>
    %dma_wait3A_379 = tpu.memref_slice %arg8[%dma_wait3A_370] : memref<2x!tpu.dma_semaphore, #tpu.memory_space<semaphore_mem>> -> memref<1x!tpu.dma_semaphore, #tpu.memory_space<semaphore_mem>>
    %dma_wait3A_380 = tpu.memref_squeeze %dma_wait3A_379 : memref<1x!tpu.dma_semaphore, #tpu.memory_space<semaphore_mem>> -> memref<!tpu.dma_semaphore, #tpu.memory_space<semaphore_mem>>
    %dma_wait3A_381 = arith.constant 0 : i32
    %dma_wait3A_382 = arith.constant 0 : i32
    %dma_wait3A_383 = tpu.memref_slice %arg4[%mul3A_4, %dma_wait3A_381, %dma_wait3A_382] : memref<4096x56x128xf32, #tpu.memory_space<hbm>> -> memref<1x50x64xf32, #tpu.memory_space<hbm>>
    %dma_wait3A_384 = tpu.memref_squeeze %dma_wait3A_383 : memref<1x50x64xf32, #tpu.memory_space<hbm>> -> memref<50x64xf32, #tpu.memory_space<hbm>>
    %dma_wait3A_385 = arith.constant 100 : i32
    %dma_wait3A_386 = arith.constant 0 : i32
    %dma_wait3A_387 = tpu.memref_slice %arg6[%dma_wait3A_369, %dma_wait3A_385, %dma_wait3A_386] : memref<2x800x64xf32, #tpu.memory_space<vmem>> -> memref<1x50x64xf32, #tpu.memory_space<vmem>>
    %dma_wait3A_388 = tpu.memref_squeeze %dma_wait3A_387 : memref<1x50x64xf32, #tpu.memory_space<vmem>> -> memref<50x64xf32, #tpu.memory_space<vmem>>
    tpu.wait_dma2 semaphore(%dma_wait3A_380 : memref<!tpu.dma_semaphore, #tpu.memory_space<semaphore_mem>>) src(%dma_wait3A_388 : memref<50x64xf32, #tpu.memory_space<vmem>>) dst(%dma_wait3A_384 : memref<50x64xf32, #tpu.memory_space<hbm>>)
    %dma_wait3A_389 = arith.constant 1 : i32
    %dma_wait3A_390 = arith.constant 1 : i32
    %dma_wait3A_391 = arith.constant 150 : i32
    %dma_wait3A_392 = arith.constant 0 : i32
    %dma_wait3A_393 = tpu.memref_slice %arg6[%dma_wait3A_389, %dma_wait3A_391, %dma_wait3A_392] : memref<2x800x64xf32, #tpu.memory_space<vmem>> -> memref<1x50x64xf32, #tpu.memory_space<vmem>>
    %dma_wait3A_394 = tpu.memref_squeeze %dma_wait3A_393 : memref<1x50x64xf32, #tpu.memory_space<vmem>> -> memref<50x64xf32, #tpu.memory_space<vmem>>
    %dma_wait3A_395 = arith.constant 0 : i32
    %dma_wait3A_396 = arith.constant 0 : i32
    %dma_wait3A_397 = tpu.memref_slice %arg4[%mul3A_4, %dma_wait3A_395, %dma_wait3A_396] : memref<4096x56x128xf32, #tpu.memory_space<hbm>> -> memref<1x50x64xf32, #tpu.memory_space<hbm>>
    %dma_wait3A_398 = tpu.memref_squeeze %dma_wait3A_397 : memref<1x50x64xf32, #tpu.memory_space<hbm>> -> memref<50x64xf32, #tpu.memory_space<hbm>>
    %dma_wait3A_399 = tpu.memref_slice %arg8[%dma_wait3A_390] : memref<2x!tpu.dma_semaphore, #tpu.memory_space<semaphore_mem>> -> memref<1x!tpu.dma_semaphore, #tpu.memory_space<semaphore_mem>>
    %dma_wait3A_400 = tpu.memref_squeeze %dma_wait3A_399 : memref<1x!tpu.dma_semaphore, #tpu.memory_space<semaphore_mem>> -> memref<!tpu.dma_semaphore, #tpu.memory_space<semaphore_mem>>
    %dma_wait3A_401 = arith.constant 0 : i32
    %dma_wait3A_402 = arith.constant 0 : i32
    %dma_wait3A_403 = tpu.memref_slice %arg4[%mul3A_4, %dma_wait3A_401, %dma_wait3A_402] : memref<4096x56x128xf32, #tpu.memory_space<hbm>> -> memref<1x50x64xf32, #tpu.memory_space<hbm>>
    %dma_wait3A_404 = tpu.memref_squeeze %dma_wait3A_403 : memref<1x50x64xf32, #tpu.memory_space<hbm>> -> memref<50x64xf32, #tpu.memory_space<hbm>>
    %dma_wait3A_405 = arith.constant 150 : i32
    %dma_wait3A_406 = arith.constant 0 : i32
    %dma_wait3A_407 = tpu.memref_slice %arg6[%dma_wait3A_389, %dma_wait3A_405, %dma_wait3A_406] : memref<2x800x64xf32, #tpu.memory_space<vmem>> -> memref<1x50x64xf32, #tpu.memory_space<vmem>>
    %dma_wait3A_408 = tpu.memref_squeeze %dma_wait3A_407 : memref<1x50x64xf32, #tpu.memory_space<vmem>> -> memref<50x64xf32, #tpu.memory_space<vmem>>
    tpu.wait_dma2 semaphore(%dma_wait3A_400 : memref<!tpu.dma_semaphore, #tpu.memory_space<semaphore_mem>>) src(%dma_wait3A_408 : memref<50x64xf32, #tpu.memory_space<vmem>>) dst(%dma_wait3A_404 : memref<50x64xf32, #tpu.memory_space<hbm>>)
    %dma_wait3A_409 = arith.constant 1 : i32
    %dma_wait3A_410 = arith.constant 1 : i32
    %dma_wait3A_411 = arith.constant 200 : i32
    %dma_wait3A_412 = arith.constant 0 : i32
    %dma_wait3A_413 = tpu.memref_slice %arg6[%dma_wait3A_409, %dma_wait3A_411, %dma_wait3A_412] : memref<2x800x64xf32, #tpu.memory_space<vmem>> -> memref<1x50x64xf32, #tpu.memory_space<vmem>>
    %dma_wait3A_414 = tpu.memref_squeeze %dma_wait3A_413 : memref<1x50x64xf32, #tpu.memory_space<vmem>> -> memref<50x64xf32, #tpu.memory_space<vmem>>
    %dma_wait3A_415 = arith.constant 0 : i32
    %dma_wait3A_416 = arith.constant 0 : i32
    %dma_wait3A_417 = tpu.memref_slice %arg4[%mul3A_4, %dma_wait3A_415, %dma_wait3A_416] : memref<4096x56x128xf32, #tpu.memory_space<hbm>> -> memref<1x50x64xf32, #tpu.memory_space<hbm>>
    %dma_wait3A_418 = tpu.memref_squeeze %dma_wait3A_417 : memref<1x50x64xf32, #tpu.memory_space<hbm>> -> memref<50x64xf32, #tpu.memory_space<hbm>>
    %dma_wait3A_419 = tpu.memref_slice %arg8[%dma_wait3A_410] : memref<2x!tpu.dma_semaphore, #tpu.memory_space<semaphore_mem>> -> memref<1x!tpu.dma_semaphore, #tpu.memory_space<semaphore_mem>>
    %dma_wait3A_420 = tpu.memref_squeeze %dma_wait3A_419 : memref<1x!tpu.dma_semaphore, #tpu.memory_space<semaphore_mem>> -> memref<!tpu.dma_semaphore, #tpu.memory_space<semaphore_mem>>
    %dma_wait3A_421 = arith.constant 0 : i32
    %dma_wait3A_422 = arith.constant 0 : i32
    %dma_wait3A_423 = tpu.memref_slice %arg4[%mul3A_4, %dma_wait3A_421, %dma_wait3A_422] : memref<4096x56x128xf32, #tpu.memory_space<hbm>> -> memref<1x50x64xf32, #tpu.memory_space<hbm>>
    %dma_wait3A_424 = tpu.memref_squeeze %dma_wait3A_423 : memref<1x50x64xf32, #tpu.memory_space<hbm>> -> memref<50x64xf32, #tpu.memory_space<hbm>>
    %dma_wait3A_425 = arith.constant 200 : i32
    %dma_wait3A_426 = arith.constant 0 : i32
    %dma_wait3A_427 = tpu.memref_slice %arg6[%dma_wait3A_409, %dma_wait3A_425, %dma_wait3A_426] : memref<2x800x64xf32, #tpu.memory_space<vmem>> -> memref<1x50x64xf32, #tpu.memory_space<vmem>>
    %dma_wait3A_428 = tpu.memref_squeeze %dma_wait3A_427 : memref<1x50x64xf32, #tpu.memory_space<vmem>> -> memref<50x64xf32, #tpu.memory_space<vmem>>
    tpu.wait_dma2 semaphore(%dma_wait3A_420 : memref<!tpu.dma_semaphore, #tpu.memory_space<semaphore_mem>>) src(%dma_wait3A_428 : memref<50x64xf32, #tpu.memory_space<vmem>>) dst(%dma_wait3A_424 : memref<50x64xf32, #tpu.memory_space<hbm>>)
    %dma_wait3A_429 = arith.constant 1 : i32
    %dma_wait3A_430 = arith.constant 1 : i32
    %dma_wait3A_431 = arith.constant 250 : i32
    %dma_wait3A_432 = arith.constant 0 : i32
    %dma_wait3A_433 = tpu.memref_slice %arg6[%dma_wait3A_429, %dma_wait3A_431, %dma_wait3A_432] : memref<2x800x64xf32, #tpu.memory_space<vmem>> -> memref<1x50x64xf32, #tpu.memory_space<vmem>>
    %dma_wait3A_434 = tpu.memref_squeeze %dma_wait3A_433 : memref<1x50x64xf32, #tpu.memory_space<vmem>> -> memref<50x64xf32, #tpu.memory_space<vmem>>
    %dma_wait3A_435 = arith.constant 0 : i32
    %dma_wait3A_436 = arith.constant 0 : i32
    %dma_wait3A_437 = tpu.memref_slice %arg4[%mul3A_4, %dma_wait3A_435, %dma_wait3A_436] : memref<4096x56x128xf32, #tpu.memory_space<hbm>> -> memref<1x50x64xf32, #tpu.memory_space<hbm>>
    %dma_wait3A_438 = tpu.memref_squeeze %dma_wait3A_437 : memref<1x50x64xf32, #tpu.memory_space<hbm>> -> memref<50x64xf32, #tpu.memory_space<hbm>>
    %dma_wait3A_439 = tpu.memref_slice %arg8[%dma_wait3A_430] : memref<2x!tpu.dma_semaphore, #tpu.memory_space<semaphore_mem>> -> memref<1x!tpu.dma_semaphore, #tpu.memory_space<semaphore_mem>>
    %dma_wait3A_440 = tpu.memref_squeeze %dma_wait3A_439 : memref<1x!tpu.dma_semaphore, #tpu.memory_space<semaphore_mem>> -> memref<!tpu.dma_semaphore, #tpu.memory_space<semaphore_mem>>
    %dma_wait3A_441 = arith.constant 0 : i32
    %dma_wait3A_442 = arith.constant 0 : i32
    %dma_wait3A_443 = tpu.memref_slice %arg4[%mul3A_4, %dma_wait3A_441, %dma_wait3A_442] : memref<4096x56x128xf32, #tpu.memory_space<hbm>> -> memref<1x50x64xf32, #tpu.memory_space<hbm>>
    %dma_wait3A_444 = tpu.memref_squeeze %dma_wait3A_443 : memref<1x50x64xf32, #tpu.memory_space<hbm>> -> memref<50x64xf32, #tpu.memory_space<hbm>>
    %dma_wait3A_445 = arith.constant 250 : i32
    %dma_wait3A_446 = arith.constant 0 : i32
    %dma_wait3A_447 = tpu.memref_slice %arg6[%dma_wait3A_429, %dma_wait3A_445, %dma_wait3A_446] : memref<2x800x64xf32, #tpu.memory_space<vmem>> -> memref<1x50x64xf32, #tpu.memory_space<vmem>>
    %dma_wait3A_448 = tpu.memref_squeeze %dma_wait3A_447 : memref<1x50x64xf32, #tpu.memory_space<vmem>> -> memref<50x64xf32, #tpu.memory_space<vmem>>
    tpu.wait_dma2 semaphore(%dma_wait3A_440 : memref<!tpu.dma_semaphore, #tpu.memory_space<semaphore_mem>>) src(%dma_wait3A_448 : memref<50x64xf32, #tpu.memory_space<vmem>>) dst(%dma_wait3A_444 : memref<50x64xf32, #tpu.memory_space<hbm>>)
    %dma_wait3A_449 = arith.constant 1 : i32
    %dma_wait3A_450 = arith.constant 1 : i32
    %dma_wait3A_451 = arith.constant 300 : i32
    %dma_wait3A_452 = arith.constant 0 : i32
    %dma_wait3A_453 = tpu.memref_slice %arg6[%dma_wait3A_449, %dma_wait3A_451, %dma_wait3A_452] : memref<2x800x64xf32, #tpu.memory_space<vmem>> -> memref<1x50x64xf32, #tpu.memory_space<vmem>>
    %dma_wait3A_454 = tpu.memref_squeeze %dma_wait3A_453 : memref<1x50x64xf32, #tpu.memory_space<vmem>> -> memref<50x64xf32, #tpu.memory_space<vmem>>
    %dma_wait3A_455 = arith.constant 0 : i32
    %dma_wait3A_456 = arith.constant 0 : i32
    %dma_wait3A_457 = tpu.memref_slice %arg4[%mul3A_4, %dma_wait3A_455, %dma_wait3A_456] : memref<4096x56x128xf32, #tpu.memory_space<hbm>> -> memref<1x50x64xf32, #tpu.memory_space<hbm>>
    %dma_wait3A_458 = tpu.memref_squeeze %dma_wait3A_457 : memref<1x50x64xf32, #tpu.memory_space<hbm>> -> memref<50x64xf32, #tpu.memory_space<hbm>>
    %dma_wait3A_459 = tpu.memref_slice %arg8[%dma_wait3A_450] : memref<2x!tpu.dma_semaphore, #tpu.memory_space<semaphore_mem>> -> memref<1x!tpu.dma_semaphore, #tpu.memory_space<semaphore_mem>>
    %dma_wait3A_460 = tpu.memref_squeeze %dma_wait3A_459 : memref<1x!tpu.dma_semaphore, #tpu.memory_space<semaphore_mem>> -> memref<!tpu.dma_semaphore, #tpu.memory_space<semaphore_mem>>
    %dma_wait3A_461 = arith.constant 0 : i32
    %dma_wait3A_462 = arith.constant 0 : i32
    %dma_wait3A_463 = tpu.memref_slice %arg4[%mul3A_4, %dma_wait3A_461, %dma_wait3A_462] : memref<4096x56x128xf32, #tpu.memory_space<hbm>> -> memref<1x50x64xf32, #tpu.memory_space<hbm>>
    %dma_wait3A_464 = tpu.memref_squeeze %dma_wait3A_463 : memref<1x50x64xf32, #tpu.memory_space<hbm>> -> memref<50x64xf32, #tpu.memory_space<hbm>>
    %dma_wait3A_465 = arith.constant 300 : i32
    %dma_wait3A_466 = arith.constant 0 : i32
    %dma_wait3A_467 = tpu.memref_slice %arg6[%dma_wait3A_449, %dma_wait3A_465, %dma_wait3A_466] : memref<2x800x64xf32, #tpu.memory_space<vmem>> -> memref<1x50x64xf32, #tpu.memory_space<vmem>>
    %dma_wait3A_468 = tpu.memref_squeeze %dma_wait3A_467 : memref<1x50x64xf32, #tpu.memory_space<vmem>> -> memref<50x64xf32, #tpu.memory_space<vmem>>
    tpu.wait_dma2 semaphore(%dma_wait3A_460 : memref<!tpu.dma_semaphore, #tpu.memory_space<semaphore_mem>>) src(%dma_wait3A_468 : memref<50x64xf32, #tpu.memory_space<vmem>>) dst(%dma_wait3A_464 : memref<50x64xf32, #tpu.memory_space<hbm>>)
    %dma_wait3A_469 = arith.constant 1 : i32
    %dma_wait3A_470 = arith.constant 1 : i32
    %dma_wait3A_471 = arith.constant 350 : i32
    %dma_wait3A_472 = arith.constant 0 : i32
    %dma_wait3A_473 = tpu.memref_slice %arg6[%dma_wait3A_469, %dma_wait3A_471, %dma_wait3A_472] : memref<2x800x64xf32, #tpu.memory_space<vmem>> -> memref<1x50x64xf32, #tpu.memory_space<vmem>>
    %dma_wait3A_474 = tpu.memref_squeeze %dma_wait3A_473 : memref<1x50x64xf32, #tpu.memory_space<vmem>> -> memref<50x64xf32, #tpu.memory_space<vmem>>
    %dma_wait3A_475 = arith.constant 0 : i32
    %dma_wait3A_476 = arith.constant 0 : i32
    %dma_wait3A_477 = tpu.memref_slice %arg4[%mul3A_4, %dma_wait3A_475, %dma_wait3A_476] : memref<4096x56x128xf32, #tpu.memory_space<hbm>> -> memref<1x50x64xf32, #tpu.memory_space<hbm>>
    %dma_wait3A_478 = tpu.memref_squeeze %dma_wait3A_477 : memref<1x50x64xf32, #tpu.memory_space<hbm>> -> memref<50x64xf32, #tpu.memory_space<hbm>>
    %dma_wait3A_479 = tpu.memref_slice %arg8[%dma_wait3A_470] : memref<2x!tpu.dma_semaphore, #tpu.memory_space<semaphore_mem>> -> memref<1x!tpu.dma_semaphore, #tpu.memory_space<semaphore_mem>>
    %dma_wait3A_480 = tpu.memref_squeeze %dma_wait3A_479 : memref<1x!tpu.dma_semaphore, #tpu.memory_space<semaphore_mem>> -> memref<!tpu.dma_semaphore, #tpu.memory_space<semaphore_mem>>
    %dma_wait3A_481 = arith.constant 0 : i32
    %dma_wait3A_482 = arith.constant 0 : i32
    %dma_wait3A_483 = tpu.memref_slice %arg4[%mul3A_4, %dma_wait3A_481, %dma_wait3A_482] : memref<4096x56x128xf32, #tpu.memory_space<hbm>> -> memref<1x50x64xf32, #tpu.memory_space<hbm>>
    %dma_wait3A_484 = tpu.memref_squeeze %dma_wait3A_483 : memref<1x50x64xf32, #tpu.memory_space<hbm>> -> memref<50x64xf32, #tpu.memory_space<hbm>>
    %dma_wait3A_485 = arith.constant 350 : i32
    %dma_wait3A_486 = arith.constant 0 : i32
    %dma_wait3A_487 = tpu.memref_slice %arg6[%dma_wait3A_469, %dma_wait3A_485, %dma_wait3A_486] : memref<2x800x64xf32, #tpu.memory_space<vmem>> -> memref<1x50x64xf32, #tpu.memory_space<vmem>>
    %dma_wait3A_488 = tpu.memref_squeeze %dma_wait3A_487 : memref<1x50x64xf32, #tpu.memory_space<vmem>> -> memref<50x64xf32, #tpu.memory_space<vmem>>
    tpu.wait_dma2 semaphore(%dma_wait3A_480 : memref<!tpu.dma_semaphore, #tpu.memory_space<semaphore_mem>>) src(%dma_wait3A_488 : memref<50x64xf32, #tpu.memory_space<vmem>>) dst(%dma_wait3A_484 : memref<50x64xf32, #tpu.memory_space<hbm>>)
    %dma_wait3A_489 = arith.constant 1 : i32
    %dma_wait3A_490 = arith.constant 1 : i32
    %dma_wait3A_491 = arith.constant 400 : i32
    %dma_wait3A_492 = arith.constant 0 : i32
    %dma_wait3A_493 = tpu.memref_slice %arg6[%dma_wait3A_489, %dma_wait3A_491, %dma_wait3A_492] : memref<2x800x64xf32, #tpu.memory_space<vmem>> -> memref<1x50x64xf32, #tpu.memory_space<vmem>>
    %dma_wait3A_494 = tpu.memref_squeeze %dma_wait3A_493 : memref<1x50x64xf32, #tpu.memory_space<vmem>> -> memref<50x64xf32, #tpu.memory_space<vmem>>
    %dma_wait3A_495 = arith.constant 0 : i32
    %dma_wait3A_496 = arith.constant 0 : i32
    %dma_wait3A_497 = tpu.memref_slice %arg4[%mul3A_4, %dma_wait3A_495, %dma_wait3A_496] : memref<4096x56x128xf32, #tpu.memory_space<hbm>> -> memref<1x50x64xf32, #tpu.memory_space<hbm>>
    %dma_wait3A_498 = tpu.memref_squeeze %dma_wait3A_497 : memref<1x50x64xf32, #tpu.memory_space<hbm>> -> memref<50x64xf32, #tpu.memory_space<hbm>>
    %dma_wait3A_499 = tpu.memref_slice %arg8[%dma_wait3A_490] : memref<2x!tpu.dma_semaphore, #tpu.memory_space<semaphore_mem>> -> memref<1x!tpu.dma_semaphore, #tpu.memory_space<semaphore_mem>>
    %dma_wait3A_500 = tpu.memref_squeeze %dma_wait3A_499 : memref<1x!tpu.dma_semaphore, #tpu.memory_space<semaphore_mem>> -> memref<!tpu.dma_semaphore, #tpu.memory_space<semaphore_mem>>
    %dma_wait3A_501 = arith.constant 0 : i32
    %dma_wait3A_502 = arith.constant 0 : i32
    %dma_wait3A_503 = tpu.memref_slice %arg4[%mul3A_4, %dma_wait3A_501, %dma_wait3A_502] : memref<4096x56x128xf32, #tpu.memory_space<hbm>> -> memref<1x50x64xf32, #tpu.memory_space<hbm>>
    %dma_wait3A_504 = tpu.memref_squeeze %dma_wait3A_503 : memref<1x50x64xf32, #tpu.memory_space<hbm>> -> memref<50x64xf32, #tpu.memory_space<hbm>>
    %dma_wait3A_505 = arith.constant 400 : i32
    %dma_wait3A_506 = arith.constant 0 : i32
    %dma_wait3A_507 = tpu.memref_slice %arg6[%dma_wait3A_489, %dma_wait3A_505, %dma_wait3A_506] : memref<2x800x64xf32, #tpu.memory_space<vmem>> -> memref<1x50x64xf32, #tpu.memory_space<vmem>>
    %dma_wait3A_508 = tpu.memref_squeeze %dma_wait3A_507 : memref<1x50x64xf32, #tpu.memory_space<vmem>> -> memref<50x64xf32, #tpu.memory_space<vmem>>
    tpu.wait_dma2 semaphore(%dma_wait3A_500 : memref<!tpu.dma_semaphore, #tpu.memory_space<semaphore_mem>>) src(%dma_wait3A_508 : memref<50x64xf32, #tpu.memory_space<vmem>>) dst(%dma_wait3A_504 : memref<50x64xf32, #tpu.memory_space<hbm>>)
    %dma_wait3A_509 = arith.constant 1 : i32
    %dma_wait3A_510 = arith.constant 1 : i32
    %dma_wait3A_511 = arith.constant 450 : i32
    %dma_wait3A_512 = arith.constant 0 : i32
    %dma_wait3A_513 = tpu.memref_slice %arg6[%dma_wait3A_509, %dma_wait3A_511, %dma_wait3A_512] : memref<2x800x64xf32, #tpu.memory_space<vmem>> -> memref<1x50x64xf32, #tpu.memory_space<vmem>>
    %dma_wait3A_514 = tpu.memref_squeeze %dma_wait3A_513 : memref<1x50x64xf32, #tpu.memory_space<vmem>> -> memref<50x64xf32, #tpu.memory_space<vmem>>
    %dma_wait3A_515 = arith.constant 0 : i32
    %dma_wait3A_516 = arith.constant 0 : i32
    %dma_wait3A_517 = tpu.memref_slice %arg4[%mul3A_4, %dma_wait3A_515, %dma_wait3A_516] : memref<4096x56x128xf32, #tpu.memory_space<hbm>> -> memref<1x50x64xf32, #tpu.memory_space<hbm>>
    %dma_wait3A_518 = tpu.memref_squeeze %dma_wait3A_517 : memref<1x50x64xf32, #tpu.memory_space<hbm>> -> memref<50x64xf32, #tpu.memory_space<hbm>>
    %dma_wait3A_519 = tpu.memref_slice %arg8[%dma_wait3A_510] : memref<2x!tpu.dma_semaphore, #tpu.memory_space<semaphore_mem>> -> memref<1x!tpu.dma_semaphore, #tpu.memory_space<semaphore_mem>>
    %dma_wait3A_520 = tpu.memref_squeeze %dma_wait3A_519 : memref<1x!tpu.dma_semaphore, #tpu.memory_space<semaphore_mem>> -> memref<!tpu.dma_semaphore, #tpu.memory_space<semaphore_mem>>
    %dma_wait3A_521 = arith.constant 0 : i32
    %dma_wait3A_522 = arith.constant 0 : i32
    %dma_wait3A_523 = tpu.memref_slice %arg4[%mul3A_4, %dma_wait3A_521, %dma_wait3A_522] : memref<4096x56x128xf32, #tpu.memory_space<hbm>> -> memref<1x50x64xf32, #tpu.memory_space<hbm>>
    %dma_wait3A_524 = tpu.memref_squeeze %dma_wait3A_523 : memref<1x50x64xf32, #tpu.memory_space<hbm>> -> memref<50x64xf32, #tpu.memory_space<hbm>>
    %dma_wait3A_525 = arith.constant 450 : i32
    %dma_wait3A_526 = arith.constant 0 : i32
    %dma_wait3A_527 = tpu.memref_slice %arg6[%dma_wait3A_509, %dma_wait3A_525, %dma_wait3A_526] : memref<2x800x64xf32, #tpu.memory_space<vmem>> -> memref<1x50x64xf32, #tpu.memory_space<vmem>>
    %dma_wait3A_528 = tpu.memref_squeeze %dma_wait3A_527 : memref<1x50x64xf32, #tpu.memory_space<vmem>> -> memref<50x64xf32, #tpu.memory_space<vmem>>
    tpu.wait_dma2 semaphore(%dma_wait3A_520 : memref<!tpu.dma_semaphore, #tpu.memory_space<semaphore_mem>>) src(%dma_wait3A_528 : memref<50x64xf32, #tpu.memory_space<vmem>>) dst(%dma_wait3A_524 : memref<50x64xf32, #tpu.memory_space<hbm>>)
    %dma_wait3A_529 = arith.constant 1 : i32
    %dma_wait3A_530 = arith.constant 1 : i32
    %dma_wait3A_531 = arith.constant 500 : i32
    %dma_wait3A_532 = arith.constant 0 : i32
    %dma_wait3A_533 = tpu.memref_slice %arg6[%dma_wait3A_529, %dma_wait3A_531, %dma_wait3A_532] : memref<2x800x64xf32, #tpu.memory_space<vmem>> -> memref<1x50x64xf32, #tpu.memory_space<vmem>>
    %dma_wait3A_534 = tpu.memref_squeeze %dma_wait3A_533 : memref<1x50x64xf32, #tpu.memory_space<vmem>> -> memref<50x64xf32, #tpu.memory_space<vmem>>
    %dma_wait3A_535 = arith.constant 0 : i32
    %dma_wait3A_536 = arith.constant 0 : i32
    %dma_wait3A_537 = tpu.memref_slice %arg4[%mul3A_4, %dma_wait3A_535, %dma_wait3A_536] : memref<4096x56x128xf32, #tpu.memory_space<hbm>> -> memref<1x50x64xf32, #tpu.memory_space<hbm>>
    %dma_wait3A_538 = tpu.memref_squeeze %dma_wait3A_537 : memref<1x50x64xf32, #tpu.memory_space<hbm>> -> memref<50x64xf32, #tpu.memory_space<hbm>>
    %dma_wait3A_539 = tpu.memref_slice %arg8[%dma_wait3A_530] : memref<2x!tpu.dma_semaphore, #tpu.memory_space<semaphore_mem>> -> memref<1x!tpu.dma_semaphore, #tpu.memory_space<semaphore_mem>>
    %dma_wait3A_540 = tpu.memref_squeeze %dma_wait3A_539 : memref<1x!tpu.dma_semaphore, #tpu.memory_space<semaphore_mem>> -> memref<!tpu.dma_semaphore, #tpu.memory_space<semaphore_mem>>
    %dma_wait3A_541 = arith.constant 0 : i32
    %dma_wait3A_542 = arith.constant 0 : i32
    %dma_wait3A_543 = tpu.memref_slice %arg4[%mul3A_4, %dma_wait3A_541, %dma_wait3A_542] : memref<4096x56x128xf32, #tpu.memory_space<hbm>> -> memref<1x50x64xf32, #tpu.memory_space<hbm>>
    %dma_wait3A_544 = tpu.memref_squeeze %dma_wait3A_543 : memref<1x50x64xf32, #tpu.memory_space<hbm>> -> memref<50x64xf32, #tpu.memory_space<hbm>>
    %dma_wait3A_545 = arith.constant 500 : i32
    %dma_wait3A_546 = arith.constant 0 : i32
    %dma_wait3A_547 = tpu.memref_slice %arg6[%dma_wait3A_529, %dma_wait3A_545, %dma_wait3A_546] : memref<2x800x64xf32, #tpu.memory_space<vmem>> -> memref<1x50x64xf32, #tpu.memory_space<vmem>>
    %dma_wait3A_548 = tpu.memref_squeeze %dma_wait3A_547 : memref<1x50x64xf32, #tpu.memory_space<vmem>> -> memref<50x64xf32, #tpu.memory_space<vmem>>
    tpu.wait_dma2 semaphore(%dma_wait3A_540 : memref<!tpu.dma_semaphore, #tpu.memory_space<semaphore_mem>>) src(%dma_wait3A_548 : memref<50x64xf32, #tpu.memory_space<vmem>>) dst(%dma_wait3A_544 : memref<50x64xf32, #tpu.memory_space<hbm>>)
    %dma_wait3A_549 = arith.constant 1 : i32
    %dma_wait3A_550 = arith.constant 1 : i32
    %dma_wait3A_551 = arith.constant 550 : i32
    %dma_wait3A_552 = arith.constant 0 : i32
    %dma_wait3A_553 = tpu.memref_slice %arg6[%dma_wait3A_549, %dma_wait3A_551, %dma_wait3A_552] : memref<2x800x64xf32, #tpu.memory_space<vmem>> -> memref<1x50x64xf32, #tpu.memory_space<vmem>>
    %dma_wait3A_554 = tpu.memref_squeeze %dma_wait3A_553 : memref<1x50x64xf32, #tpu.memory_space<vmem>> -> memref<50x64xf32, #tpu.memory_space<vmem>>
    %dma_wait3A_555 = arith.constant 0 : i32
    %dma_wait3A_556 = arith.constant 0 : i32
    %dma_wait3A_557 = tpu.memref_slice %arg4[%mul3A_4, %dma_wait3A_555, %dma_wait3A_556] : memref<4096x56x128xf32, #tpu.memory_space<hbm>> -> memref<1x50x64xf32, #tpu.memory_space<hbm>>
    %dma_wait3A_558 = tpu.memref_squeeze %dma_wait3A_557 : memref<1x50x64xf32, #tpu.memory_space<hbm>> -> memref<50x64xf32, #tpu.memory_space<hbm>>
    %dma_wait3A_559 = tpu.memref_slice %arg8[%dma_wait3A_550] : memref<2x!tpu.dma_semaphore, #tpu.memory_space<semaphore_mem>> -> memref<1x!tpu.dma_semaphore, #tpu.memory_space<semaphore_mem>>
    %dma_wait3A_560 = tpu.memref_squeeze %dma_wait3A_559 : memref<1x!tpu.dma_semaphore, #tpu.memory_space<semaphore_mem>> -> memref<!tpu.dma_semaphore, #tpu.memory_space<semaphore_mem>>
    %dma_wait3A_561 = arith.constant 0 : i32
    %dma_wait3A_562 = arith.constant 0 : i32
    %dma_wait3A_563 = tpu.memref_slice %arg4[%mul3A_4, %dma_wait3A_561, %dma_wait3A_562] : memref<4096x56x128xf32, #tpu.memory_space<hbm>> -> memref<1x50x64xf32, #tpu.memory_space<hbm>>
    %dma_wait3A_564 = tpu.memref_squeeze %dma_wait3A_563 : memref<1x50x64xf32, #tpu.memory_space<hbm>> -> memref<50x64xf32, #tpu.memory_space<hbm>>
    %dma_wait3A_565 = arith.constant 550 : i32
    %dma_wait3A_566 = arith.constant 0 : i32
    %dma_wait3A_567 = tpu.memref_slice %arg6[%dma_wait3A_549, %dma_wait3A_565, %dma_wait3A_566] : memref<2x800x64xf32, #tpu.memory_space<vmem>> -> memref<1x50x64xf32, #tpu.memory_space<vmem>>
    %dma_wait3A_568 = tpu.memref_squeeze %dma_wait3A_567 : memref<1x50x64xf32, #tpu.memory_space<vmem>> -> memref<50x64xf32, #tpu.memory_space<vmem>>
    tpu.wait_dma2 semaphore(%dma_wait3A_560 : memref<!tpu.dma_semaphore, #tpu.memory_space<semaphore_mem>>) src(%dma_wait3A_568 : memref<50x64xf32, #tpu.memory_space<vmem>>) dst(%dma_wait3A_564 : memref<50x64xf32, #tpu.memory_space<hbm>>)
    %dma_wait3A_569 = arith.constant 1 : i32
    %dma_wait3A_570 = arith.constant 1 : i32
    %dma_wait3A_571 = arith.constant 600 : i32
    %dma_wait3A_572 = arith.constant 0 : i32
    %dma_wait3A_573 = tpu.memref_slice %arg6[%dma_wait3A_569, %dma_wait3A_571, %dma_wait3A_572] : memref<2x800x64xf32, #tpu.memory_space<vmem>> -> memref<1x50x64xf32, #tpu.memory_space<vmem>>
    %dma_wait3A_574 = tpu.memref_squeeze %dma_wait3A_573 : memref<1x50x64xf32, #tpu.memory_space<vmem>> -> memref<50x64xf32, #tpu.memory_space<vmem>>
    %dma_wait3A_575 = arith.constant 0 : i32
    %dma_wait3A_576 = arith.constant 0 : i32
    %dma_wait3A_577 = tpu.memref_slice %arg4[%mul3A_4, %dma_wait3A_575, %dma_wait3A_576] : memref<4096x56x128xf32, #tpu.memory_space<hbm>> -> memref<1x50x64xf32, #tpu.memory_space<hbm>>
    %dma_wait3A_578 = tpu.memref_squeeze %dma_wait3A_577 : memref<1x50x64xf32, #tpu.memory_space<hbm>> -> memref<50x64xf32, #tpu.memory_space<hbm>>
    %dma_wait3A_579 = tpu.memref_slice %arg8[%dma_wait3A_570] : memref<2x!tpu.dma_semaphore, #tpu.memory_space<semaphore_mem>> -> memref<1x!tpu.dma_semaphore, #tpu.memory_space<semaphore_mem>>
    %dma_wait3A_580 = tpu.memref_squeeze %dma_wait3A_579 : memref<1x!tpu.dma_semaphore, #tpu.memory_space<semaphore_mem>> -> memref<!tpu.dma_semaphore, #tpu.memory_space<semaphore_mem>>
    %dma_wait3A_581 = arith.constant 0 : i32
    %dma_wait3A_582 = arith.constant 0 : i32
    %dma_wait3A_583 = tpu.memref_slice %arg4[%mul3A_4, %dma_wait3A_581, %dma_wait3A_582] : memref<4096x56x128xf32, #tpu.memory_space<hbm>> -> memref<1x50x64xf32, #tpu.memory_space<hbm>>
    %dma_wait3A_584 = tpu.memref_squeeze %dma_wait3A_583 : memref<1x50x64xf32, #tpu.memory_space<hbm>> -> memref<50x64xf32, #tpu.memory_space<hbm>>
    %dma_wait3A_585 = arith.constant 600 : i32
    %dma_wait3A_586 = arith.constant 0 : i32
    %dma_wait3A_587 = tpu.memref_slice %arg6[%dma_wait3A_569, %dma_wait3A_585, %dma_wait3A_586] : memref<2x800x64xf32, #tpu.memory_space<vmem>> -> memref<1x50x64xf32, #tpu.memory_space<vmem>>
    %dma_wait3A_588 = tpu.memref_squeeze %dma_wait3A_587 : memref<1x50x64xf32, #tpu.memory_space<vmem>> -> memref<50x64xf32, #tpu.memory_space<vmem>>
    tpu.wait_dma2 semaphore(%dma_wait3A_580 : memref<!tpu.dma_semaphore, #tpu.memory_space<semaphore_mem>>) src(%dma_wait3A_588 : memref<50x64xf32, #tpu.memory_space<vmem>>) dst(%dma_wait3A_584 : memref<50x64xf32, #tpu.memory_space<hbm>>)
    %dma_wait3A_589 = arith.constant 1 : i32
    %dma_wait3A_590 = arith.constant 1 : i32
    %dma_wait3A_591 = arith.constant 650 : i32
    %dma_wait3A_592 = arith.constant 0 : i32
    %dma_wait3A_593 = tpu.memref_slice %arg6[%dma_wait3A_589, %dma_wait3A_591, %dma_wait3A_592] : memref<2x800x64xf32, #tpu.memory_space<vmem>> -> memref<1x50x64xf32, #tpu.memory_space<vmem>>
    %dma_wait3A_594 = tpu.memref_squeeze %dma_wait3A_593 : memref<1x50x64xf32, #tpu.memory_space<vmem>> -> memref<50x64xf32, #tpu.memory_space<vmem>>
    %dma_wait3A_595 = arith.constant 0 : i32
    %dma_wait3A_596 = arith.constant 0 : i32
    %dma_wait3A_597 = tpu.memref_slice %arg4[%mul3A_4, %dma_wait3A_595, %dma_wait3A_596] : memref<4096x56x128xf32, #tpu.memory_space<hbm>> -> memref<1x50x64xf32, #tpu.memory_space<hbm>>
    %dma_wait3A_598 = tpu.memref_squeeze %dma_wait3A_597 : memref<1x50x64xf32, #tpu.memory_space<hbm>> -> memref<50x64xf32, #tpu.memory_space<hbm>>
    %dma_wait3A_599 = tpu.memref_slice %arg8[%dma_wait3A_590] : memref<2x!tpu.dma_semaphore, #tpu.memory_space<semaphore_mem>> -> memref<1x!tpu.dma_semaphore, #tpu.memory_space<semaphore_mem>>
    %dma_wait3A_600 = tpu.memref_squeeze %dma_wait3A_599 : memref<1x!tpu.dma_semaphore, #tpu.memory_space<semaphore_mem>> -> memref<!tpu.dma_semaphore, #tpu.memory_space<semaphore_mem>>
    %dma_wait3A_601 = arith.constant 0 : i32
    %dma_wait3A_602 = arith.constant 0 : i32
    %dma_wait3A_603 = tpu.memref_slice %arg4[%mul3A_4, %dma_wait3A_601, %dma_wait3A_602] : memref<4096x56x128xf32, #tpu.memory_space<hbm>> -> memref<1x50x64xf32, #tpu.memory_space<hbm>>
    %dma_wait3A_604 = tpu.memref_squeeze %dma_wait3A_603 : memref<1x50x64xf32, #tpu.memory_space<hbm>> -> memref<50x64xf32, #tpu.memory_space<hbm>>
    %dma_wait3A_605 = arith.constant 650 : i32
    %dma_wait3A_606 = arith.constant 0 : i32
    %dma_wait3A_607 = tpu.memref_slice %arg6[%dma_wait3A_589, %dma_wait3A_605, %dma_wait3A_606] : memref<2x800x64xf32, #tpu.memory_space<vmem>> -> memref<1x50x64xf32, #tpu.memory_space<vmem>>
    %dma_wait3A_608 = tpu.memref_squeeze %dma_wait3A_607 : memref<1x50x64xf32, #tpu.memory_space<vmem>> -> memref<50x64xf32, #tpu.memory_space<vmem>>
    tpu.wait_dma2 semaphore(%dma_wait3A_600 : memref<!tpu.dma_semaphore, #tpu.memory_space<semaphore_mem>>) src(%dma_wait3A_608 : memref<50x64xf32, #tpu.memory_space<vmem>>) dst(%dma_wait3A_604 : memref<50x64xf32, #tpu.memory_space<hbm>>)
    %dma_wait3A_609 = arith.constant 1 : i32
    %dma_wait3A_610 = arith.constant 1 : i32
    %dma_wait3A_611 = arith.constant 700 : i32
    %dma_wait3A_612 = arith.constant 0 : i32
    %dma_wait3A_613 = tpu.memref_slice %arg6[%dma_wait3A_609, %dma_wait3A_611, %dma_wait3A_612] : memref<2x800x64xf32, #tpu.memory_space<vmem>> -> memref<1x50x64xf32, #tpu.memory_space<vmem>>
    %dma_wait3A_614 = tpu.memref_squeeze %dma_wait3A_613 : memref<1x50x64xf32, #tpu.memory_space<vmem>> -> memref<50x64xf32, #tpu.memory_space<vmem>>
    %dma_wait3A_615 = arith.constant 0 : i32
    %dma_wait3A_616 = arith.constant 0 : i32
    %dma_wait3A_617 = tpu.memref_slice %arg4[%mul3A_4, %dma_wait3A_615, %dma_wait3A_616] : memref<4096x56x128xf32, #tpu.memory_space<hbm>> -> memref<1x50x64xf32, #tpu.memory_space<hbm>>
    %dma_wait3A_618 = tpu.memref_squeeze %dma_wait3A_617 : memref<1x50x64xf32, #tpu.memory_space<hbm>> -> memref<50x64xf32, #tpu.memory_space<hbm>>
    %dma_wait3A_619 = tpu.memref_slice %arg8[%dma_wait3A_610] : memref<2x!tpu.dma_semaphore, #tpu.memory_space<semaphore_mem>> -> memref<1x!tpu.dma_semaphore, #tpu.memory_space<semaphore_mem>>
    %dma_wait3A_620 = tpu.memref_squeeze %dma_wait3A_619 : memref<1x!tpu.dma_semaphore, #tpu.memory_space<semaphore_mem>> -> memref<!tpu.dma_semaphore, #tpu.memory_space<semaphore_mem>>
    %dma_wait3A_621 = arith.constant 0 : i32
    %dma_wait3A_622 = arith.constant 0 : i32
    %dma_wait3A_623 = tpu.memref_slice %arg4[%mul3A_4, %dma_wait3A_621, %dma_wait3A_622] : memref<4096x56x128xf32, #tpu.memory_space<hbm>> -> memref<1x50x64xf32, #tpu.memory_space<hbm>>
    %dma_wait3A_624 = tpu.memref_squeeze %dma_wait3A_623 : memref<1x50x64xf32, #tpu.memory_space<hbm>> -> memref<50x64xf32, #tpu.memory_space<hbm>>
    %dma_wait3A_625 = arith.constant 700 : i32
    %dma_wait3A_626 = arith.constant 0 : i32
    %dma_wait3A_627 = tpu.memref_slice %arg6[%dma_wait3A_609, %dma_wait3A_625, %dma_wait3A_626] : memref<2x800x64xf32, #tpu.memory_space<vmem>> -> memref<1x50x64xf32, #tpu.memory_space<vmem>>
    %dma_wait3A_628 = tpu.memref_squeeze %dma_wait3A_627 : memref<1x50x64xf32, #tpu.memory_space<vmem>> -> memref<50x64xf32, #tpu.memory_space<vmem>>
    tpu.wait_dma2 semaphore(%dma_wait3A_620 : memref<!tpu.dma_semaphore, #tpu.memory_space<semaphore_mem>>) src(%dma_wait3A_628 : memref<50x64xf32, #tpu.memory_space<vmem>>) dst(%dma_wait3A_624 : memref<50x64xf32, #tpu.memory_space<hbm>>)
    %dma_wait3A_629 = arith.constant 1 : i32
    %dma_wait3A_630 = arith.constant 1 : i32
    %dma_wait3A_631 = arith.constant 750 : i32
    %dma_wait3A_632 = arith.constant 0 : i32
    %dma_wait3A_633 = tpu.memref_slice %arg6[%dma_wait3A_629, %dma_wait3A_631, %dma_wait3A_632] : memref<2x800x64xf32, #tpu.memory_space<vmem>> -> memref<1x50x64xf32, #tpu.memory_space<vmem>>
    %dma_wait3A_634 = tpu.memref_squeeze %dma_wait3A_633 : memref<1x50x64xf32, #tpu.memory_space<vmem>> -> memref<50x64xf32, #tpu.memory_space<vmem>>
    %dma_wait3A_635 = arith.constant 0 : i32
    %dma_wait3A_636 = arith.constant 0 : i32
    %dma_wait3A_637 = tpu.memref_slice %arg4[%mul3A_4, %dma_wait3A_635, %dma_wait3A_636] : memref<4096x56x128xf32, #tpu.memory_space<hbm>> -> memref<1x50x64xf32, #tpu.memory_space<hbm>>
    %dma_wait3A_638 = tpu.memref_squeeze %dma_wait3A_637 : memref<1x50x64xf32, #tpu.memory_space<hbm>> -> memref<50x64xf32, #tpu.memory_space<hbm>>
    %dma_wait3A_639 = tpu.memref_slice %arg8[%dma_wait3A_630] : memref<2x!tpu.dma_semaphore, #tpu.memory_space<semaphore_mem>> -> memref<1x!tpu.dma_semaphore, #tpu.memory_space<semaphore_mem>>
    %dma_wait3A_640 = tpu.memref_squeeze %dma_wait3A_639 : memref<1x!tpu.dma_semaphore, #tpu.memory_space<semaphore_mem>> -> memref<!tpu.dma_semaphore, #tpu.memory_space<semaphore_mem>>
    %dma_wait3A_641 = arith.constant 0 : i32
    %dma_wait3A_642 = arith.constant 0 : i32
    %dma_wait3A_643 = tpu.memref_slice %arg4[%mul3A_4, %dma_wait3A_641, %dma_wait3A_642] : memref<4096x56x128xf32, #tpu.memory_space<hbm>> -> memref<1x50x64xf32, #tpu.memory_space<hbm>>
    %dma_wait3A_644 = tpu.memref_squeeze %dma_wait3A_643 : memref<1x50x64xf32, #tpu.memory_space<hbm>> -> memref<50x64xf32, #tpu.memory_space<hbm>>
    %dma_wait3A_645 = arith.constant 750 : i32
    %dma_wait3A_646 = arith.constant 0 : i32
    %dma_wait3A_647 = tpu.memref_slice %arg6[%dma_wait3A_629, %dma_wait3A_645, %dma_wait3A_646] : memref<2x800x64xf32, #tpu.memory_space<vmem>> -> memref<1x50x64xf32, #tpu.memory_space<vmem>>
    %dma_wait3A_648 = tpu.memref_squeeze %dma_wait3A_647 : memref<1x50x64xf32, #tpu.memory_space<vmem>> -> memref<50x64xf32, #tpu.memory_space<vmem>>
    tpu.wait_dma2 semaphore(%dma_wait3A_640 : memref<!tpu.dma_semaphore, #tpu.memory_space<semaphore_mem>>) src(%dma_wait3A_648 : memref<50x64xf32, #tpu.memory_space<vmem>>) dst(%dma_wait3A_644 : memref<50x64xf32, #tpu.memory_space<hbm>>)
    return
  }
}

</mosaic_0001>

<sc_bundles>
// kernel: kernel.3.cloned.1.call-start
scs
__scs_entry_jumppad:
0x0: {  	(pc) =	sbr.rel $0x88, $3  }
0x1: {  	(tag) =	ssettag $0x0;
	lr =	simm.s32 $0x1  }
0x2: {  	[smem:$0x3F9F] =	sst lr;
	_ =	strace $0xD0000000  }
0x3: {  	_ = 	snop  }
0x4: {  	_ = 	snop  }
0x5: {  	_ = 	snop  }
0x6: {  	_ = 	snop  }
0x7: {  	_ = 	snop  }
__scs_overlays_trampoline_lowered:
0x8: {  	[smem:$0x3FAE] =	sst s0  }
0x9: {  	[smem:$0x3FAF] =	sst s1  }
0xa: {  	[smem:$0x3FB0] =	sst s2  }
0xb: {  	[smem:$0x3FB1] =	sst s3  }
0xc: {  	[smem:$0x3FB2] =	sst s4  }
0xd: {  	[smem:$0x3FB3] =	sst s5  }
0xe: {  	[smem:$0x3FB4] =	sst s6  }
0xf: {  	[smem:$0x3FB5] =	sst s7  }
0x10: {  	[smem:$0x3FB6] =	sst s8  }
0x11: {  	[smem:$0x3FB7] =	sst s9;
	s0 =	simm.s32 @!p0 $0x0  }
0x12: {  	s1 =	sld [smem:$0x3F9D];
	s0 =	simm.s32 @p0 $0x1  }
0x13: {  	[smem:$0x3FB8] =	sst s0;
	s0 =	simm.s32 @!p1 $0x0  }
0x14: {  	s2 =	sld [smem:$0x3F9C];
	s0 =	simm.s32 @p1 $0x1  }
0x15: {  	[smem:$0x3FB9] =	sst s0;
	s0 =	simm.s32 @!p2 $0x0  }
0x16: {  	s3 =	sld [smem:$0x3FDB];
	s0 =	simm.s32 @p2 $0x1  }
0x17: {  	s4 =	simm.s32 $0x1BF5;
	[smem:$0x3FBB] =	sst s0  }
0x18: {  	s0 =	sld [smem:$0x3F9E];
	_ =	swait.ge [sflag:s4], $0x0  }
0x19: {  	s7 =	sld [smem:$0x3F9F]  }
0x1a: {  	s8 =	sadd.s32 $0xFFFFE003, lr  }
0x1b: {  	s9 =	sadd.s32 $0xFFFFFEF7, lr;
	s5 =	simm.s32 $0xFFFFFFFF;
	p2 =	slt.u32 s8, $0xFFFFF086  }
0x1c: {  	p1 =	slt.u32 s9, $0xF7A;
	s5 =	simm.s32 @!p2 $0x0  }
0x1d: {  	s5 =	simm.s32 @p1 $0x1;
	p0 =	seq.s32 s7, s2  }
0x1e: {  	s7 =	smul.u32 @!p0 $0xF7A, s2;
	p2 =	seq.s32 @!p0 s5, $0x0  }
0x1f: {  	s9 =	smul.u32 $0xF7A, s1;
	s8 =	simm.s32 @!p0 $0x1BF5;
	p2 =	por !p2, p0  }
0x20: {  	[sflag:s8] =	ssyncset.s32 @!p0 $0xFFFFF086;
	s6 =	sadd.s32 @!p0 s3, s7;
	s7 =	simm.s32 @!p0 $0x108  }
0x21: {  	s3 =	sadd.s32 s3, s9;
	s6 =	sadd.s32 @!p0 $0x88, s6;
	s7 =	simm.s32 @p2 $0x1082  }
0x22: {  	[simem:s7], [sflag:s8] =	dma.local @!p0 [hbm:s6], $0xF7A  }
0x23: {  	s9 =	sor.u32 $0xD0000000, s2;
	s6 =	simm.s32 $0x108;
	_ =	swait.ge @!p0 [sflag:s8], $0x0  }
0x24: {  	s3 =	sadd.s32 $0x88, s3;
	s6 =	simm.s32 @!p1 $0x1082;
	[sflag:s4] =	ssyncset.s32 $0xFFFFF086  }
0x25: {  	[simem:s6], [sflag:s4] =	dma.local [hbm:s3], $0xF7A  }
0x26: {  	[smem:$0x3F9F] =	sst s1;
	(tag) =	ssettag s2;
	_ =	strace s9  }
0x27: {  	s1 =	sld [smem:$0x3FAF]  }
0x28: {  	s2 =	sld [smem:$0x3FB0]  }
0x29: {  	s4 =	sld [smem:$0x3FB2]  }
0x2a: {  	p0 =	seq.s32 s5, $0x0;
	s5 =	sld [smem:$0x3FB3]  }
0x2b: {  	s6 =	sld [smem:$0x3FB4]  }
0x2c: {  	s7 =	sld [smem:$0x3FB5]  }
0x2d: {  	s3 =	simm.s32 $0x108;
	s8 =	sld [smem:$0x3FB6]  }
0x2e: {  	s3 =	simm.s32 @!p0 $0x1082;
	s9 =	sld [smem:$0x3FB7]  }
0x2f: {  	lr =	sadd.s32 s0, s3;
	s0 =	sld [smem:$0x3FAE]  }
0x30: {  	s3 =	sld [smem:$0x3FB1]  }
0x31: {  	[smem:$0x3FBA] =	sst s10  }
0x32: {  	s10 =	sld [smem:$0x3FB8];
	_ =	sdelay $0x3  }
0x33: {  	p0 =	seq.s32 s10, $0x1;
	s10 =	sld [smem:$0x3FBA];
	_ =	sdelay $0x3  }
0x34: {  	[smem:$0x3FBA] =	sst s10  }
0x35: {  	s10 =	sld [smem:$0x3FB9];
	_ =	sdelay $0x3  }
0x36: {  	p1 =	seq.s32 s10, $0x1;
	s10 =	sld [smem:$0x3FBA];
	_ =	sdelay $0x3  }
0x37: {  	[smem:$0x3FBA] =	sst s10  }
0x38: {  	s10 =	sld [smem:$0x3FBB]  }
0x39: {  	_ = 	snop;
	(pc) =	sbr.ind lr, $3  }
0x3a: {  	_ = 	snop  }
0x3b: {  	_ = 	snop  }
0x3c: {  	p2 =	seq.s32 s10, $0x1;
	s10 =	sld [smem:$0x3FBA]  }
0x3d: {  	_ =	shalt  }
0x3e: {  	_ =	shalt  }
0x3f: {  	_ =	shalt  }
0x40: {  	_ =	shalt  }
0x41: {  	_ =	shalt  }
0x42: {  	_ =	shalt  }
0x43: {  	_ =	shalt  }
0x44: {  	_ =	shalt  }
0x45: {  	_ =	shalt  }
0x46: {  	_ =	shalt  }
0x47: {  	_ =	shalt  }
0x48: {  	_ =	shalt  }
0x49: {  	_ =	shalt  }
0x4a: {  	_ =	shalt  }
0x4b: {  	_ =	shalt  }
0x4c: {  	_ =	shalt  }
0x4d: {  	_ =	shalt  }
0x4e: {  	_ =	shalt  }
0x4f: {  	_ =	shalt  }
0x50: {  	_ =	shalt  }
0x51: {  	_ =	shalt  }
0x52: {  	_ =	shalt  }
0x53: {  	_ =	shalt  }
0x54: {  	_ =	shalt  }
0x55: {  	_ =	shalt  }
0x56: {  	_ =	shalt  }
0x57: {  	_ =	shalt  }
0x58: {  	_ =	shalt  }
0x59: {  	_ =	shalt  }
0x5a: {  	_ =	shalt  }
0x5b: {  	_ =	shalt  }
0x5c: {  	_ =	shalt  }
0x5d: {  	_ =	shalt  }
0x5e: {  	_ =	shalt  }
0x5f: {  	_ =	shalt  }
0x60: {  	_ =	shalt  }
0x61: {  	_ =	shalt  }
0x62: {  	_ =	shalt  }
0x63: {  	_ =	shalt  }
0x64: {  	_ =	shalt  }
0x65: {  	_ =	shalt  }
0x66: {  	_ =	shalt  }
0x67: {  	_ =	shalt  }
0x68: {  	_ =	shalt  }
0x69: {  	_ =	shalt  }
0x6a: {  	_ =	shalt  }
0x6b: {  	_ =	shalt  }
0x6c: {  	_ =	shalt  }
0x6d: {  	_ =	shalt  }
0x6e: {  	_ =	shalt  }
0x6f: {  	_ =	shalt  }
0x70: {  	_ =	shalt  }
0x71: {  	_ =	shalt  }
0x72: {  	_ =	shalt  }
0x73: {  	_ =	shalt  }
0x74: {  	_ =	shalt  }
0x75: {  	_ =	shalt  }
0x76: {  	_ =	shalt  }
0x77: {  	_ =	shalt  }
0x78: {  	_ =	shalt  }
0x79: {  	_ =	shalt  }
0x7a: {  	_ =	shalt  }
0x7b: {  	_ =	shalt  }
0x7c: {  	_ =	shalt  }
0x7d: {  	_ =	shalt  }
0x7e: {  	_ =	shalt  }
0x7f: {  	_ =	shalt  }
0x80: {  	_ =	shalt  }
0x81: {  	_ =	shalt  }
0x82: {  	_ =	shalt  }
0x83: {  	_ =	shalt  }
0x84: {  	_ =	shalt  }
0x85: {  	_ =	shalt  }
0x86: {  	_ =	shalt  }
0x87: {  	_ =	shalt  }
.Lfunc_end0:
.L_simem_size_0:
called_computation.1_lowered:
.L_overlay_start_0:
0x88: {  	s2 =	sld [smem:$0x3FD9]  }
0x89: {  	s3 =	sld [smem:$0x3FFE];
	_ =	sdelay $0x1  }
0x8a: {  	s1 =	srdreg.scid  }
0x8b: {  	s0 =	sand.u32 $0x1, s1  }
0x8c: {  	s16 =	sshll.u32 s0, $0xA;
	s2 =	sadd.s32 s3, s2  }
0x8d: {  	s2 =	sadd.s32 s2, s16  }
0x8e: {  	[smem:$0x3FC6] =	sst s2  }
0x8f: {  	_ = 	snop  }
0x90: {  	(tm) =	ssettm $0x1  }
0x91: {  	s17 =	sld [smem:$0x3FFB];
	_ =	sdelay $0x3  }
0x92: {  	_ =	strace s17  }
0x93: {  	s2 =	sld [smem:$0x3FFC];
	_ =	sdelay $0x3  }
0x94: {  	_ =	strace s2  }
0x95: {  	s2 =	sld [smem:$0x3FFD];
	_ =	sdelay $0x3  }
0x96: {  	_ =	strace s2  }
0x97: {  	_ =	strace $0x8FFFFFFF  }
0x98: {  	s18 =	sld [smem:$0x3FDB];
	_ =	sdelay $0x1  }
0x99: {  	s19 =	simm.s32 $_scs_section_size  }
0x9a: {  	s4 =	simm.s32 $_size__tile_overlayer_lowered;
	s5 =	simm.s32 $_tile_overlayer_lowered  }
0x9b: {  	s22 =	simm.s32 $0x1BFF;
	s21 =	sshll.u32 s5, $0x1;
	s2 =	sadd.s32 s19, s18  }
0x9c: {  	s6 =	simm.s32 $0x0;
	s20 =	sshll.u32 s4, $0x1;
	s4 =	sadd.s32 s21, s2  }
0x9d: {  	[timem:s6], [sflag:s22] =	dma.local [hbm:s4], s20  }
0x9e: {  	_ =	swait.ge [sflag:s22], s20  }
0x9f: {  	s3 =	ssub.s32 $0x0, s20;
	[sflag:s22] =	ssyncset.done $0x0  }
0xa0: {  	[sflag:s22] =	ssyncadd.s32 s3;
	_ =	sdelay $0x1  }
0xa1: {  	s23 =	simm.s32 $0x1B8B  }
0xa2: {  	_ =	swait.ge [sflag:s23], $0x1  }
0xa3: {  	[sflag:s23] =	ssyncset.done $0x0  }
0xa4: {  	s25 =	simm.s32 $0x1B8E;
	s24 =	sld [smem:$0x3FFE];
	[sflag:s23] =	ssyncadd.s32 $0xFFFFFFFF  }
0xa5: {  	s26 =	simm.s32 $execute0_lowered;
	[smem:$0x3FD2] =	sst s25  }
0xa6: {  	s4 =	sshll.u32 s26, $0x1;
	_ =	strace $0x80000046;
	[dreg:$0x1] =	wrdreg $0xFFFFFFFF  }
0xa7: {  	s28 =	simm.s32 $_size_execute0_lowered;
	s2 =	sadd.s32 s2, s4;
	[dreg:$0x0] =	wrdreg $0x0  }
0xa8: {  	s4 =	sshll.u32 s28, $0x1;
	[dreg:$0x2] =	wrdreg s2  }
0xa9: {  	[dreg:$0x3] =	wrdreg s4  }
0xaa: {  	[dreg:$0x4] =	wrdreg $0xC0  }
0xab: {  	_ =	task [dreg:s6], $0x5FFFF  }
0xac: {  	[dreg:$0x1] =	wrdreg $0xFFFFFFFF  }
0xad: {  	[dreg:$0x0] =	wrdreg $0x60  }
0xae: {  	[dreg:$0x2] =	wrdreg s24  }
0xaf: {  	[dreg:$0x3] =	wrdreg $0x9  }
0xb0: {  	_ =	task.clear_ibuf [dreg:s6], $0x4FFFF;
	_ =	strace $0x90000046  }
0xb1: {  	s29 =	simm.s32 $0x9;
	_ =	strace $0x80000048  }
0xb2: {  	_ =	swait.ge [sflag:s29], $0x1  }
0xb3: {  	[sflag:s29] =	ssyncadd.s32 $0xFFFFFFFF  }
0xb4: {  	_ =	strace $0x90000048  }
0xb5: {  	_ =	sfence  }
0xb6: {  	s30 =	sld [smem:$0x0];
	_ =	sdelay $0x2  }
0xb7: {  	s31 =	sshll.u32 s1, $0xD;
	s1 =	sshrl.u32 s1, $0x2  }
0xb8: {  	s3 =	sand.u32 $0x4000, s31;
	s1 =	sadd.s32 s1, s30  }
0xb9: {  	s0 =	sor.u32 s3, s0;
	s1 =	sshll.u32 s1, $0x11  }
0xba: {  	s0 =	sor.u32 s1, s0  }
0xbb: {  	s0 =	sadd.s32 $0x8F2B, s0  }
0xbc: {  	[sflag:s0] =	ssyncadd.remote.s32 $0x1  }
0xbd: {  	_ =	sfence.sel $0xFFFF  }
0xbe: {  	[dreg:$0x0] =	wrdreg $0xFFFFFFFF;
	(pc) =	sbr.abs _section_cstart, $3  }
0xbf: {  	[dreg:$0x1] =	wrdreg $0xFFFFFFFF  }
0xc0: {  	_ =	task.clear_ibuf [dreg:s6], $0x2FFFF;
	_ =	strace $0x9FFFFFFF  }
0xc1: {  	(tm) =	ssettm $0x7FFFFFFF  }
tec
execute0_lowered:
.L_overlay_start_1:
0x0: {  	(tag) =	ssettag $0x1  }
0x1: {  	s0 =	srdreg.scid  }
0x2: {  	s19 =	stileid.u32;
	s1 =	rddreg [dreg:$0x0];
	s3 =	simm.s32 $0x0  }
0x3: {  	s28 =	simm.s32 $0x40;
	s29 =	simm.s32 $0x80;
	s31 =	simm.s32 $0x3  }
0x4: {  	s0 =	sand.u32 $0x1, s0;
	s2 =	sshll.u32 s19, $0x1;
	[smem:$0x7FF] =	sst s3  }
0x5: {  	s3 =	sadd.s32 $0x6C00, s1;
	s9 =	smul.u32 $0x1C0000, s19;
	s30 =	sadd.s32 $0xCA580, s1  }
0x6: {  	s8 =	sadd.s32 $0xCA900, s1;
	s26 =	smul.u32 $0x38000, s19;
	s2 =	sor.u32 s0, s2  }
0x7: {  	_ =	strace $0x80000047;
	s5 =	ssub.s32 $0x2, s0;
	s10 =	smul.u32 $0xE0000, s0  }
0x8: {  	[dreg:$0x5] =	wrdreg s30;
	s4 =	smul.u32 $0x320, s2;
	s7 =	sshrl.u32 s5, $0x1  }
0x9: {  	s0 =	smul.u32 $0x1C000, s0;
	s2 =	sshll.u32 s2, $0x7;
	s5 =	ssub.s32 s5, s7  }
0xa: {  	[dreg:$0x3] =	wrdreg s2;
	s7 =	sadd.s32 s10, s9;
	s6 =	sadd.s32 s4, s1  }
0xb: {  	s4 =	sadd.s32 $0xCA200, s1;
	s16 =	sor.u32 $0x1A400, s7;
	s17 =	sor.u32 $0x18800, s7  }
0xc: {  	s9 =	sor.u32 $0x16C00, s7;
	s18 =	sor.u32 $0x15000, s7;
	s20 =	sor.u32 $0x13400, s7  }
0xd: {  	s21 =	sor.u32 $0x11800, s7;
	s22 =	sor.u32 $0xFC00, s7;
	s23 =	sor.u32 $0xE000, s7  }
0xe: {  	s24 =	sor.u32 $0xC400, s7;
	s25 =	sor.u32 $0xA800, s7;
	s1 =	sor.u32 $0x8C00, s7  }
0xf: {  	s6 =	sadd.s32 $0x800, s6;
	s2 =	sshrl.u32 s16, $0x3;
	s9 =	sshrl.u32 s9, $0x3  }
0x10: {  	s1 =	sshrl.u32 s1, $0x3;
	s30 =	sadd.s32 s26, s4;
	s26 =	simm.s32 $0x1  }
0x11: {  	[dreg:$0x2] =	wrdreg s6;
	s6 =	smax.u32 s5, $0x1;
	s5 =	sshrl.u32 s17, $0x3  }
0x12: {  	s10 =	sadd.s32 s2, s4;
	s12 =	sadd.s32 s9, s4;
	s2 =	sshrl.u32 s18, $0x3  }
0x13: {  	s9 =	sshrl.u32 s21, $0x3;
	s21 =	sadd.s32 s0, s30;
	[dreg:$0x4] =	wrdreg s6  }
0x14: {  	s11 =	sadd.s32 s5, s4;
	s5 =	sshrl.u32 s20, $0x3;
	s13 =	sadd.s32 s2, s4  }
0x15: {  	s15 =	sadd.s32 s9, s4;
	s2 =	sshrl.u32 s22, $0x3;
	s9 =	sshrl.u32 s24, $0x3  }
.Ltmp0:
0x16: {  	s20 =	sadd.s32 s1, s4;
	s24 =	simm.s32 $0x1900;
	(pc) =	sbr.rel .LBB2_1-.Ltmp0, $4  }
0x17: {  	s1 =	simm.s32 $0x4;
	s14 =	sadd.s32 s5, s4;
	s5 =	sshrl.u32 s23, $0x3  }
0x18: {  	s16 =	sadd.s32 s2, s4;
	s18 =	sadd.s32 s9, s4;
	s2 =	sshrl.u32 s25, $0x3  }
0x19: {  	s23 =	simm.s32 $0x320;
	s25 =	simm.s32 $0xE100;
	s17 =	sadd.s32 s5, s4  }
0x1a: {  	s19 =	sadd.s32 s2, s4;
	s2 =	simm.s32 $0x2;
	s5 =	simm.s32 $0x0  }
.LBB2_6:
0x1b: {  	_ =	swait.ge [sflag:s31], $0xC80  }
0x1c: {  	[sflag:s31] =	ssyncset.done $0x0  }
0x1d: {  	[sflag:s31] =	ssyncadd.s32 $0xFFFFF380  }
0x1e: {  	_ =	swait.ge [sflag:s31], $0xC80  }
0x1f: {  	[sflag:s31] =	ssyncset.done $0x0  }
0x20: {  	[sflag:s31] =	ssyncadd.s32 $0xFFFFF380  }
0x21: {  	_ =	swait.ge [sflag:s31], $0xC80  }
0x22: {  	[sflag:s31] =	ssyncset.done $0x0  }
0x23: {  	[sflag:s31] =	ssyncadd.s32 $0xFFFFF380  }
0x24: {  	_ =	swait.ge [sflag:s31], $0xC80  }
0x25: {  	[sflag:s31] =	ssyncset.done $0x0  }
0x26: {  	[sflag:s31] =	ssyncadd.s32 $0xFFFFF380  }
0x27: {  	_ =	swait.ge [sflag:s31], $0xC80  }
0x28: {  	[sflag:s31] =	ssyncset.done $0x0  }
0x29: {  	[sflag:s31] =	ssyncadd.s32 $0xFFFFF380  }
0x2a: {  	_ =	swait.ge [sflag:s31], $0xC80  }
0x2b: {  	[sflag:s31] =	ssyncset.done $0x0  }
0x2c: {  	[sflag:s31] =	ssyncadd.s32 $0xFFFFF380  }
0x2d: {  	_ =	swait.ge [sflag:s31], $0xC80  }
0x2e: {  	[sflag:s31] =	ssyncset.done $0x0  }
0x2f: {  	[sflag:s31] =	ssyncadd.s32 $0xFFFFF380  }
0x30: {  	_ =	swait.ge [sflag:s31], $0xC80  }
0x31: {  	[sflag:s31] =	ssyncset.done $0x0  }
0x32: {  	[sflag:s31] =	ssyncadd.s32 $0xFFFFF380  }
0x33: {  	_ =	swait.ge [sflag:s31], $0xC80  }
0x34: {  	[sflag:s31] =	ssyncset.done $0x0  }
0x35: {  	[sflag:s31] =	ssyncadd.s32 $0xFFFFF380  }
0x36: {  	_ =	swait.ge [sflag:s31], $0xC80  }
0x37: {  	[sflag:s31] =	ssyncset.done $0x0  }
0x38: {  	[sflag:s31] =	ssyncadd.s32 $0xFFFFF380  }
0x39: {  	_ =	swait.ge [sflag:s31], $0xC80  }
0x3a: {  	[sflag:s31] =	ssyncset.done $0x0  }
0x3b: {  	[sflag:s31] =	ssyncadd.s32 $0xFFFFF380  }
0x3c: {  	_ =	swait.ge [sflag:s31], $0xC80  }
0x3d: {  	[sflag:s31] =	ssyncset.done $0x0  }
0x3e: {  	[sflag:s31] =	ssyncadd.s32 $0xFFFFF380  }
0x3f: {  	_ =	swait.ge [sflag:s31], $0xC80  }
0x40: {  	[sflag:s31] =	ssyncset.done $0x0  }
0x41: {  	[sflag:s31] =	ssyncadd.s32 $0xFFFFF380  }
0x42: {  	_ =	swait.ge [sflag:s31], $0xC80  }
0x43: {  	[sflag:s31] =	ssyncset.done $0x0  }
0x44: {  	[sflag:s31] =	ssyncadd.s32 $0xFFFFF380  }
0x45: {  	_ =	swait.ge [sflag:s31], $0xC80  }
0x46: {  	[sflag:s31] =	ssyncset.done $0x0  }
0x47: {  	[sflag:s31] =	ssyncadd.s32 $0xFFFFF380  }
0x48: {  	_ =	swait.ge [sflag:s31], $0xC80  }
0x49: {  	[sflag:s31] =	ssyncset.done $0x0  }
0x4a: {  	[sflag:s31] =	ssyncadd.s32 $0xFFFFF380  }
0x4b: {  	_ =	swait.ge [sflag:s1], $0xC80  }
0x4c: {  	[sflag:s1] =	ssyncset.done $0x0  }
0x4d: {  	[sflag:s1] =	ssyncadd.s32 $0xFFFFF380  }
0x4e: {  	_ =	swait.ge [sflag:s1], $0xC80  }
0x4f: {  	[sflag:s1] =	ssyncset.done $0x0  }
0x50: {  	[sflag:s1] =	ssyncadd.s32 $0xFFFFF380  }
0x51: {  	_ =	swait.ge [sflag:s1], $0xC80  }
0x52: {  	[sflag:s1] =	ssyncset.done $0x0  }
0x53: {  	[sflag:s1] =	ssyncadd.s32 $0xFFFFF380  }
0x54: {  	_ =	swait.ge [sflag:s1], $0xC80  }
0x55: {  	[sflag:s1] =	ssyncset.done $0x0  }
0x56: {  	[sflag:s1] =	ssyncadd.s32 $0xFFFFF380  }
0x57: {  	_ =	swait.ge [sflag:s1], $0xC80  }
0x58: {  	[sflag:s1] =	ssyncset.done $0x0  }
0x59: {  	[sflag:s1] =	ssyncadd.s32 $0xFFFFF380  }
0x5a: {  	_ =	swait.ge [sflag:s1], $0xC80  }
0x5b: {  	[sflag:s1] =	ssyncset.done $0x0  }
0x5c: {  	[sflag:s1] =	ssyncadd.s32 $0xFFFFF380  }
0x5d: {  	_ =	swait.ge [sflag:s1], $0xC80  }
0x5e: {  	[sflag:s1] =	ssyncset.done $0x0  }
0x5f: {  	[sflag:s1] =	ssyncadd.s32 $0xFFFFF380  }
0x60: {  	_ =	swait.ge [sflag:s1], $0xC80  }
0x61: {  	[sflag:s1] =	ssyncset.done $0x0  }
0x62: {  	[sflag:s1] =	ssyncadd.s32 $0xFFFFF380  }
0x63: {  	_ =	swait.ge [sflag:s1], $0xC80  }
0x64: {  	[sflag:s1] =	ssyncset.done $0x0  }
0x65: {  	[sflag:s1] =	ssyncadd.s32 $0xFFFFF380  }
0x66: {  	_ =	swait.ge [sflag:s1], $0xC80  }
0x67: {  	[sflag:s1] =	ssyncset.done $0x0  }
0x68: {  	[sflag:s1] =	ssyncadd.s32 $0xFFFFF380  }
0x69: {  	_ =	swait.ge [sflag:s1], $0xC80  }
0x6a: {  	[sflag:s1] =	ssyncset.done $0x0  }
0x6b: {  	[sflag:s1] =	ssyncadd.s32 $0xFFFFF380  }
0x6c: {  	_ =	swait.ge [sflag:s1], $0xC80  }
0x6d: {  	[sflag:s1] =	ssyncset.done $0x0  }
0x6e: {  	[sflag:s1] =	ssyncadd.s32 $0xFFFFF380  }
0x6f: {  	_ =	swait.ge [sflag:s1], $0xC80  }
0x70: {  	[sflag:s1] =	ssyncset.done $0x0  }
0x71: {  	[sflag:s1] =	ssyncadd.s32 $0xFFFFF380  }
0x72: {  	_ =	swait.ge [sflag:s1], $0xC80  }
0x73: {  	[sflag:s1] =	ssyncset.done $0x0  }
0x74: {  	[sflag:s1] =	ssyncadd.s32 $0xFFFFF380  }
0x75: {  	_ =	swait.ge [sflag:s1], $0xC80  }
0x76: {  	[sflag:s1] =	ssyncset.done $0x0  }
0x77: {  	[sflag:s1] =	ssyncadd.s32 $0xFFFFF380  }
0x78: {  	_ =	swait.ge [sflag:s1], $0xC80  }
0x79: {  	s5 =	rddreg [dreg:$0x6]  }
0x7a: {  	s0 =	rddreg [dreg:$0x4];
	s5 =	sadd.s32 $0x1, s5  }
0x7b: {  	p0 =	sne.s32 s5, s0  }
.Ltmp1:
0x7c: {  	_ = 	snop;
	(pc) =	sbr.rel @!p0 .LBB2_7-.Ltmp1, $3  }
0x7d: {  	_ =	sdelay $0x1  }
0x7e: {  	[sflag:s1] =	ssyncset.done $0x0  }
0x7f: {  	[sflag:s1] =	ssyncadd.s32 $0xFFFFF380  }
.LBB2_1:
0x80: {  	[dreg:$0x6] =	wrdreg s5;
	s0 =	simm.s32 $0x0  }
.Ltmp2:
0x81: {  	s22 =	rddreg [dreg:$0x2];
	s30 =	simm.s32 $0x5;
	(pc) =	sbr.rel .LBB2_2-.Ltmp2, $4  }
0x82: {  	[tilespmem:s0], [sflag:$0x5] =	stream.linear.gather [hbm4b:s22+s0], $0x1900, $0x38;
	[tilespmem:$0x1A900] =	vst v63  }
0x83: {  	_ =	swait.ge [sflag:s30], $0x1900  }
0x84: {  	s9 =	simm.s32 $0x0;
	[sflag:s30] =	ssyncset.done $0x0  }
0x85: {  	s0 =	simm.s32 $0x0;
	s22 =	simm.s32 $0x1;
	[sflag:s30] =	ssyncadd.s32 $0xFFFFE700  }
.LBB2_4:
0x86: {  	_ =	swait.ge [sflag:s31], $0xC80  }
0x87: {  	[sflag:s31] =	ssyncset.done $0x0  }
0x88: {  	[sflag:s31] =	ssyncadd.s32 $0xFFFFF380  }
0x89: {  	_ =	swait.ge [sflag:s31], $0xC80  }
0x8a: {  	[sflag:s31] =	ssyncset.done $0x0  }
0x8b: {  	[sflag:s31] =	ssyncadd.s32 $0xFFFFF380  }
0x8c: {  	_ =	swait.ge [sflag:s31], $0xC80  }
0x8d: {  	[sflag:s31] =	ssyncset.done $0x0  }
0x8e: {  	[sflag:s31] =	ssyncadd.s32 $0xFFFFF380  }
0x8f: {  	_ =	swait.ge [sflag:s31], $0xC80  }
0x90: {  	[sflag:s31] =	ssyncset.done $0x0  }
0x91: {  	[sflag:s31] =	ssyncadd.s32 $0xFFFFF380  }
0x92: {  	_ =	swait.ge [sflag:s31], $0xC80  }
0x93: {  	[sflag:s31] =	ssyncset.done $0x0  }
0x94: {  	[sflag:s31] =	ssyncadd.s32 $0xFFFFF380  }
0x95: {  	_ =	swait.ge [sflag:s31], $0xC80  }
0x96: {  	[sflag:s31] =	ssyncset.done $0x0  }
0x97: {  	[sflag:s31] =	ssyncadd.s32 $0xFFFFF380  }
0x98: {  	_ =	swait.ge [sflag:s31], $0xC80  }
0x99: {  	[sflag:s31] =	ssyncset.done $0x0  }
0x9a: {  	[sflag:s31] =	ssyncadd.s32 $0xFFFFF380  }
0x9b: {  	_ =	swait.ge [sflag:s31], $0xC80  }
0x9c: {  	[sflag:s31] =	ssyncset.done $0x0  }
0x9d: {  	[sflag:s31] =	ssyncadd.s32 $0xFFFFF380  }
0x9e: {  	_ =	swait.ge [sflag:s31], $0xC80  }
0x9f: {  	[sflag:s31] =	ssyncset.done $0x0  }
0xa0: {  	[sflag:s31] =	ssyncadd.s32 $0xFFFFF380  }
0xa1: {  	_ =	swait.ge [sflag:s31], $0xC80  }
0xa2: {  	[sflag:s31] =	ssyncset.done $0x0  }
0xa3: {  	[sflag:s31] =	ssyncadd.s32 $0xFFFFF380  }
0xa4: {  	_ =	swait.ge [sflag:s31], $0xC80  }
0xa5: {  	[sflag:s31] =	ssyncset.done $0x0  }
0xa6: {  	[sflag:s31] =	ssyncadd.s32 $0xFFFFF380  }
0xa7: {  	_ =	swait.ge [sflag:s31], $0xC80  }
0xa8: {  	[sflag:s31] =	ssyncset.done $0x0  }
0xa9: {  	[sflag:s31] =	ssyncadd.s32 $0xFFFFF380  }
0xaa: {  	_ =	swait.ge [sflag:s31], $0xC80  }
0xab: {  	[sflag:s31] =	ssyncset.done $0x0  }
0xac: {  	[sflag:s31] =	ssyncadd.s32 $0xFFFFF380  }
0xad: {  	_ =	swait.ge [sflag:s31], $0xC80  }
0xae: {  	[sflag:s31] =	ssyncset.done $0x0  }
0xaf: {  	[sflag:s31] =	ssyncadd.s32 $0xFFFFF380  }
0xb0: {  	_ =	swait.ge [sflag:s31], $0xC80  }
0xb1: {  	[sflag:s31] =	ssyncset.done $0x0  }
0xb2: {  	[sflag:s31] =	ssyncadd.s32 $0xFFFFF380  }
0xb3: {  	_ =	swait.ge [sflag:s31], $0xC80  }
0xb4: {  	[sflag:s31] =	ssyncset.done $0x0  }
0xb5: {  	[sflag:s31] =	ssyncadd.s32 $0xFFFFF380  }
0xb6: {  	[tilespmem:s24], [sflag:$0x1] =	stream.indirect.gather [hbm4b:s3+s23], $0x40, s9, s23, $0xb8;
	[tilespmem:$0x1A900] =	vst v63  }
0xb7: {  	_ =	swait.ge [sflag:s1], $0xC80  }
0xb8: {  	[sflag:s1] =	ssyncset.done $0x0  }
0xb9: {  	[sflag:s1] =	ssyncadd.s32 $0xFFFFF380  }
0xba: {  	_ =	swait.ge [sflag:s1], $0xC80  }
0xbb: {  	[sflag:s1] =	ssyncset.done $0x0  }
0xbc: {  	[sflag:s1] =	ssyncadd.s32 $0xFFFFF380  }
0xbd: {  	_ =	swait.ge [sflag:s1], $0xC80  }
0xbe: {  	[sflag:s1] =	ssyncset.done $0x0  }
0xbf: {  	[sflag:s1] =	ssyncadd.s32 $0xFFFFF380  }
0xc0: {  	_ =	swait.ge [sflag:s1], $0xC80  }
0xc1: {  	[sflag:s1] =	ssyncset.done $0x0  }
0xc2: {  	[sflag:s1] =	ssyncadd.s32 $0xFFFFF380  }
0xc3: {  	_ =	swait.ge [sflag:s1], $0xC80  }
0xc4: {  	[sflag:s1] =	ssyncset.done $0x0  }
0xc5: {  	[sflag:s1] =	ssyncadd.s32 $0xFFFFF380  }
0xc6: {  	_ =	swait.ge [sflag:s1], $0xC80  }
0xc7: {  	[sflag:s1] =	ssyncset.done $0x0  }
0xc8: {  	[sflag:s1] =	ssyncadd.s32 $0xFFFFF380  }
0xc9: {  	_ =	swait.ge [sflag:s1], $0xC80  }
0xca: {  	[sflag:s1] =	ssyncset.done $0x0  }
0xcb: {  	[sflag:s1] =	ssyncadd.s32 $0xFFFFF380  }
0xcc: {  	_ =	swait.ge [sflag:s1], $0xC80  }
0xcd: {  	[sflag:s1] =	ssyncset.done $0x0  }
0xce: {  	[sflag:s1] =	ssyncadd.s32 $0xFFFFF380  }
0xcf: {  	_ =	swait.ge [sflag:s1], $0xC80  }
0xd0: {  	[sflag:s1] =	ssyncset.done $0x0  }
0xd1: {  	[sflag:s1] =	ssyncadd.s32 $0xFFFFF380  }
0xd2: {  	_ =	swait.ge [sflag:s1], $0xC80  }
0xd3: {  	[sflag:s1] =	ssyncset.done $0x0  }
0xd4: {  	[sflag:s1] =	ssyncadd.s32 $0xFFFFF380  }
0xd5: {  	_ =	swait.ge [sflag:s1], $0xC80  }
0xd6: {  	[sflag:s1] =	ssyncset.done $0x0  }
0xd7: {  	[sflag:s1] =	ssyncadd.s32 $0xFFFFF380  }
0xd8: {  	_ =	swait.ge [sflag:s1], $0xC80  }
0xd9: {  	[sflag:s1] =	ssyncset.done $0x0  }
0xda: {  	[sflag:s1] =	ssyncadd.s32 $0xFFFFF380  }
0xdb: {  	_ =	swait.ge [sflag:s1], $0xC80  }
0xdc: {  	[sflag:s1] =	ssyncset.done $0x0  }
0xdd: {  	[sflag:s1] =	ssyncadd.s32 $0xFFFFF380  }
0xde: {  	_ =	swait.ge [sflag:s1], $0xC80  }
0xdf: {  	[sflag:s1] =	ssyncset.done $0x0  }
0xe0: {  	[sflag:s1] =	ssyncadd.s32 $0xFFFFF380  }
0xe1: {  	_ =	swait.ge [sflag:s1], $0xC80  }
0xe2: {  	[sflag:s1] =	ssyncset.done $0x0  }
0xe3: {  	[sflag:s1] =	ssyncadd.s32 $0xFFFFF380  }
0xe4: {  	_ =	swait.ge [sflag:s1], $0xC80  }
0xe5: {  	[sflag:s1] =	ssyncset.done $0x0  }
0xe6: {  	s5 =	smov.u32 s22;
	[sflag:s1] =	ssyncadd.s32 $0xFFFFF380  }
.LBB2_5:
0xe7: {  	s30 =	smul.u32 $0xC80, s5;
	_ =	sdelay $0x1  }
0xe8: {  	s30 =	sshra.s32 s30, $0x2  }
0xe9: {  	[tilespmem:s25], [sflag:$0x2] =	stream.indirect.gather [hbm4b:s3+s23], $0x40, s30, s23, $0xb8;
	[tilespmem:$0x1A900] =	vst v63  }
0xea: {  	_ =	swait.ge [sflag:s26], $0xC800  }
0xeb: {  	[sflag:s26] =	ssyncset.done $0x0  }
0xec: {  	s30 =	sadd.s32 s0, s21;
	[sflag:s26] =	ssyncadd.s32 $0xFFFF3800  }
0xed: {  	[hbm4b:s30+s28] =	stream.strided.scatter [tilespmem:s24], [sflag:$0x3], $0xC80, s29, s28, $0x38;
	[tilespmem:$0x1A900] =	vst v63  }
0xee: {  	s7 =	simm.s32 $0x2580;
	s6 =	sadd.s32 $0x380, s30  }
0xef: {  	[hbm4b:s6+s28] =	stream.strided.scatter [tilespmem:s7], [sflag:$0x3], $0xC80, s29, s28, $0x38;
	[tilespmem:$0x1A900] =	vst v63  }
0xf0: {  	s6 =	sadd.s32 $0x700, s30;
	s7 =	simm.s32 $0x3200  }
0xf1: {  	[hbm4b:s6+s28] =	stream.strided.scatter [tilespmem:s7], [sflag:$0x3], $0xC80, s29, s28, $0x38;
	[tilespmem:$0x1A900] =	vst v63  }
0xf2: {  	s6 =	sadd.s32 $0xA80, s30;
	s7 =	simm.s32 $0x3E80  }
0xf3: {  	[hbm4b:s6+s28] =	stream.strided.scatter [tilespmem:s7], [sflag:$0x3], $0xC80, s29, s28, $0x38;
	[tilespmem:$0x1A900] =	vst v63  }
0xf4: {  	s7 =	sadd.s32 $0xE00, s30;
	s30 =	simm.s32 $0x4B00  }
0xf5: {  	[hbm4b:s7+s28] =	stream.strided.scatter [tilespmem:s30], [sflag:$0x3], $0xC80, s29, s28, $0x38;
	[tilespmem:$0x1A900] =	vst v63  }
0xf6: {  	s7 =	sadd.s32 s0, s20;
	s30 =	simm.s32 $0x5780  }
0xf7: {  	[hbm4b:s7+s28] =	stream.strided.scatter [tilespmem:s30], [sflag:$0x3], $0xC80, s29, s28, $0x38;
	[tilespmem:$0x1A900] =	vst v63  }
0xf8: {  	s7 =	sadd.s32 s0, s19;
	s30 =	simm.s32 $0x6400  }
0xf9: {  	[hbm4b:s7+s28] =	stream.strided.scatter [tilespmem:s30], [sflag:$0x3], $0xC80, s29, s28, $0x38;
	[tilespmem:$0x1A900] =	vst v63  }
0xfa: {  	s7 =	sadd.s32 s0, s18;
	s30 =	simm.s32 $0x7080  }
0xfb: {  	[hbm4b:s7+s28] =	stream.strided.scatter [tilespmem:s30], [sflag:$0x3], $0xC80, s29, s28, $0x38;
	[tilespmem:$0x1A900] =	vst v63  }
0xfc: {  	s7 =	sadd.s32 s0, s17;
	s30 =	simm.s32 $0x7D00  }
0xfd: {  	[hbm4b:s7+s28] =	stream.strided.scatter [tilespmem:s30], [sflag:$0x3], $0xC80, s29, s28, $0x38;
	[tilespmem:$0x1A900] =	vst v63  }
0xfe: {  	s7 =	sadd.s32 s0, s16;
	s30 =	simm.s32 $0x8980  }
0xff: {  	[hbm4b:s7+s28] =	stream.strided.scatter [tilespmem:s30], [sflag:$0x3], $0xC80, s29, s28, $0x38;
	[tilespmem:$0x1A900] =	vst v63  }
0x100: {  	s7 =	sadd.s32 s0, s15;
	s30 =	simm.s32 $0x9600  }
0x101: {  	[hbm4b:s7+s28] =	stream.strided.scatter [tilespmem:s30], [sflag:$0x3], $0xC80, s29, s28, $0x38;
	[tilespmem:$0x1A900] =	vst v63  }
0x102: {  	s7 =	sadd.s32 s0, s14;
	s30 =	simm.s32 $0xA280  }
0x103: {  	[hbm4b:s7+s28] =	stream.strided.scatter [tilespmem:s30], [sflag:$0x3], $0xC80, s29, s28, $0x38;
	[tilespmem:$0x1A900] =	vst v63  }
0x104: {  	s7 =	sadd.s32 s0, s13;
	s30 =	simm.s32 $0xAF00  }
0x105: {  	[hbm4b:s7+s28] =	stream.strided.scatter [tilespmem:s30], [sflag:$0x3], $0xC80, s29, s28, $0x38;
	[tilespmem:$0x1A900] =	vst v63  }
0x106: {  	s7 =	sadd.s32 s0, s12;
	s30 =	simm.s32 $0xBB80  }
0x107: {  	[hbm4b:s7+s28] =	stream.strided.scatter [tilespmem:s30], [sflag:$0x3], $0xC80, s29, s28, $0x38;
	[tilespmem:$0x1A900] =	vst v63  }
0x108: {  	s7 =	sadd.s32 s0, s11;
	s30 =	simm.s32 $0xC800  }
0x109: {  	[hbm4b:s7+s28] =	stream.strided.scatter [tilespmem:s30], [sflag:$0x3], $0xC80, s29, s28, $0x38;
	[tilespmem:$0x1A900] =	vst v63  }
0x10a: {  	s7 =	sadd.s32 s0, s10;
	s30 =	simm.s32 $0xD480  }
0x10b: {  	[hbm4b:s7+s28] =	stream.strided.scatter [tilespmem:s30], [sflag:$0x3], $0xC80, s29, s28, $0x38;
	[tilespmem:$0x1A900] =	vst v63  }
0x10c: {  	s7 =	sshll.u32 s5, $0x4;
	s30 =	rddreg [dreg:$0x3]  }
0x10d: {  	s5 =	sadd.s32 s30, s7  }
0x10e: {  	_ =	swait.ge [sflag:s2], $0xC800;
	s6 =	smul.u32 $0x380, s5  }
0x10f: {  	[sflag:s2] =	ssyncset.done $0x0;
	s30 =	rddreg [dreg:$0x5]  }
0x110: {  	s5 =	smul.u32 $0x1C00, s5;
	[sflag:s2] =	ssyncadd.s32 $0xFFFF3800;
	s7 =	sadd.s32 s4, s6  }
0x111: {  	[hbm4b:s7+s28] =	stream.strided.scatter [tilespmem:s25], [sflag:$0x4], $0xC80, s29, s28, $0x38;
	[tilespmem:$0x1A900] =	vst v63  }
0x112: {  	s30 =	sadd.s32 s6, s30;
	s5 =	sshrl.u32 s5, $0x3;
	s7 =	simm.s32 $0xED80  }
0x113: {  	[hbm4b:s30+s28] =	stream.strided.scatter [tilespmem:s7], [sflag:$0x4], $0xC80, s29, s28, $0x38;
	[tilespmem:$0x1A900] =	vst v63  }
0x114: {  	s6 =	sadd.s32 s6, s8;
	s5 =	sadd.s32 s4, s5;
	s30 =	simm.s32 $0xFA00  }
0x115: {  	[hbm4b:s6+s28] =	stream.strided.scatter [tilespmem:s30], [sflag:$0x4], $0xC80, s29, s28, $0x38;
	[tilespmem:$0x1A900] =	vst v63  }
0x116: {  	s7 =	sadd.s32 $0xA80, s5;
	s30 =	simm.s32 $0x10680  }
0x117: {  	[hbm4b:s7+s28] =	stream.strided.scatter [tilespmem:s30], [sflag:$0x4], $0xC80, s29, s28, $0x38;
	[tilespmem:$0x1A900] =	vst v63  }
0x118: {  	s7 =	sadd.s32 $0xE00, s5;
	s30 =	simm.s32 $0x11300  }
0x119: {  	[hbm4b:s7+s28] =	stream.strided.scatter [tilespmem:s30], [sflag:$0x4], $0xC80, s29, s28, $0x38;
	[tilespmem:$0x1A900] =	vst v63  }
0x11a: {  	s7 =	sadd.s32 $0x1180, s5;
	s30 =	simm.s32 $0x11F80  }
0x11b: {  	[hbm4b:s7+s28] =	stream.strided.scatter [tilespmem:s30], [sflag:$0x4], $0xC80, s29, s28, $0x38;
	[tilespmem:$0x1A900] =	vst v63  }
0x11c: {  	s7 =	sadd.s32 $0x1500, s5;
	s30 =	simm.s32 $0x12C00  }
0x11d: {  	[hbm4b:s7+s28] =	stream.strided.scatter [tilespmem:s30], [sflag:$0x4], $0xC80, s29, s28, $0x38;
	[tilespmem:$0x1A900] =	vst v63  }
0x11e: {  	s7 =	sadd.s32 $0x1880, s5;
	s30 =	simm.s32 $0x13880  }
0x11f: {  	[hbm4b:s7+s28] =	stream.strided.scatter [tilespmem:s30], [sflag:$0x4], $0xC80, s29, s28, $0x38;
	[tilespmem:$0x1A900] =	vst v63  }
0x120: {  	s7 =	sadd.s32 $0x1C00, s5;
	s30 =	simm.s32 $0x14500  }
0x121: {  	[hbm4b:s7+s28] =	stream.strided.scatter [tilespmem:s30], [sflag:$0x4], $0xC80, s29, s28, $0x38;
	[tilespmem:$0x1A900] =	vst v63  }
0x122: {  	s7 =	sadd.s32 $0x1F80, s5;
	s30 =	simm.s32 $0x15180  }
0x123: {  	[hbm4b:s7+s28] =	stream.strided.scatter [tilespmem:s30], [sflag:$0x4], $0xC80, s29, s28, $0x38;
	[tilespmem:$0x1A900] =	vst v63  }
0x124: {  	s7 =	sadd.s32 $0x2300, s5;
	s30 =	simm.s32 $0x15E00  }
0x125: {  	[hbm4b:s7+s28] =	stream.strided.scatter [tilespmem:s30], [sflag:$0x4], $0xC80, s29, s28, $0x38;
	[tilespmem:$0x1A900] =	vst v63  }
0x126: {  	s7 =	sadd.s32 $0x2680, s5;
	s30 =	simm.s32 $0x16A80  }
0x127: {  	[hbm4b:s7+s28] =	stream.strided.scatter [tilespmem:s30], [sflag:$0x4], $0xC80, s29, s28, $0x38;
	[tilespmem:$0x1A900] =	vst v63  }
0x128: {  	s0 =	sadd.s32 $0x7000, s0;
	s7 =	sadd.s32 $0x2A00, s5;
	s30 =	simm.s32 $0x17700  }
0x129: {  	[hbm4b:s7+s28] =	stream.strided.scatter [tilespmem:s30], [sflag:$0x4], $0xC80, s29, s28, $0x38;
	[tilespmem:$0x1A900] =	vst v63  }
0x12a: {  	p0 =	sne.s32 s0, $0x1C000;
	s7 =	sadd.s32 $0x2D80, s5;
	s30 =	simm.s32 $0x18380  }
0x12b: {  	[hbm4b:s7+s28] =	stream.strided.scatter [tilespmem:s30], [sflag:$0x4], $0xC80, s29, s28, $0x38;
	[tilespmem:$0x1A900] =	vst v63  }
.Ltmp3:
0x12c: {  	_ = 	snop;
	(pc) =	sbr.rel @!p0 .LBB2_6-.Ltmp3, $4  }
0x12d: {  	s9 =	sadd.s32 $0x640, s9;
	s7 =	sadd.s32 $0x3100, s5;
	s30 =	simm.s32 $0x19000  }
0x12e: {  	[hbm4b:s7+s28] =	stream.strided.scatter [tilespmem:s30], [sflag:$0x4], $0xC80, s29, s28, $0x38;
	[tilespmem:$0x1A900] =	vst v63  }
0x12f: {  	s22 =	sadd.s32 $0x2, s22;
	s5 =	sadd.s32 $0x3480, s5;
	s30 =	simm.s32 $0x19C80  }
0x130: {  	[hbm4b:s5+s28] =	stream.strided.scatter [tilespmem:s30], [sflag:$0x4], $0xC80, s29, s28, $0x38;
	[tilespmem:$0x1A900] =	vst v63  }
.LBB2_2:
0x131: {  	p0 =	sne.s32 s0, $0x0  }
.Ltmp4:
0x132: {  	_ = 	snop;
	(pc) =	sbr.rel @p0 .LBB2_4-.Ltmp4, $1  }
0x133: {  	_ =	sdelay $0x3  }
.Ltmp5:
0x134: {  	(pc) =	sbr.rel .LBB2_5-.Ltmp5, $4  }
0x135: {  	_ = 	snop  }
0x136: {  	s5 =	simm.s32 $0x0  }
0x137: {  	[tilespmem:s24], [sflag:$0x1] =	stream.indirect.gather [hbm4b:s3+s23], $0x40, s5, s23, $0xb8;
	[tilespmem:$0x1A900] =	vst v63  }
0x138: {  	s5 =	simm.s32 $0x1  }
.LBB2_7:
0x139: {  	_ =	sfence.sel $0x180000  }
0x13a: {  	[bflag:$0x0] =	sbarrier.arrive $0xFFFF  }
0x13b: {  	_ =	strace $0x90000047  }
0x13c: {  	s0 =	stileid.u32;
	[bflag:$0x2] =	sbarrier.arrive $0xFFFF  }
0x13d: {  	p0 =	sne.s32 s0, $0x0;
	s0 =	rddreg [dreg:$0x1]  }
0x13e: {  	s0 =	sadd.s32 @!p0 $0x100000, s0  }
0x13f: {  	[sflag:s0] =	ssyncadd.tile.s32 @!p0 $0x1;
	_ =	shalt  }
.Lfunc_end2:
_tile_overlayer_lowered:
.L_overlay_start_2:
0x140: {  	(tag) =	ssettag $0x2  }
0x141: {  	s0 =	rddreg [dreg:$0x0];
	s2 =	stileid.u32  }
0x142: {  	s1 =	rddreg [dreg:$0x1];
	p0 =	sne.s32 s2, $0x0  }
0x143: {  	s3 =	rddreg [dreg:$0x2];
	[bflag:$0x3] =	sbarrier.arrive $0xFFFF;
	s2 =	simm.s32 @!p0 $0x1C05  }
0x144: {  	[timem:s3], [sflag:s2] =	dma.local @!p0 [hbm:s0], s1  }
0x145: {  	s0 =	simm.s32 @!p0 $0x5  }
0x146: {  	_ =	swait.ge @!p0 [sflag:s0], s1  }
0x147: {  	s1 =	ssub.s32 @!p0 $0x0, s1;
	[sflag:s0] =	ssyncset.done @!p0 $0x0  }
0x148: {  	[sflag:s0] =	ssyncadd.s32 @!p0 s1  }
0x149: {  	[bflag:$0x3] =	sbarrier.arrive $0xFFFF  }
0x14a: {  	_ =	shalt  }

// kernel: sparse-core-data-format-call.cloned.1.call-start
scs
called_computation_lowered:
.L_overlay_start_0:
0x0: {  	s2 =	sld [smem:$0x3FD9]  }
0x1: {  	s3 =	sld [smem:$0x3FFE];
	_ =	sdelay $0x1  }
0x2: {  	s1 =	srdreg.scid  }
0x3: {  	s0 =	sand.u32 $0x1, s1  }
0x4: {  	s18 =	sshll.u32 s0, $0xA;
	s2 =	sadd.s32 s3, s2  }
0x5: {  	s2 =	sadd.s32 s2, s18  }
0x6: {  	[smem:$0x3FC6] =	sst s2  }
0x7: {  	_ = 	snop  }
0x8: {  	s2 =	sld [smem:$0x3FD0];
	(tm) =	ssettm $0x1  }
0x9: {  	s19 =	sld [smem:$0x3FFB];
	_ =	sdelay $0x3  }
0xa: {  	_ =	strace s19  }
0xb: {  	s3 =	sld [smem:$0x3FFC];
	_ =	sdelay $0x3  }
0xc: {  	_ =	strace s3  }
0xd: {  	s3 =	sld [smem:$0x3FFD];
	_ =	sdelay $0x3  }
0xe: {  	_ =	strace s3  }
0xf: {  	_ =	strace $0x8FFFFFFF  }
0x10: {  	s20 =	sld [smem:$0x3FDB];
	_ =	sdelay $0x1  }
0x11: {  	s4 =	simm.s32 $_scs_section_size  }
0x12: {  	s5 =	simm.s32 $_size__tile_overlayer_lowered;
	s6 =	simm.s32 $_tile_overlayer_lowered  }
0x13: {  	s23 =	simm.s32 $0x1BFF;
	s22 =	sshll.u32 s6, $0x1;
	s3 =	sadd.s32 s4, s20  }
0x14: {  	s7 =	simm.s32 $0x0;
	s21 =	sshll.u32 s5, $0x1;
	s5 =	sadd.s32 s22, s3  }
0x15: {  	[timem:s7], [sflag:s23] =	dma.local [hbm:s5], s21  }
0x16: {  	_ =	swait.ge [sflag:s23], s21  }
0x17: {  	s4 =	ssub.s32 $0x0, s21;
	[sflag:s23] =	ssyncset.done $0x0  }
0x18: {  	[sflag:s23] =	ssyncadd.s32 s4;
	_ =	sdelay $0x1  }
0x19: {  	s24 =	simm.s32 $0x1B8B  }
0x1a: {  	_ =	swait.ge [sflag:s24], $0x1  }
0x1b: {  	[sflag:s24] =	ssyncset.done $0x0  }
0x1c: {  	s26 =	simm.s32 $0x1B8E;
	s25 =	sld [smem:$0x3FFE];
	[sflag:s24] =	ssyncadd.s32 $0xFFFFFFFF  }
0x1d: {  	s27 =	simm.s32 $execute0_lowered;
	[smem:$0x3FD2] =	sst s26  }
0x1e: {  	s5 =	sshll.u32 s27, $0x1;
	_ =	strace $0x80000049;
	[dreg:$0x1] =	wrdreg $0xFFFFFFFF  }
0x1f: {  	s28 =	simm.s32 $_size_execute0_lowered;
	s3 =	sadd.s32 s3, s5;
	[dreg:$0x0] =	wrdreg $0x0  }
0x20: {  	s5 =	sshll.u32 s28, $0x1;
	[dreg:$0x2] =	wrdreg s3  }
0x21: {  	[dreg:$0x3] =	wrdreg s5  }
0x22: {  	[dreg:$0x4] =	wrdreg $0xC0  }
0x23: {  	_ =	task [dreg:s7], $0x5FFFF  }
0x24: {  	[dreg:$0x1] =	wrdreg $0xFFFFFFFF  }
0x25: {  	[dreg:$0x0] =	wrdreg $0x60  }
0x26: {  	[dreg:$0x2] =	wrdreg s25  }
0x27: {  	[dreg:$0x3] =	wrdreg s2  }
0x28: {  	[dreg:$0x4] =	wrdreg $0x9  }
0x29: {  	_ =	task.clear_ibuf [dreg:s7], $0x5FFFF;
	_ =	strace $0x90000049  }
0x2a: {  	s29 =	simm.s32 $0x9;
	_ =	strace $0x8000004B  }
0x2b: {  	_ =	swait.ge [sflag:s29], $0x1  }
0x2c: {  	[sflag:s29] =	ssyncadd.s32 $0xFFFFFFFF  }
0x2d: {  	_ =	strace $0x9000004B  }
0x2e: {  	_ =	sfence  }
0x2f: {  	s30 =	sld [smem:$0x0];
	_ =	sdelay $0x2  }
0x30: {  	s31 =	sshll.u32 s1, $0xD;
	s1 =	sshrl.u32 s1, $0x2  }
0x31: {  	s3 =	sand.u32 $0x4000, s31;
	s1 =	sadd.s32 s1, s30  }
0x32: {  	s0 =	sor.u32 s3, s0;
	s1 =	sshll.u32 s1, $0x11  }
0x33: {  	s0 =	sor.u32 s1, s0  }
0x34: {  	s0 =	sadd.s32 $0x8F2B, s0  }
0x35: {  	[sflag:s0] =	ssyncadd.remote.s32 $0x1  }
0x36: {  	_ =	sfence.sel $0xFFFF  }
0x37: {  	[dreg:$0x0] =	wrdreg $0xFFFFFFFF;
	(pc) =	sbr.abs _section_cstart, $3  }
0x38: {  	[dreg:$0x1] =	wrdreg $0xFFFFFFFF  }
0x39: {  	_ =	task.clear_ibuf [dreg:s7], $0x2FFFF;
	_ =	strace $0x9FFFFFFF  }
0x3a: {  	(tm) =	ssettm $0x7FFFFFFF  }
0x3b: {  	_ =	shalt  }
tec
execute0_lowered:
.L_overlay_start_1:
0x0: {  	(tag) =	ssettag $0x1  }
0x1: {  	s0 =	srdreg.scid  }
0x2: {  	s1 =	sshll.u32 s0, $0x4  }
0x3: {  	s0 =	stileid.u32;
	s1 =	sand.u32 $0x10, s1  }
0x4: {  	s1 =	sor.u32 s0, s1  }
0x5: {  	s6 =	rddreg [dreg:$0x0];
	s4 =	simm.s32 $0x1;
	s2 =	sshll.u32 s1, $0x7  }
0x6: {  	s7 =	simm.s32 $0x2;
	s12 =	simm.s32 $0x0;
	s1 =	ssub.s32 $0x1000, s2  }
0x7: {  	s8 =	simm.s32 $0x8000;
	s13 =	simm.s32 $0x0;
	s3 =	sand.u32 $0xF80, s1  }
0x8: {  	s9 =	simm.s32 $0x0;
	s5 =	sshrl.u32 s1, $0xC;
	p0 =	sne.s32 s3, $0x0  }
.Ltmp0:
0x9: {  	s1 =	rddreg [dreg:$0x2];
	s4 =	simm.s32 @!p0 $0x0;
	(pc) =	sbr.rel .LBB1_1-.Ltmp0, $4  }
0xa: {  	s11 =	simm.s32 $0x0;
	s3 =	rddreg [dreg:$0x1];
	s5 =	sadd.s32 s4, s5  }
0xb: {  	_ =	strace $0x8000004A;
	s4 =	simm.s32 $0x1;
	s5 =	smul.u32 $0x32, s5  }
0xc: {  	s6 =	sadd.s32 $0xCA200, s6;
	s10 =	smov.u32 s2;
	[sflag:s4] =	ssyncpa.u1 $0x0  }
0xd: {  	p0 =	por $0x0, $0x0;
	[sflag:s7] =	ssyncpa.u1 $0x0;
	s7 =	sor.u32 $0x1, s5  }
.LBB1_4:
0xe: {  	s16 =	sshll.u32 s13, $0x3;
	s17 =	sand.u32 $0x78, s13  }
0xf: {  	s30 =	sand.u32 $0x7E00, s13;
	s12 =	sshll.u32 s12, $0xF;
	s16 =	sand.u32 $0xC00, s16  }
0x10: {  	[tilespmem:s15+$0x810 ss:$0x81] =	vst.msk $0xffff, v2;
	s31 =	sand.u32 $0x7, s13;
	s16 =	sor.u32 s17, s16;
	s17 =	sadd.s32 s3, s30  }
0x11: {  	[tilespmem:s15+$0x1020 ss:$0x81] =	vst.msk $0xffff, v0;
	s13 =	sshll.u32 s31, $0x12;
	s12 =	sadd.s32 s12, s17;
	s16 =	sshrl.u32 s16, $0x3  }
0x12: {  	[tilespmem:s15+$0x0 ss:$0x81] =	vst.msk $0xffff, v1;
	s13 =	sor.u32 $0x400, s13;
	s12 =	sadd.s32 s16, s12  }
0x13: {  	[hbm4b:s12+s13] =	stream.strided.scatter [tilespmem:s14], [sflag:$0x2], $0x2000, s8, s13, $0x20;
	[tilespmem:$0x8080] =	vst v63  }
.LBB1_5:
0x14: {  	s14 =	sadd.s32 $0x1, s9  }
0x15: {  	s12 =	sadd.s32 $0x1000, s10;
	s16 =	smov.u32 s10;
	p2 =	sgt.s32 s14, $0x31  }
0x16: {  	s16 =	smov.u32 @p2 s12  }
0x17: {  	s14 =	simm.s32 @p2 $0x0;
	p2 =	sgt.s32 s16, $0xFFF  }
0x18: {  	s16 =	smov.u32 @p2 s2;
	p2 =	sne.s32 s11, s7  }
.Ltmp1:
0x19: {  	p1 =	slt.u32 s11, $0x2;
	(pc) =	sbr.rel @!p2 .LBB1_6-.Ltmp1, $4  }
0x1a: {  	s15 =	simm.s32 @!p1 $0x2  }
0x1b: {  	s13 =	smov.u32 s10;
	p0 =	por !p0, !p0;
	_ =	swait.ge @!p1 [sflag:s15], $0x2000  }
0x1c: {  	s12 =	smov.u32 s9;
	[sflag:s15] =	ssyncset.done @!p1 $0x0;
	s9 =	smov.u32 s14  }
0x1d: {  	s11 =	sadd.s32 $0x1, s11;
	[sflag:s15] =	ssyncadd.s32 @!p1 $0xFFFFE000;
	s10 =	smov.u32 s16  }
.LBB1_1:
0x1e: {  	p1 =	sge.u32 s11, s5  }
0x1f: {  	s14 =	sand.u32 @!p1 $0x1FFFFFF, s9  }
0x20: {  	s15 =	smulhi.u32 @!p1 $0x4924925, s14;
	_ =	sdelay $0x1  }
0x21: {  	s15 =	smul.u32 @!p1 $0x38, s15  }
0x22: {  	s16 =	sxor.u32 @!p1 $0xFFFFFFFF, s11;
	s17 =	smul.u32 @!p1 $0x380, s10  }
0x23: {  	s31 =	sadd.s32 $0xFFFFFFFF, s11;
	s16 =	sshll.u32 @!p1 s16, $0xD;
	s14 =	ssub.s32 @!p1 s14, s15  }
0x24: {  	s15 =	sand.u32 @!p1 $0x2000, s16;
	s16 =	sadd.s32 @!p1 s6, s17;
	s14 =	sshll.u32 @!p1 s14, $0x4  }
0x25: {  	s17 =	simm.s32 @!p1 $0x1C00;
	s14 =	sadd.s32 @!p1 s14, s16;
	s16 =	simm.s32 @!p1 $0x40  }
0x26: {  	[tilespmem:s15], [sflag:$0x1] =	stream.strided.gather @!p1 [hbm4b:s14+s16], $0x2000, s17, s16, $0x38;
	[tilespmem:$0x8080] =	vst v63  }
0x27: {  	p1 =	sge.u32 s31, s5  }
.Ltmp2:
0x28: {  	_ = 	snop;
	(pc) =	sbr.rel @p1 .LBB1_5-.Ltmp2, $1  }
0x29: {  	_ =	sdelay $0x3  }
0x2a: {  	s14 =	simm.s32 $0x1  }
0x2b: {  	_ =	swait.ge [sflag:s4], $0x2000;
	s14 =	simm.s32 @!p0 $0x0  }
0x2c: {  	[sflag:s4] =	ssyncset.done $0x0;
	s15 =	sshll.u32 s14, $0xD  }
0x2d: {  	[sflag:s4] =	ssyncadd.s32 $0xFFFFE000;
	s18 =	sor.u32 $0x20, s15  }
0x2e: {  	s14 =	smul.u32 $0x8100, s14;
	v3 =	vld [tilespmem:s18+$0x10]  }
0x2f: {  	s30 =	sand.u32 $0x1, s11;
	v2 =	vld [tilespmem:s18+$0xFFFFFFF0]  }
0x30: {  	s15 =	smul.u32 $0x8100, s30;
	s14 =	sshrl.u32 s14, $0x2;
	v0 =	vld [tilespmem:s18+$0x0]  }
0x31: {  	v1 =	vld [tilespmem:s18+$0xFFFFFFE0];
	s16 =	sor.u32 $0x4000, s14  }
0x32: {  	s31 =	sshrl.u32 s15, $0x2;
	s15 =	sadd.s32 $0x0, s16  }
0x33: {  	s17 =	simm.s32 $0x4;
	s18 =	sadd.s32 $0x40, s18;
	s14 =	sor.u32 $0x4000, s31;
	[tilespmem:s15+$0x1830 ss:$0x81] =	vst.msk $0xffff, v3  }
.LBB1_3:
0x34: {  	v3 =	vld [tilespmem:s18+$0x10];
	p1 =	sne.s32 s17, $0x1FC;
	[tilespmem:s15+$0x810 ss:$0x81] =	vst.msk $0xffff, v2;
	s19 =	smov.u32 s17;
	s17 =	sadd.s32 $0x4, s17  }
.Ltmp3:
0x35: {  	v2 =	vld [tilespmem:s18+$0xFFFFFFF0];
	[tilespmem:s15+$0x1020 ss:$0x81] =	vst.msk $0xffff, v0;
	(pc) =	sbr.rel @p1 .LBB1_3-.Ltmp3, $4  }
0x36: {  	v0 =	vld [tilespmem:s18+$0x0];
	[tilespmem:s15+$0x0 ss:$0x81] =	vst.msk $0xffff, v1  }
0x37: {  	s15 =	sshra.s32 s19, $0x2;
	v1 =	vld [tilespmem:s18+$0xFFFFFFE0]  }
0x38: {  	s15 =	sadd.s32 s15, s16  }
0x39: {  	s18 =	sadd.s32 $0x40, s18;
	[tilespmem:s15+$0x1830 ss:$0x81] =	vst.msk $0xffff, v3  }
.Ltmp4:
0x3a: {  	_ = 	snop;
	(pc) =	sbr.rel .LBB1_4-.Ltmp4, $1  }
0x3b: {  	_ =	sdelay $0x3  }
.LBB1_6:
0x3c: {  	_ =	sfence.sel $0x180000  }
0x3d: {  	s2 =	simm.s32 $0x1;
	[bflag:$0x0] =	sbarrier.arrive $0xFFFF  }
0x3e: {  	s31 =	simm.s32 $0x2;
	[sflag:s2] =	ssyncpa.u1 $0x1  }
0x3f: {  	[sflag:s31] =	ssyncpa.u1 $0x1  }
0x40: {  	p0 =	sne.s32 s0, $0x0;
	_ =	strace $0x9000004A  }
0x41: {  	s0 =	sadd.s32 @!p0 $0x100000, s1;
	[bflag:$0x2] =	sbarrier.arrive $0xFFFF  }
0x42: {  	[sflag:s0] =	ssyncadd.tile.s32 @!p0 $0x1;
	_ =	shalt  }
.Lfunc_end1:
_tile_overlayer_lowered:
.L_overlay_start_2:
0x43: {  	(tag) =	ssettag $0x2  }
0x44: {  	s0 =	rddreg [dreg:$0x0];
	s2 =	stileid.u32  }
0x45: {  	s1 =	rddreg [dreg:$0x1];
	p0 =	sne.s32 s2, $0x0  }
0x46: {  	s3 =	rddreg [dreg:$0x2];
	[bflag:$0x3] =	sbarrier.arrive $0xFFFF;
	s2 =	simm.s32 @!p0 $0x1C01  }
0x47: {  	[timem:s3], [sflag:s2] =	dma.local @!p0 [hbm:s0], s1  }
0x48: {  	s0 =	simm.s32 @!p0 $0x1  }
0x49: {  	_ =	swait.ge @!p0 [sflag:s0], s1  }
0x4a: {  	s1 =	ssub.s32 @!p0 $0x0, s1;
	[sflag:s0] =	ssyncset.done @!p0 $0x0  }
0x4b: {  	[sflag:s0] =	ssyncadd.s32 @!p0 s1  }
0x4c: {  	[bflag:$0x3] =	sbarrier.arrive $0xFFFF  }
0x4d: {  	_ =	shalt  }

</sc_bundles>
